<compile_context>
chip_gen: v7x
topology: tpu7x:2x2x1
jax: 0.10.2.dev20260603
libtpu: 0.0.44.dev20260713+nightly
codegen_flags: <defaults>
</compile_context>

<pallas_src>
import functools

import jax
import jax.numpy as jnp
from jax import lax
from jax.experimental import pallas as pl
from jax.experimental.pallas import tpu as pltpu
import jax.experimental.pallas.tpu_sc as plsc

INPUT_DIM = 128
HIDDEN = 32
POS_DIM = 4 * HIDDEN
N_QUERY = 10000
N_EDGES = 160000
SEQLEN = 32768

NC, NS = 2, 16
NW = NC * NS
CHUNK = 128
CHUNKS_PER_W = 5120 // CHUNK
E_PAD = NW * CHUNKS_PER_W * CHUNK
ROWS_PER_W = E_PAD // NW
H3W = 128
NROW = 10240
ROWS_PER_TILE = NROW // NS

MLP_BLK = 1024
FIN_BLK = 1000


def _gelu(x):
    return 0.5 * x * (1.0 + lax.erf(x * 0.7071067811865476))


def _pos_body(qp_ref, o_ref):
    k32 = lax.broadcasted_iota(jnp.int32, o_ref.shape, 1) % 32
    i = (k32 % 16).astype(jnp.float32)
    omega = jnp.exp(i * (-2.0 / 32.0 * jnp.log(10000.0)))
    ph = qp_ref[...] * omega
    o_ref[...] = jnp.where(k32 < 16, jnp.sin(ph), jnp.cos(ph))


def _pos_embed(qp_exp):
    return pl.pallas_call(
        _pos_body,
        out_shape=jax.ShapeDtypeStruct((N_QUERY, POS_DIM), jnp.float32),
    )(qp_exp)


NBUF = 2
PACKW = 128
PAIR_CHUNKS = 2 * CHUNKS_PER_W
NF = 58
PAIR_ROWS = PAIR_CHUNKS * CHUNK


def _gather_body(xf_hbm, pos_hbm, gidx_hbm, qidx_hbm, outa_hbm, outb_hbm,
                 gi_v, qi_v, ra_v, rb_v, gsem0, gsem1, wsem0, wsem1):
    gsem = [gsem0, gsem1]
    wsem = [wsem0, wsem1]
    cid = lax.axis_index("c")
    sid = lax.axis_index("s")
    wbase = sid * PAIR_ROWS + jnp.where(cid == 0, 0, NF * CHUNK)
    ntrips = jnp.where(cid == 0, NF, PAIR_CHUNKS - NF)

    @pl.when(cid == 0)
    def _():
        pltpu.sync_copy(gidx_hbm.at[pl.ds(wbase, NF * CHUNK)],
                        gi_v.at[pl.ds(0, NF * CHUNK)])
        pltpu.sync_copy(qidx_hbm.at[pl.ds(wbase, NF * CHUNK)],
                        qi_v.at[pl.ds(0, NF * CHUNK)])

    @pl.when(cid == 1)
    def _():
        pltpu.sync_copy(gidx_hbm.at[pl.ds(wbase, (PAIR_CHUNKS - NF) * CHUNK)],
                        gi_v.at[pl.ds(0, (PAIR_CHUNKS - NF) * CHUNK)])
        pltpu.sync_copy(qidx_hbm.at[pl.ds(wbase, (PAIR_CHUNKS - NF) * CHUNK)],
                        qi_v.at[pl.ds(0, (PAIR_CHUNKS - NF) * CHUNK)])

    def g_copies(c, b):
        sl = pl.ds(c * CHUNK, CHUNK)
        return (pltpu.make_async_copy(xf_hbm.at[gi_v.at[sl]], ra_v.at[b],
                                      gsem[b]),
                pltpu.make_async_copy(pos_hbm.at[qi_v.at[sl]], rb_v.at[b],
                                      gsem[b]))

    def w_copies(c, b):
        sl = pl.ds(wbase + c * CHUNK, CHUNK)
        return (pltpu.make_async_copy(ra_v.at[b], outa_hbm.at[sl], wsem[b]),
                pltpu.make_async_copy(rb_v.at[b], outb_hbm.at[sl], wsem[b]))

    def start(c, b):
        for cp in g_copies(c, b):
            cp.start()

    def drain_gather(c, b):
        for cp in g_copies(c, b):
            cp.wait()

    def writeback(c, b):
        for cp in w_copies(c, b):
            cp.start()

    def drain_write(c, b):
        for cp in w_copies(c, b):
            cp.wait()

    for b in range(NBUF):
        start(b, b)

    def step(i, _):
        for b in range(NBUF):
            c = i * NBUF + b
            drain_gather(c, b)
            writeback(c, b)

            @pl.when(c + NBUF < ntrips)
            def _():
                drain_write(c, b)
                start(c + NBUF, b)

        return 0

    lax.fori_loop(0, ntrips // NBUF, step, 0)
    for b in range(NBUF):
        drain_write(ntrips - NBUF + b, b)


@functools.cache
def _gather():
    return pl.kernel(
        _gather_body,
        out_type=(jax.ShapeDtypeStruct((E_PAD, PACKW), jnp.float32),
                  jax.ShapeDtypeStruct((E_PAD, PACKW), jnp.float32)),
        mesh=plsc.VectorSubcoreMesh(core_axis_name="c", subcore_axis_name="s",
                                    num_cores=NC, num_subcores=NS),
        scratch_types=[
            pltpu.VMEM((NF * CHUNK,), jnp.int32),
            pltpu.VMEM((NF * CHUNK,), jnp.int32),
            pltpu.VMEM((NBUF, CHUNK, PACKW), jnp.float32),
            pltpu.VMEM((NBUF, CHUNK, PACKW), jnp.float32),
        ] + [pltpu.SemaphoreType.DMA] * (2 * NBUF),
        compiler_params=pltpu.CompilerParams(use_tc_tiling_on_sc=False),
    )


def _mlp_body(a_ref, b_ref, w1a_ref, w1b_ref, b1_ref,
              w2_ref, b2_ref, w3_ref, b3_ref, o_ref):
    h = jnp.dot(a_ref[...], w1a_ref[...], preferred_element_type=jnp.float32)
    h = h + jnp.dot(b_ref[...], w1b_ref[...],
                    preferred_element_type=jnp.float32)
    h = _gelu(h + b1_ref[...])
    h = _gelu(jnp.dot(h, w2_ref[...], preferred_element_type=jnp.float32)
              + b2_ref[...])
    h = jnp.dot(h, w3_ref[...], preferred_element_type=jnp.float32) + b3_ref[...]
    o_ref[...] = h


def _edge_mlp(h0a, h0b, w1s, b1, W2, b2, W3, b3):
    nblk = E_PAD // MLP_BLK
    full = lambda shape: pl.BlockSpec(shape, lambda i: (0, 0))
    return pl.pallas_call(
        _mlp_body,
        grid=(nblk,),
        in_specs=[
            pl.BlockSpec((MLP_BLK, PACKW), lambda i: (i, 0)),
            pl.BlockSpec((MLP_BLK, PACKW), lambda i: (i, 0)),
            full((INPUT_DIM, 512)), full((POS_DIM, 512)), full((1, 512)),
            full((512, 256)), full((1, 256)),
            full((256, 128)), full((1, 128)),
        ],
        out_specs=pl.BlockSpec((MLP_BLK, H3W), lambda i: (i, 0)),
        out_shape=jax.ShapeDtypeStruct((E_PAD, H3W), jnp.float32),
    )(h0a, h0b, *w1s, b1, W2, b2, W3, b3)


CROWS = NROW // 128
CROWS_PER_TILE = 8


SNBUF = 2


def _scatter_body(h3_hbm, qidx_hbm, zeros_hbm, sums_hbm, cnt_hbm,
                  qi_v, rows_v, cnt2_v, ridx_v, acc_sh, cntacc_sh,
                  fsem0, fsem1, asem0, asem1):
    fsem = [fsem0, fsem1]
    asem = [asem0, asem1]
    cid = lax.axis_index("c")
    sid = lax.axis_index("s")
    wid = sid * NC + cid
    wbase = wid * ROWS_PER_W
    my = pl.ds(sid * ROWS_PER_TILE, ROWS_PER_TILE)
    myc = pl.ds(sid * CROWS_PER_TILE, CROWS_PER_TILE)
    pltpu.sync_copy(zeros_hbm, acc_sh.at[my])
    pltpu.sync_copy(zeros_hbm.at[pl.ds(0, CROWS)], cnt2_v)

    @pl.when(sid < CROWS // CROWS_PER_TILE)
    def _():
        pltpu.sync_copy(zeros_hbm.at[pl.ds(0, CROWS_PER_TILE)],
                        cntacc_sh.at[myc])
    for j in range(CROWS // 16):
        ridx_v[pl.ds(j * 16, 16)] = lax.iota(jnp.int32, 16) + (j * 16)
    plsc.subcore_barrier()
    ones16 = jnp.ones((16,), jnp.float32)

    def f_copies(c, b):
        sl = pl.ds(wbase + c * CHUNK, CHUNK)
        return (pltpu.make_async_copy(qidx_hbm.at[sl], qi_v.at[b], fsem[b]),
                pltpu.make_async_copy(h3_hbm.at[sl], rows_v.at[b], fsem[b]))

    def a_copy(b):
        return pltpu.async_copy(rows_v.at[b], acc_sh.at[qi_v.at[b]], asem[b],
                                add=True)

    def a_waiter(b):
        pltpu.make_async_copy(rows_v.at[b], acc_sh.at[qi_v.at[b]],
                              asem[b]).wait()

    for b in range(SNBUF):
        for cp in f_copies(b, b):
            cp.start()

    def step(i, _):
        for b in range(SNBUF):
            c = i * SNBUF + b
            for cp in f_copies(c, b):
                cp.wait()
            a_copy(b)
            for j in range(CHUNK // 16):
                idx16 = qi_v[b, pl.ds(j * 16, 16)]
                plsc.addupdate_scatter(
                    cnt2_v, [lax.shift_right_logical(idx16, 7),
                             lax.bitwise_and(idx16, 127)], ones16)

            @pl.when(c + SNBUF < CHUNKS_PER_W)
            def _():
                a_waiter(b)
                for cp in f_copies(c + SNBUF, b):
                    cp.start()

        return 0

    lax.fori_loop(0, CHUNKS_PER_W // SNBUF, step, 0)
    for b in range(SNBUF):
        a_waiter(b)
    pltpu.sync_copy(cnt2_v, cntacc_sh.at[ridx_v], add=True)
    plsc.subcore_barrier()
    pltpu.sync_copy(acc_sh.at[my], sums_hbm.at[cid].at[my])

    @pl.when(sid < CROWS // CROWS_PER_TILE)
    def _():
        pltpu.sync_copy(cntacc_sh.at[myc], cnt_hbm.at[cid].at[myc])


@functools.cache
def _scatter():
    return pl.kernel(
        _scatter_body,
        out_type=(jax.ShapeDtypeStruct((NC, NROW, H3W), jnp.float32),
                  jax.ShapeDtypeStruct((NC, CROWS, 128), jnp.float32)),
        mesh=plsc.VectorSubcoreMesh(core_axis_name="c", subcore_axis_name="s",
                                    num_cores=NC, num_subcores=NS),
        scratch_types=[
            pltpu.VMEM((SNBUF, CHUNK), jnp.int32),
            pltpu.VMEM((SNBUF, CHUNK, H3W), jnp.float32),
            pltpu.VMEM((CROWS, 128), jnp.float32),
            pltpu.VMEM((CROWS,), jnp.int32),
            pltpu.VMEM_SHARED((NROW, H3W), jnp.float32),
            pltpu.VMEM_SHARED((CROWS, 128), jnp.float32),
            pltpu.SemaphoreType.DMA,
            pltpu.SemaphoreType.DMA,
            pltpu.SemaphoreType.DMA,
            pltpu.SemaphoreType.DMA,
        ],
        compiler_params=pltpu.CompilerParams(needs_layout_passes=False),
    )


def _fin_body(p0_ref, p1_ref, c0_ref, c1_ref, P1_ref, pb1_ref, P2_ref,
              pb2_ref, o_ref):
    sums = p0_ref[...] + p1_ref[...]
    cnt = c0_ref[...] + c1_ref[...]
    mean = jnp.where(cnt > 0, sums / jnp.maximum(cnt, 1.0), 0.0)
    h = _gelu(jnp.dot(mean, P1_ref[...], preferred_element_type=jnp.float32)
              + pb1_ref[...])
    o_ref[...] = (jnp.dot(h, P2_ref[...], preferred_element_type=jnp.float32)
                  + pb2_ref[...])


def _finalize(p0, p1, c0, c1, P1, pb1, P2, pb2):
    nblk = N_QUERY // FIN_BLK
    full = lambda shape: pl.BlockSpec(shape, lambda i: (0, 0))
    return pl.pallas_call(
        _fin_body,
        grid=(nblk,),
        in_specs=[
            pl.BlockSpec((FIN_BLK, H3W), lambda i: (i, 0)),
            pl.BlockSpec((FIN_BLK, H3W), lambda i: (i, 0)),
            pl.BlockSpec((FIN_BLK, 1), lambda i: (i, 0)),
            pl.BlockSpec((FIN_BLK, 1), lambda i: (i, 0)),
            full((128, 256)), full((1, 256)), full((256, 4)), full((1, 4)),
        ],
        out_specs=pl.BlockSpec((FIN_BLK, 4), lambda i: (i, 0)),
        out_shape=jax.ShapeDtypeStruct((N_QUERY, 4), jnp.float32),
    )(p0, p1, c0, c1, P1, pb1, P2, pb2)


def kernel(x, query_pos, grid_to_query_edges, W1, b1, W2, b2, W3, b3,
           P1, pb1, P2, pb2):
    xf = x.reshape(-1, x.shape[-1])
    qp = query_pos / 100.0 - 1.0
    qp4 = jnp.concatenate([qp, jnp.ones((N_QUERY, 1), qp.dtype)], axis=1)
    qp_exp = jnp.repeat(qp4, 32, axis=1)

    pos = _pos_embed(qp_exp)

    pad = E_PAD - N_EDGES
    qidx = grid_to_query_edges[:, 0]
    gidx_p = jnp.concatenate([grid_to_query_edges[:, 1],
                              jnp.zeros((pad,), jnp.int32)])
    qidx_g = jnp.concatenate([qidx, jnp.zeros((pad,), jnp.int32)])
    qidx_s = jnp.concatenate([qidx, jnp.full((pad,), N_QUERY, jnp.int32)])

    h0a, h0b = _gather()(xf, pos, gidx_p, qidx_g)

    w1s = (W1[:INPUT_DIM], W1[INPUT_DIM:])
    h3 = _edge_mlp(h0a, h0b, w1s,
                   b1.reshape(1, -1), W2, b2.reshape(1, -1),
                   W3, b3.reshape(1, -1))

    zeros = jnp.zeros((ROWS_PER_TILE, H3W), jnp.float32)
    sums_p, cnt_p = _scatter()(h3, qidx_s, zeros)

    return _finalize(sums_p[0], sums_p[1],
                     cnt_p[0].reshape(NROW, 1), cnt_p[1].reshape(NROW, 1),
                     P1, pb1.reshape(1, -1), P2, pb2.reshape(1, -1))

# --- scband reference (transcript-rebuilt; emitter-appended) ---
"""Pipeline reference for scband-rans-gino-grid-to-mesh-og-49744311222693 (READ-ONLY COPY).

The authoritative reference and input builder live on the scoring server;
editing this copy changes nothing except your own understanding.
"""

import jax, jax.numpy as jnp
import numpy as np

INPUT_DIM = 128
HIDDEN_DIM = 32
BOTTLENECK_DIM = 128
OUTPUT_DIM = 4
N_QUERY = 10000
N_EDGES = 160000
SEQLEN = 32768


def _linear_params(k, fan_in, fan_out):
    kw, kb = jax.random.split(k)
    bound = 1.0 / np.sqrt(fan_in)
    W = jax.random.uniform(kw, (fan_in, fan_out), minval=-bound, maxval=bound, dtype=jnp.float32)
    b = jax.random.uniform(kb, (fan_out,), minval=-bound, maxval=bound, dtype=jnp.float32)
    return W, b


def setup_inputs(seed: int = 0) -> dict:
    key = jax.random.key(seed)
    ks = jax.random.split(key, 8)
    x = jax.random.normal(ks[0], (1, SEQLEN, INPUT_DIM), dtype=jnp.float32)
    query_pos = jax.random.uniform(ks[1], (N_QUERY, 3), dtype=jnp.float32)
    grid_to_query_edges = jax.random.randint(ks[2], (N_EDGES, 2), 0, N_QUERY, dtype=jnp.int32)
    msg_in = INPUT_DIM + 4 * HIDDEN_DIM
    W1, b1 = _linear_params(ks[3], msg_in, 512)
    W2, b2 = _linear_params(ks[4], 512, 256)
    W3, b3 = _linear_params(ks[5], 256, BOTTLENECK_DIM)
    P1, pb1 = _linear_params(ks[6], BOTTLENECK_DIM, 256)
    P2, pb2 = _linear_params(ks[7], 256, OUTPUT_DIM)
    return {"x": x, "query_pos": query_pos, "grid_to_query_edges": grid_to_query_edges,
            "W1": W1, "b1": b1, "W2": W2, "b2": b2, "W3": W3, "b3": b3,
            "P1": P1, "pb1": pb1, "P2": P2, "pb2": pb2}


def _sincos_embed(coords):
    # ContinuousSincosEmbed(dim=4*HIDDEN_DIM, ndim=4): dim_per_ndim = HIDDEN_DIM (even -> no padding)
    eff = HIDDEN_DIM
    omega = 1.0 / (10000.0 ** (jnp.arange(0, eff, 2, dtype=jnp.float32) / eff))
    out = coords[..., None] * omega[None, None, :]
    emb = jnp.concatenate([jnp.sin(out), jnp.cos(out)], axis=-1)
    return emb.reshape(emb.shape[0], -1)


def reference(x, query_pos, grid_to_query_edges, W1, b1, W2, b2, W3, b3, P1, pb1, P2, pb2):
    qp = query_pos / 100.0 - 1.0
    xf = x.reshape(-1, x.shape[-1])
    ones = jnp.ones((qp.shape[0], 1), dtype=qp.dtype)
    qp = jnp.concatenate([qp, ones], axis=1)
    pos = _sincos_embed(qp)
    query_idx = grid_to_query_edges[:, 0]
    grid_idx = grid_to_query_edges[:, 1]
    h = jnp.concatenate([jnp.take(xf, grid_idx, axis=0), jnp.take(pos, query_idx, axis=0)], axis=1)
    h = jax.nn.gelu(h @ W1 + b1, approximate=False)
    h = jax.nn.gelu(h @ W2 + b2, approximate=False)
    h = h @ W3 + b3
    sums = jax.ops.segment_sum(h, query_idx, num_segments=N_QUERY)
    counts = jnp.bincount(query_idx, length=N_QUERY).astype(h.dtype)
    mean = jnp.where(counts[:, None] > 0, sums / jnp.maximum(counts, 1.0)[:, None], 0.0)
    out = jax.nn.gelu(mean @ P1 + pb1, approximate=False) @ P2 + pb2
    return out

if __name__ == "__main__":
    import jax
    _d = setup_inputs()
    print(jax.jit(kernel)(*tuple(_d.values())))

</pallas_src>

<mosaic_0001>
#map = affine_map<(d0, d1) -> (0, 0)>
#map1 = affine_map<(d0, d1) -> (0)>
#map2 = affine_map<(d0, d1) -> (0, 0, 0)>
module attributes {stable_mosaic.version = 14 : i64} {
  func.func @_scatter_body(%arg0: i32, %arg1: i32, %arg2: memref<163840x128xf32, #tpu.memory_space<hbm>>, %arg3: memref<163840xi32, #tpu.memory_space<hbm>>, %arg4: memref<640x128xf32, #tpu.memory_space<hbm>>, %arg5: memref<2x10240x128xf32, #tpu.memory_space<hbm>>, %arg6: memref<2x80x128xf32, #tpu.memory_space<hbm>>, %arg7: memref<2x128xi32, #tpu.memory_space<vmem>>, %arg8: memref<2x128x128xf32, #tpu.memory_space<vmem>>, %arg9: memref<80x128xf32, #tpu.memory_space<vmem>>, %arg10: memref<80xi32, #tpu.memory_space<vmem>>, %arg11: memref<10240x128xf32, #tpu.memory_space<vmem_shared>>, %arg12: memref<80x128xf32, #tpu.memory_space<vmem_shared>>, %arg13: memref<!tpu.dma_semaphore, #tpu.memory_space<semaphore_mem>>, %arg14: memref<!tpu.dma_semaphore, #tpu.memory_space<semaphore_mem>>, %arg15: memref<!tpu.dma_semaphore, #tpu.memory_space<semaphore_mem>>, %arg16: memref<!tpu.dma_semaphore, #tpu.memory_space<semaphore_mem>>) attributes {dimension_semantics = [#tpu.dimension_semantics<core_parallel>, #tpu.dimension_semantics<subcore_parallel>], iteration_bounds = array<i64: 2, 16>, scalar_prefetch = 0 : i64, scratch_operands = 10 : i64, tpu.core_type = #tpu.core_type<sc_vector_subcore>, window_params = [{transform_indices = #map}, {transform_indices = #map1}, {transform_indices = #map}, {transform_indices = #map2}, {transform_indices = #map2}]} {
    %mul3A = arith.constant 2 : i32
    %mul3A_0 = arith.muli %arg1, %mul3A : i32
    %add3A = arith.addi %mul3A_0, %arg0 : i32
    %mul3A_1 = arith.constant 5120 : i32
    %mul3A_2 = arith.muli %add3A, %mul3A_1 : i32
    %mul3A_3 = arith.constant 640 : i32
    %mul3A_4 = arith.muli %arg1, %mul3A_3 : i32
    %mul3A_5 = arith.constant 8 : i32
    %mul3A_6 = arith.muli %arg1, %mul3A_5 : i32
    "tpu.region"() ({
      %run_scoped3A = tpu.sem_alloc : memref<!tpu.dma_semaphore, #tpu.memory_space<semaphore_mem>>
      %dma_start3A_120 = arith.constant 0 : i32
      %dma_start3A_121 = tpu.memref_slice %arg11[%mul3A_4, %dma_start3A_120] : memref<10240x128xf32, #tpu.memory_space<vmem_shared>> -> memref<640x128xf32, #tpu.memory_space<vmem_shared>>
      tpu.enqueue_dma source(%arg4 : memref<640x128xf32, #tpu.memory_space<hbm>>) target(%dma_start3A_121 : memref<640x128xf32, #tpu.memory_space<vmem_shared>>) target_semaphore(%run_scoped3A : memref<!tpu.dma_semaphore, #tpu.memory_space<semaphore_mem>>)
      %dma_wait3A_122 = arith.constant 0 : i32
      %dma_wait3A_123 = tpu.memref_slice %arg11[%mul3A_4, %dma_wait3A_122] : memref<10240x128xf32, #tpu.memory_space<vmem_shared>> -> memref<640x128xf32, #tpu.memory_space<vmem_shared>>
      tpu.wait_dma2 semaphore(%run_scoped3A : memref<!tpu.dma_semaphore, #tpu.memory_space<semaphore_mem>>) src(%arg4 : memref<640x128xf32, #tpu.memory_space<hbm>>) dst(%dma_wait3A_123 : memref<640x128xf32, #tpu.memory_space<vmem_shared>>)
      tpu.yield
    }) : () -> ()
    "tpu.region"() ({
      %run_scoped3A = tpu.sem_alloc : memref<!tpu.dma_semaphore, #tpu.memory_space<semaphore_mem>>
      %dma_start3A_120 = arith.constant 0 : i32
      %dma_start3A_121 = arith.constant 0 : i32
      %dma_start3A_122 = tpu.memref_slice %arg4[%dma_start3A_120, %dma_start3A_121] : memref<640x128xf32, #tpu.memory_space<hbm>> -> memref<80x128xf32, #tpu.memory_space<hbm>>
      %dma_start3A_123 = arith.constant 0 : i32
      %dma_start3A_124 = arith.constant 0 : i32
      %dma_start3A_125 = tpu.memref_slice %arg4[%dma_start3A_123, %dma_start3A_124] : memref<640x128xf32, #tpu.memory_space<hbm>> -> memref<80x128xf32, #tpu.memory_space<hbm>>
      tpu.enqueue_dma source(%dma_start3A_125 : memref<80x128xf32, #tpu.memory_space<hbm>>) target(%arg9 : memref<80x128xf32, #tpu.memory_space<vmem>>) target_semaphore(%run_scoped3A : memref<!tpu.dma_semaphore, #tpu.memory_space<semaphore_mem>>)
      %dma_wait3A_126 = arith.constant 0 : i32
      %dma_wait3A_127 = arith.constant 0 : i32
      %dma_wait3A_128 = tpu.memref_slice %arg4[%dma_wait3A_126, %dma_wait3A_127] : memref<640x128xf32, #tpu.memory_space<hbm>> -> memref<80x128xf32, #tpu.memory_space<hbm>>
      %dma_wait3A_129 = arith.constant 0 : i32
      %dma_wait3A_130 = arith.constant 0 : i32
      %dma_wait3A_131 = tpu.memref_slice %arg4[%dma_wait3A_129, %dma_wait3A_130] : memref<640x128xf32, #tpu.memory_space<hbm>> -> memref<80x128xf32, #tpu.memory_space<hbm>>
      tpu.wait_dma2 semaphore(%run_scoped3A : memref<!tpu.dma_semaphore, #tpu.memory_space<semaphore_mem>>) src(%dma_wait3A_131 : memref<80x128xf32, #tpu.memory_space<hbm>>) dst(%arg9 : memref<80x128xf32, #tpu.memory_space<vmem>>)
      tpu.yield
    }) : () -> ()
    %lt3A = arith.constant 10 : i32
    %lt3A_7 = arith.cmpi slt, %arg1, %lt3A : i32
    %convert_element_type3A = arith.extui %lt3A_7 : i1 to i32
    %cond3A = arith.constant 0 : i32
    %cond3A_8 = arith.cmpi ne, %convert_element_type3A, %cond3A : i32
    scf.if %cond3A_8 {
      "tpu.region"() ({
        %run_scoped3A = tpu.sem_alloc : memref<!tpu.dma_semaphore, #tpu.memory_space<semaphore_mem>>
        %dma_start3A_120 = arith.constant 0 : i32
        %dma_start3A_121 = tpu.memref_slice %arg12[%mul3A_6, %dma_start3A_120] : memref<80x128xf32, #tpu.memory_space<vmem_shared>> -> memref<8x128xf32, #tpu.memory_space<vmem_shared>>
        %dma_start3A_122 = arith.constant 0 : i32
        %dma_start3A_123 = arith.constant 0 : i32
        %dma_start3A_124 = tpu.memref_slice %arg4[%dma_start3A_122, %dma_start3A_123] : memref<640x128xf32, #tpu.memory_space<hbm>> -> memref<8x128xf32, #tpu.memory_space<hbm>>
        tpu.enqueue_dma source(%dma_start3A_124 : memref<8x128xf32, #tpu.memory_space<hbm>>) target(%dma_start3A_121 : memref<8x128xf32, #tpu.memory_space<vmem_shared>>) target_semaphore(%run_scoped3A : memref<!tpu.dma_semaphore, #tpu.memory_space<semaphore_mem>>)
        %dma_wait3A_125 = arith.constant 0 : i32
        %dma_wait3A_126 = tpu.memref_slice %arg12[%mul3A_6, %dma_wait3A_125] : memref<80x128xf32, #tpu.memory_space<vmem_shared>> -> memref<8x128xf32, #tpu.memory_space<vmem_shared>>
        %dma_wait3A_127 = arith.constant 0 : i32
        %dma_wait3A_128 = arith.constant 0 : i32
        %dma_wait3A_129 = tpu.memref_slice %arg4[%dma_wait3A_127, %dma_wait3A_128] : memref<640x128xf32, #tpu.memory_space<hbm>> -> memref<8x128xf32, #tpu.memory_space<hbm>>
        tpu.wait_dma2 semaphore(%run_scoped3A : memref<!tpu.dma_semaphore, #tpu.memory_space<semaphore_mem>>) src(%dma_wait3A_129 : memref<8x128xf32, #tpu.memory_space<hbm>>) dst(%dma_wait3A_126 : memref<8x128xf32, #tpu.memory_space<vmem_shared>>)
        tpu.yield
      }) : () -> ()
    } else {
    }
    %iota3A = tpu.iota {dimensions = array<i32: 0>} : vector<16xi32>
    %add3A_9 = arith.constant 0 : i32
    %add3A_10 = vector.broadcast %add3A_9 : i32 to vector<16xi32>
    %add3A_11 = arith.addi %iota3A, %add3A_10 : vector<16xi32>
    %swap3A = arith.constant 0 : index
    %swap3A_12 = tpu.vector_load %arg10[%swap3A] {strides = array<i32>} : memref<80xi32, #tpu.memory_space<vmem>>, vector<16xi32>,
    tpu.vector_store %arg10[%swap3A], %add3A_11 {strides = array<i32>} : memref<80xi32, #tpu.memory_space<vmem>>, vector<16xi32>,
    %iota3A_13 = tpu.iota {dimensions = array<i32: 0>} : vector<16xi32>
    %add3A_14 = arith.constant 16 : i32
    %add3A_15 = vector.broadcast %add3A_14 : i32 to vector<16xi32>
    %add3A_16 = arith.addi %iota3A_13, %add3A_15 : vector<16xi32>
    %swap3A_17 = arith.constant 16 : index
    %swap3A_18 = tpu.vector_load %arg10[%swap3A_17] {strides = array<i32>} : memref<80xi32, #tpu.memory_space<vmem>>, vector<16xi32>,
    tpu.vector_store %arg10[%swap3A_17], %add3A_16 {strides = array<i32>} : memref<80xi32, #tpu.memory_space<vmem>>, vector<16xi32>,
    %iota3A_19 = tpu.iota {dimensions = array<i32: 0>} : vector<16xi32>
    %add3A_20 = arith.constant 32 : i32
    %add3A_21 = vector.broadcast %add3A_20 : i32 to vector<16xi32>
    %add3A_22 = arith.addi %iota3A_19, %add3A_21 : vector<16xi32>
    %swap3A_23 = arith.constant 32 : index
    %swap3A_24 = tpu.vector_load %arg10[%swap3A_23] {strides = array<i32>} : memref<80xi32, #tpu.memory_space<vmem>>, vector<16xi32>,
    tpu.vector_store %arg10[%swap3A_23], %add3A_22 {strides = array<i32>} : memref<80xi32, #tpu.memory_space<vmem>>, vector<16xi32>,
    %iota3A_25 = tpu.iota {dimensions = array<i32: 0>} : vector<16xi32>
    %add3A_26 = arith.constant 48 : i32
    %add3A_27 = vector.broadcast %add3A_26 : i32 to vector<16xi32>
    %add3A_28 = arith.addi %iota3A_25, %add3A_27 : vector<16xi32>
    %swap3A_29 = arith.constant 48 : index
    %swap3A_30 = tpu.vector_load %arg10[%swap3A_29] {strides = array<i32>} : memref<80xi32, #tpu.memory_space<vmem>>, vector<16xi32>,
    tpu.vector_store %arg10[%swap3A_29], %add3A_28 {strides = array<i32>} : memref<80xi32, #tpu.memory_space<vmem>>, vector<16xi32>,
    %iota3A_31 = tpu.iota {dimensions = array<i32: 0>} : vector<16xi32>
    %add3A_32 = arith.constant 64 : i32
    %add3A_33 = vector.broadcast %add3A_32 : i32 to vector<16xi32>
    %add3A_34 = arith.addi %iota3A_31, %add3A_33 : vector<16xi32>
    %swap3A_35 = arith.constant 64 : index
    %swap3A_36 = tpu.vector_load %arg10[%swap3A_35] {strides = array<i32>} : memref<80xi32, #tpu.memory_space<vmem>>, vector<16xi32>,
    tpu.vector_store %arg10[%swap3A_35], %add3A_34 {strides = array<i32>} : memref<80xi32, #tpu.memory_space<vmem>>, vector<16xi32>,
    %barrier3A = arith.constant 0 : index
    tpu.barrier barrier_id(%barrier3A)
    %broadcast_in_dim3A = arith.constant 1.000000e+00 : f32
    %broadcast_in_dim3A_37 = vector.broadcast %broadcast_in_dim3A : f32 to vector<16xf32>
    %add3A_38 = arith.constant 0 : i32
    %add3A_39 = arith.addi %mul3A_2, %add3A_38 : i32
    %dma_start3A = arith.constant 0 : i32
    %dma_start3A_40 = arith.constant 0 : i32
    %dma_start3A_41 = tpu.memref_slice %arg7[%dma_start3A, %dma_start3A_40] : memref<2x128xi32, #tpu.memory_space<vmem>> -> memref<1x128xi32, #tpu.memory_space<vmem>>
    %dma_start3A_42 = tpu.memref_squeeze %dma_start3A_41 : memref<1x128xi32, #tpu.memory_space<vmem>> -> memref<128xi32, #tpu.memory_space<vmem>>
    %dma_start3A_43 = tpu.memref_slice %arg3[%add3A_39] : memref<163840xi32, #tpu.memory_space<hbm>> -> memref<128xi32, #tpu.memory_space<hbm>>
    %dma_start3A_44 = arith.constant 0 : i32
    %dma_start3A_45 = tpu.memref_slice %arg7[%dma_start3A, %dma_start3A_44] : memref<2x128xi32, #tpu.memory_space<vmem>> -> memref<1x128xi32, #tpu.memory_space<vmem>>
    %dma_start3A_46 = tpu.memref_squeeze %dma_start3A_45 : memref<1x128xi32, #tpu.memory_space<vmem>> -> memref<128xi32, #tpu.memory_space<vmem>>
    %dma_start3A_47 = tpu.memref_slice %arg3[%add3A_39] : memref<163840xi32, #tpu.memory_space<hbm>> -> memref<128xi32, #tpu.memory_space<hbm>>
    tpu.enqueue_dma source(%dma_start3A_47 : memref<128xi32, #tpu.memory_space<hbm>>) target(%dma_start3A_46 : memref<128xi32, #tpu.memory_space<vmem>>) target_semaphore(%arg13 : memref<!tpu.dma_semaphore, #tpu.memory_space<semaphore_mem>>)
    %dma_start3A_48 = arith.constant 0 : i32
    %dma_start3A_49 = arith.constant 0 : i32
    %dma_start3A_50 = arith.constant 0 : i32
    %dma_start3A_51 = tpu.memref_slice %arg8[%dma_start3A_48, %dma_start3A_49, %dma_start3A_50] : memref<2x128x128xf32, #tpu.memory_space<vmem>> -> memref<1x128x128xf32, #tpu.memory_space<vmem>>
    %dma_start3A_52 = tpu.memref_squeeze %dma_start3A_51 : memref<1x128x128xf32, #tpu.memory_space<vmem>> -> memref<128x128xf32, #tpu.memory_space<vmem>>
    %dma_start3A_53 = arith.constant 0 : i32
    %dma_start3A_54 = tpu.memref_slice %arg2[%add3A_39, %dma_start3A_53] : memref<163840x128xf32, #tpu.memory_space<hbm>> -> memref<128x128xf32, #tpu.memory_space<hbm>>
    %dma_start3A_55 = arith.constant 0 : i32
    %dma_start3A_56 = arith.constant 0 : i32
    %dma_start3A_57 = tpu.memref_slice %arg8[%dma_start3A_48, %dma_start3A_55, %dma_start3A_56] : memref<2x128x128xf32, #tpu.memory_space<vmem>> -> memref<1x128x128xf32, #tpu.memory_space<vmem>>
    %dma_start3A_58 = tpu.memref_squeeze %dma_start3A_57 : memref<1x128x128xf32, #tpu.memory_space<vmem>> -> memref<128x128xf32, #tpu.memory_space<vmem>>
    %dma_start3A_59 = arith.constant 0 : i32
    %dma_start3A_60 = tpu.memref_slice %arg2[%add3A_39, %dma_start3A_59] : memref<163840x128xf32, #tpu.memory_space<hbm>> -> memref<128x128xf32, #tpu.memory_space<hbm>>
    tpu.enqueue_dma source(%dma_start3A_60 : memref<128x128xf32, #tpu.memory_space<hbm>>) target(%dma_start3A_58 : memref<128x128xf32, #tpu.memory_space<vmem>>) target_semaphore(%arg13 : memref<!tpu.dma_semaphore, #tpu.memory_space<semaphore_mem>>)
    %add3A_61 = arith.constant 128 : i32
    %add3A_62 = arith.addi %mul3A_2, %add3A_61 : i32
    %dma_start3A_63 = arith.constant 1 : i32
    %dma_start3A_64 = arith.constant 0 : i32
    %dma_start3A_65 = tpu.memref_slice %arg7[%dma_start3A_63, %dma_start3A_64] : memref<2x128xi32, #tpu.memory_space<vmem>> -> memref<1x128xi32, #tpu.memory_space<vmem>>
    %dma_start3A_66 = tpu.memref_squeeze %dma_start3A_65 : memref<1x128xi32, #tpu.memory_space<vmem>> -> memref<128xi32, #tpu.memory_space<vmem>>
    %dma_start3A_67 = tpu.memref_slice %arg3[%add3A_62] : memref<163840xi32, #tpu.memory_space<hbm>> -> memref<128xi32, #tpu.memory_space<hbm>>
    %dma_start3A_68 = arith.constant 0 : i32
    %dma_start3A_69 = tpu.memref_slice %arg7[%dma_start3A_63, %dma_start3A_68] : memref<2x128xi32, #tpu.memory_space<vmem>> -> memref<1x128xi32, #tpu.memory_space<vmem>>
    %dma_start3A_70 = tpu.memref_squeeze %dma_start3A_69 : memref<1x128xi32, #tpu.memory_space<vmem>> -> memref<128xi32, #tpu.memory_space<vmem>>
    %dma_start3A_71 = tpu.memref_slice %arg3[%add3A_62] : memref<163840xi32, #tpu.memory_space<hbm>> -> memref<128xi32, #tpu.memory_space<hbm>>
    tpu.enqueue_dma source(%dma_start3A_71 : memref<128xi32, #tpu.memory_space<hbm>>) target(%dma_start3A_70 : memref<128xi32, #tpu.memory_space<vmem>>) target_semaphore(%arg14 : memref<!tpu.dma_semaphore, #tpu.memory_space<semaphore_mem>>)
    %dma_start3A_72 = arith.constant 1 : i32
    %dma_start3A_73 = arith.constant 0 : i32
    %dma_start3A_74 = arith.constant 0 : i32
    %dma_start3A_75 = tpu.memref_slice %arg8[%dma_start3A_72, %dma_start3A_73, %dma_start3A_74] : memref<2x128x128xf32, #tpu.memory_space<vmem>> -> memref<1x128x128xf32, #tpu.memory_space<vmem>>
    %dma_start3A_76 = tpu.memref_squeeze %dma_start3A_75 : memref<1x128x128xf32, #tpu.memory_space<vmem>> -> memref<128x128xf32, #tpu.memory_space<vmem>>
    %dma_start3A_77 = arith.constant 0 : i32
    %dma_start3A_78 = tpu.memref_slice %arg2[%add3A_62, %dma_start3A_77] : memref<163840x128xf32, #tpu.memory_space<hbm>> -> memref<128x128xf32, #tpu.memory_space<hbm>>
    %dma_start3A_79 = arith.constant 0 : i32
    %dma_start3A_80 = arith.constant 0 : i32
    %dma_start3A_81 = tpu.memref_slice %arg8[%dma_start3A_72, %dma_start3A_79, %dma_start3A_80] : memref<2x128x128xf32, #tpu.memory_space<vmem>> -> memref<1x128x128xf32, #tpu.memory_space<vmem>>
    %dma_start3A_82 = tpu.memref_squeeze %dma_start3A_81 : memref<1x128x128xf32, #tpu.memory_space<vmem>> -> memref<128x128xf32, #tpu.memory_space<vmem>>
    %dma_start3A_83 = arith.constant 0 : i32
    %dma_start3A_84 = tpu.memref_slice %arg2[%add3A_62, %dma_start3A_83] : memref<163840x128xf32, #tpu.memory_space<hbm>> -> memref<128x128xf32, #tpu.memory_space<hbm>>
    tpu.enqueue_dma source(%dma_start3A_84 : memref<128x128xf32, #tpu.memory_space<hbm>>) target(%dma_start3A_82 : memref<128x128xf32, #tpu.memory_space<vmem>>) target_semaphore(%arg14 : memref<!tpu.dma_semaphore, #tpu.memory_space<semaphore_mem>>)
    %scan3A = arith.constant 0 : i32
    %scan3A_85 = arith.constant 0 : i32
    %scan3A_86 = arith.constant 20 : i32
    %scan3A_87 = arith.addi %scan3A_85, %scan3A_86 : i32
    %scan3A_88 = arith.constant 1 : i32
    %scan3A_89 = scf.for %scan3A_120 = %scan3A_85 to %scan3A_87 step %scan3A_88 iter_args(%scan3A_121 = %scan3A) -> (i32)  : i32 {
      %mul3A_122 = arith.constant 2 : i32
      %mul3A_123 = arith.muli %scan3A_120, %mul3A_122 : i32
      %add3A_124 = arith.constant 0 : i32
      %add3A_125 = arith.addi %mul3A_123, %add3A_124 : i32
      %mul3A_126 = arith.constant 128 : i32
      %mul3A_127 = arith.muli %add3A_125, %mul3A_126 : i32
      %add3A_128 = arith.addi %mul3A_2, %mul3A_127 : i32
      %dma_wait3A_129 = arith.constant 0 : i32
      %dma_wait3A_130 = arith.constant 0 : i32
      %dma_wait3A_131 = tpu.memref_slice %arg7[%dma_wait3A_129, %dma_wait3A_130] : memref<2x128xi32, #tpu.memory_space<vmem>> -> memref<1x128xi32, #tpu.memory_space<vmem>>
      %dma_wait3A_132 = tpu.memref_squeeze %dma_wait3A_131 : memref<1x128xi32, #tpu.memory_space<vmem>> -> memref<128xi32, #tpu.memory_space<vmem>>
      %dma_wait3A_133 = tpu.memref_slice %arg3[%add3A_128] : memref<163840xi32, #tpu.memory_space<hbm>> -> memref<128xi32, #tpu.memory_space<hbm>>
      %dma_wait3A_134 = arith.constant 0 : i32
      %dma_wait3A_135 = tpu.memref_slice %arg7[%dma_wait3A_129, %dma_wait3A_134] : memref<2x128xi32, #tpu.memory_space<vmem>> -> memref<1x128xi32, #tpu.memory_space<vmem>>
      %dma_wait3A_136 = tpu.memref_squeeze %dma_wait3A_135 : memref<1x128xi32, #tpu.memory_space<vmem>> -> memref<128xi32, #tpu.memory_space<vmem>>
      %dma_wait3A_137 = tpu.memref_slice %arg3[%add3A_128] : memref<163840xi32, #tpu.memory_space<hbm>> -> memref<128xi32, #tpu.memory_space<hbm>>
      tpu.wait_dma2 semaphore(%arg13 : memref<!tpu.dma_semaphore, #tpu.memory_space<semaphore_mem>>) src(%dma_wait3A_137 : memref<128xi32, #tpu.memory_space<hbm>>) dst(%dma_wait3A_136 : memref<128xi32, #tpu.memory_space<vmem>>)
      %dma_wait3A_138 = arith.constant 0 : i32
      %dma_wait3A_139 = arith.constant 0 : i32
      %dma_wait3A_140 = arith.constant 0 : i32
      %dma_wait3A_141 = tpu.memref_slice %arg8[%dma_wait3A_138, %dma_wait3A_139, %dma_wait3A_140] : memref<2x128x128xf32, #tpu.memory_space<vmem>> -> memref<1x128x128xf32, #tpu.memory_space<vmem>>
      %dma_wait3A_142 = tpu.memref_squeeze %dma_wait3A_141 : memref<1x128x128xf32, #tpu.memory_space<vmem>> -> memref<128x128xf32, #tpu.memory_space<vmem>>
      %dma_wait3A_143 = arith.constant 0 : i32
      %dma_wait3A_144 = tpu.memref_slice %arg2[%add3A_128, %dma_wait3A_143] : memref<163840x128xf32, #tpu.memory_space<hbm>> -> memref<128x128xf32, #tpu.memory_space<hbm>>
      %dma_wait3A_145 = arith.constant 0 : i32
      %dma_wait3A_146 = arith.constant 0 : i32
      %dma_wait3A_147 = tpu.memref_slice %arg8[%dma_wait3A_138, %dma_wait3A_145, %dma_wait3A_146] : memref<2x128x128xf32, #tpu.memory_space<vmem>> -> memref<1x128x128xf32, #tpu.memory_space<vmem>>
      %dma_wait3A_148 = tpu.memref_squeeze %dma_wait3A_147 : memref<1x128x128xf32, #tpu.memory_space<vmem>> -> memref<128x128xf32, #tpu.memory_space<vmem>>
      %dma_wait3A_149 = arith.constant 0 : i32
      %dma_wait3A_150 = tpu.memref_slice %arg2[%add3A_128, %dma_wait3A_149] : memref<163840x128xf32, #tpu.memory_space<hbm>> -> memref<128x128xf32, #tpu.memory_space<hbm>>
      tpu.wait_dma2 semaphore(%arg13 : memref<!tpu.dma_semaphore, #tpu.memory_space<semaphore_mem>>) src(%dma_wait3A_150 : memref<128x128xf32, #tpu.memory_space<hbm>>) dst(%dma_wait3A_148 : memref<128x128xf32, #tpu.memory_space<vmem>>)
      %dma_start3A_151 = arith.constant 0 : i32
      %dma_start3A_152 = arith.constant 0 : i32
      %dma_start3A_153 = arith.constant 0 : i32
      %dma_start3A_154 = arith.constant 0 : i32
      %dma_start3A_155 = tpu.memref_slice %arg8[%dma_start3A_151, %dma_start3A_153, %dma_start3A_154] : memref<2x128x128xf32, #tpu.memory_space<vmem>> -> memref<1x128x128xf32, #tpu.memory_space<vmem>>
      %dma_start3A_156 = tpu.memref_squeeze %dma_start3A_155 : memref<1x128x128xf32, #tpu.memory_space<vmem>> -> memref<128x128xf32, #tpu.memory_space<vmem>>
      %dma_start3A_157 = arith.constant 0 : i32
      %dma_start3A_158 = tpu.memref_slice %arg7[%dma_start3A_152, %dma_start3A_157] : memref<2x128xi32, #tpu.memory_space<vmem>> -> memref<1x128xi32, #tpu.memory_space<vmem>>
      %dma_start3A_159 = tpu.memref_squeeze %dma_start3A_158 : memref<1x128xi32, #tpu.memory_space<vmem>> -> memref<128xi32, #tpu.memory_space<vmem>>
      %dma_start3A_160 = arith.constant 0 : i32
      %dma_start3A_161 = arith.constant 0 : i32
      %dma_start3A_162 = tpu.memref_slice %arg11[%dma_start3A_160, %dma_start3A_161] : memref<10240x128xf32, #tpu.memory_space<vmem_shared>> -> memref<10240x128xf32, #tpu.memory_space<vmem_shared>>
      tpu.enqueue_indirect_dma source(%dma_start3A_156 : memref<128x128xf32, #tpu.memory_space<vmem>>) target(%dma_start3A_162 : memref<10240x128xf32, #tpu.memory_space<vmem_shared>>) offsets(%dma_start3A_159 : memref<128xi32, #tpu.memory_space<vmem>>) semaphore(%arg15 : memref<!tpu.dma_semaphore, #tpu.memory_space<semaphore_mem>>) {add = true}
      %get3A = arith.constant 0 : i32
      %get3A_163 = arith.index_cast %get3A : i32 to index
      %get3A_164 = arith.constant 0 : index
      %get3A_165 = tpu.vector_load %arg7[%get3A_163, %get3A_164] {strides = array<i32>} : memref<2x128xi32, #tpu.memory_space<vmem>>, vector<16xi32>,
      %shift_right_logical3A = arith.constant 7 : i32
      %shift_right_logical3A_166 = vector.broadcast %shift_right_logical3A : i32 to vector<16xi32>
      %shift_right_logical3A_167 = arith.shrui %get3A_165, %shift_right_logical3A_166 : vector<16xi32>
      %and3A = arith.constant 127 : i32
      %and3A_168 = vector.broadcast %and3A : i32 to vector<16xi32>
      %and3A_169 = arith.andi %get3A_165, %and3A_168 : vector<16xi32>
      tpu.vector_store_idx %arg9[%shift_right_logical3A_167, %and3A_169], %broadcast_in_dim3A_37 {add = true} : memref<80x128xf32, #tpu.memory_space<vmem>>[vector<16xi32>, vector<16xi32>], vector<16xf32>,
      %get3A_170 = arith.constant 0 : i32
      %get3A_171 = arith.index_cast %get3A_170 : i32 to index
      %get3A_172 = arith.constant 16 : index
      %get3A_173 = tpu.vector_load %arg7[%get3A_171, %get3A_172] {strides = array<i32>} : memref<2x128xi32, #tpu.memory_space<vmem>>, vector<16xi32>,
      %shift_right_logical3A_174 = arith.constant 7 : i32
      %shift_right_logical3A_175 = vector.broadcast %shift_right_logical3A_174 : i32 to vector<16xi32>
      %shift_right_logical3A_176 = arith.shrui %get3A_173, %shift_right_logical3A_175 : vector<16xi32>
      %and3A_177 = arith.constant 127 : i32
      %and3A_178 = vector.broadcast %and3A_177 : i32 to vector<16xi32>
      %and3A_179 = arith.andi %get3A_173, %and3A_178 : vector<16xi32>
      tpu.vector_store_idx %arg9[%shift_right_logical3A_176, %and3A_179], %broadcast_in_dim3A_37 {add = true} : memref<80x128xf32, #tpu.memory_space<vmem>>[vector<16xi32>, vector<16xi32>], vector<16xf32>,
      %get3A_180 = arith.constant 0 : i32
      %get3A_181 = arith.index_cast %get3A_180 : i32 to index
      %get3A_182 = arith.constant 32 : index
      %get3A_183 = tpu.vector_load %arg7[%get3A_181, %get3A_182] {strides = array<i32>} : memref<2x128xi32, #tpu.memory_space<vmem>>, vector<16xi32>,
      %shift_right_logical3A_184 = arith.constant 7 : i32
      %shift_right_logical3A_185 = vector.broadcast %shift_right_logical3A_184 : i32 to vector<16xi32>
      %shift_right_logical3A_186 = arith.shrui %get3A_183, %shift_right_logical3A_185 : vector<16xi32>
      %and3A_187 = arith.constant 127 : i32
      %and3A_188 = vector.broadcast %and3A_187 : i32 to vector<16xi32>
      %and3A_189 = arith.andi %get3A_183, %and3A_188 : vector<16xi32>
      tpu.vector_store_idx %arg9[%shift_right_logical3A_186, %and3A_189], %broadcast_in_dim3A_37 {add = true} : memref<80x128xf32, #tpu.memory_space<vmem>>[vector<16xi32>, vector<16xi32>], vector<16xf32>,
      %get3A_190 = arith.constant 0 : i32
      %get3A_191 = arith.index_cast %get3A_190 : i32 to index
      %get3A_192 = arith.constant 48 : index
      %get3A_193 = tpu.vector_load %arg7[%get3A_191, %get3A_192] {strides = array<i32>} : memref<2x128xi32, #tpu.memory_space<vmem>>, vector<16xi32>,
      %shift_right_logical3A_194 = arith.constant 7 : i32
      %shift_right_logical3A_195 = vector.broadcast %shift_right_logical3A_194 : i32 to vector<16xi32>
      %shift_right_logical3A_196 = arith.shrui %get3A_193, %shift_right_logical3A_195 : vector<16xi32>
      %and3A_197 = arith.constant 127 : i32
      %and3A_198 = vector.broadcast %and3A_197 : i32 to vector<16xi32>
      %and3A_199 = arith.andi %get3A_193, %and3A_198 : vector<16xi32>
      tpu.vector_store_idx %arg9[%shift_right_logical3A_196, %and3A_199], %broadcast_in_dim3A_37 {add = true} : memref<80x128xf32, #tpu.memory_space<vmem>>[vector<16xi32>, vector<16xi32>], vector<16xf32>,
      %get3A_200 = arith.constant 0 : i32
      %get3A_201 = arith.index_cast %get3A_200 : i32 to index
      %get3A_202 = arith.constant 64 : index
      %get3A_203 = tpu.vector_load %arg7[%get3A_201, %get3A_202] {strides = array<i32>} : memref<2x128xi32, #tpu.memory_space<vmem>>, vector<16xi32>,
      %shift_right_logical3A_204 = arith.constant 7 : i32
      %shift_right_logical3A_205 = vector.broadcast %shift_right_logical3A_204 : i32 to vector<16xi32>
      %shift_right_logical3A_206 = arith.shrui %get3A_203, %shift_right_logical3A_205 : vector<16xi32>
      %and3A_207 = arith.constant 127 : i32
      %and3A_208 = vector.broadcast %and3A_207 : i32 to vector<16xi32>
      %and3A_209 = arith.andi %get3A_203, %and3A_208 : vector<16xi32>
      tpu.vector_store_idx %arg9[%shift_right_logical3A_206, %and3A_209], %broadcast_in_dim3A_37 {add = true} : memref<80x128xf32, #tpu.memory_space<vmem>>[vector<16xi32>, vector<16xi32>], vector<16xf32>,
      %get3A_210 = arith.constant 0 : i32
      %get3A_211 = arith.index_cast %get3A_210 : i32 to index
      %get3A_212 = arith.constant 80 : index
      %get3A_213 = tpu.vector_load %arg7[%get3A_211, %get3A_212] {strides = array<i32>} : memref<2x128xi32, #tpu.memory_space<vmem>>, vector<16xi32>,
      %shift_right_logical3A_214 = arith.constant 7 : i32
      %shift_right_logical3A_215 = vector.broadcast %shift_right_logical3A_214 : i32 to vector<16xi32>
      %shift_right_logical3A_216 = arith.shrui %get3A_213, %shift_right_logical3A_215 : vector<16xi32>
      %and3A_217 = arith.constant 127 : i32
      %and3A_218 = vector.broadcast %and3A_217 : i32 to vector<16xi32>
      %and3A_219 = arith.andi %get3A_213, %and3A_218 : vector<16xi32>
      tpu.vector_store_idx %arg9[%shift_right_logical3A_216, %and3A_219], %broadcast_in_dim3A_37 {add = true} : memref<80x128xf32, #tpu.memory_space<vmem>>[vector<16xi32>, vector<16xi32>], vector<16xf32>,
      %get3A_220 = arith.constant 0 : i32
      %get3A_221 = arith.index_cast %get3A_220 : i32 to index
      %get3A_222 = arith.constant 96 : index
      %get3A_223 = tpu.vector_load %arg7[%get3A_221, %get3A_222] {strides = array<i32>} : memref<2x128xi32, #tpu.memory_space<vmem>>, vector<16xi32>,
      %shift_right_logical3A_224 = arith.constant 7 : i32
      %shift_right_logical3A_225 = vector.broadcast %shift_right_logical3A_224 : i32 to vector<16xi32>
      %shift_right_logical3A_226 = arith.shrui %get3A_223, %shift_right_logical3A_225 : vector<16xi32>
      %and3A_227 = arith.constant 127 : i32
      %and3A_228 = vector.broadcast %and3A_227 : i32 to vector<16xi32>
      %and3A_229 = arith.andi %get3A_223, %and3A_228 : vector<16xi32>
      tpu.vector_store_idx %arg9[%shift_right_logical3A_226, %and3A_229], %broadcast_in_dim3A_37 {add = true} : memref<80x128xf32, #tpu.memory_space<vmem>>[vector<16xi32>, vector<16xi32>], vector<16xf32>,
      %get3A_230 = arith.constant 0 : i32
      %get3A_231 = arith.index_cast %get3A_230 : i32 to index
      %get3A_232 = arith.constant 112 : index
      %get3A_233 = tpu.vector_load %arg7[%get3A_231, %get3A_232] {strides = array<i32>} : memref<2x128xi32, #tpu.memory_space<vmem>>, vector<16xi32>,
      %shift_right_logical3A_234 = arith.constant 7 : i32
      %shift_right_logical3A_235 = vector.broadcast %shift_right_logical3A_234 : i32 to vector<16xi32>
      %shift_right_logical3A_236 = arith.shrui %get3A_233, %shift_right_logical3A_235 : vector<16xi32>
      %and3A_237 = arith.constant 127 : i32
      %and3A_238 = vector.broadcast %and3A_237 : i32 to vector<16xi32>
      %and3A_239 = arith.andi %get3A_233, %and3A_238 : vector<16xi32>
      tpu.vector_store_idx %arg9[%shift_right_logical3A_236, %and3A_239], %broadcast_in_dim3A_37 {add = true} : memref<80x128xf32, #tpu.memory_space<vmem>>[vector<16xi32>, vector<16xi32>], vector<16xf32>,
      %add3A_240 = arith.constant 2 : i32
      %add3A_241 = arith.addi %add3A_125, %add3A_240 : i32
      %lt3A_242 = arith.constant 40 : i32
      %lt3A_243 = arith.cmpi slt, %add3A_241, %lt3A_242 : i32
      %convert_element_type3A_244 = arith.extui %lt3A_243 : i1 to i32
      %cond3A_245 = arith.constant 0 : i32
      %cond3A_246 = arith.cmpi ne, %convert_element_type3A_244, %cond3A_245 : i32
      scf.if %cond3A_246 {
        %dma_wait3A_376 = arith.constant 0 : i32
        %dma_wait3A_377 = arith.constant 0 : i32
        %dma_wait3A_378 = arith.constant 0 : i32
        %dma_wait3A_379 = arith.constant 0 : i32
        %dma_wait3A_380 = tpu.memref_slice %arg8[%dma_wait3A_376, %dma_wait3A_378, %dma_wait3A_379] : memref<2x128x128xf32, #tpu.memory_space<vmem>> -> memref<1x128x128xf32, #tpu.memory_space<vmem>>
        %dma_wait3A_381 = tpu.memref_squeeze %dma_wait3A_380 : memref<1x128x128xf32, #tpu.memory_space<vmem>> -> memref<128x128xf32, #tpu.memory_space<vmem>>
        %dma_wait3A_382 = arith.constant 0 : i32
        %dma_wait3A_383 = tpu.memref_slice %arg7[%dma_wait3A_377, %dma_wait3A_382] : memref<2x128xi32, #tpu.memory_space<vmem>> -> memref<1x128xi32, #tpu.memory_space<vmem>>
        %dma_wait3A_384 = tpu.memref_squeeze %dma_wait3A_383 : memref<1x128xi32, #tpu.memory_space<vmem>> -> memref<128xi32, #tpu.memory_space<vmem>>
        %dma_wait3A_385 = arith.constant 0 : i32
        %dma_wait3A_386 = arith.constant 0 : i32
        %dma_wait3A_387 = tpu.memref_slice %arg11[%dma_wait3A_385, %dma_wait3A_386] : memref<10240x128xf32, #tpu.memory_space<vmem_shared>> -> memref<10240x128xf32, #tpu.memory_space<vmem_shared>>
        tpu.wait_indirect_dma semaphore(%arg15 : memref<!tpu.dma_semaphore, #tpu.memory_space<semaphore_mem>>) src(%dma_wait3A_381 : memref<128x128xf32, #tpu.memory_space<vmem>>) dst(%dma_wait3A_387 : memref<10240x128xf32, #tpu.memory_space<vmem_shared>>)
        %add3A_388 = arith.constant 2 : i32
        %add3A_389 = arith.addi %add3A_125, %add3A_388 : i32
        %mul3A_390 = arith.constant 128 : i32
        %mul3A_391 = arith.muli %add3A_389, %mul3A_390 : i32
        %add3A_392 = arith.addi %mul3A_2, %mul3A_391 : i32
        %dma_start3A_393 = arith.constant 0 : i32
        %dma_start3A_394 = arith.constant 0 : i32
        %dma_start3A_395 = tpu.memref_slice %arg7[%dma_start3A_393, %dma_start3A_394] : memref<2x128xi32, #tpu.memory_space<vmem>> -> memref<1x128xi32, #tpu.memory_space<vmem>>
        %dma_start3A_396 = tpu.memref_squeeze %dma_start3A_395 : memref<1x128xi32, #tpu.memory_space<vmem>> -> memref<128xi32, #tpu.memory_space<vmem>>
        %dma_start3A_397 = tpu.memref_slice %arg3[%add3A_392] : memref<163840xi32, #tpu.memory_space<hbm>> -> memref<128xi32, #tpu.memory_space<hbm>>
        %dma_start3A_398 = arith.constant 0 : i32
        %dma_start3A_399 = tpu.memref_slice %arg7[%dma_start3A_393, %dma_start3A_398] : memref<2x128xi32, #tpu.memory_space<vmem>> -> memref<1x128xi32, #tpu.memory_space<vmem>>
        %dma_start3A_400 = tpu.memref_squeeze %dma_start3A_399 : memref<1x128xi32, #tpu.memory_space<vmem>> -> memref<128xi32, #tpu.memory_space<vmem>>
        %dma_start3A_401 = tpu.memref_slice %arg3[%add3A_392] : memref<163840xi32, #tpu.memory_space<hbm>> -> memref<128xi32, #tpu.memory_space<hbm>>
        tpu.enqueue_dma source(%dma_start3A_401 : memref<128xi32, #tpu.memory_space<hbm>>) target(%dma_start3A_400 : memref<128xi32, #tpu.memory_space<vmem>>) target_semaphore(%arg13 : memref<!tpu.dma_semaphore, #tpu.memory_space<semaphore_mem>>)
        %dma_start3A_402 = arith.constant 0 : i32
        %dma_start3A_403 = arith.constant 0 : i32
        %dma_start3A_404 = arith.constant 0 : i32
        %dma_start3A_405 = tpu.memref_slice %arg8[%dma_start3A_402, %dma_start3A_403, %dma_start3A_404] : memref<2x128x128xf32, #tpu.memory_space<vmem>> -> memref<1x128x128xf32, #tpu.memory_space<vmem>>
        %dma_start3A_406 = tpu.memref_squeeze %dma_start3A_405 : memref<1x128x128xf32, #tpu.memory_space<vmem>> -> memref<128x128xf32, #tpu.memory_space<vmem>>
        %dma_start3A_407 = arith.constant 0 : i32
        %dma_start3A_408 = tpu.memref_slice %arg2[%add3A_392, %dma_start3A_407] : memref<163840x128xf32, #tpu.memory_space<hbm>> -> memref<128x128xf32, #tpu.memory_space<hbm>>
        %dma_start3A_409 = arith.constant 0 : i32
        %dma_start3A_410 = arith.constant 0 : i32
        %dma_start3A_411 = tpu.memref_slice %arg8[%dma_start3A_402, %dma_start3A_409, %dma_start3A_410] : memref<2x128x128xf32, #tpu.memory_space<vmem>> -> memref<1x128x128xf32, #tpu.memory_space<vmem>>
        %dma_start3A_412 = tpu.memref_squeeze %dma_start3A_411 : memref<1x128x128xf32, #tpu.memory_space<vmem>> -> memref<128x128xf32, #tpu.memory_space<vmem>>
        %dma_start3A_413 = arith.constant 0 : i32
        %dma_start3A_414 = tpu.memref_slice %arg2[%add3A_392, %dma_start3A_413] : memref<163840x128xf32, #tpu.memory_space<hbm>> -> memref<128x128xf32, #tpu.memory_space<hbm>>
        tpu.enqueue_dma source(%dma_start3A_414 : memref<128x128xf32, #tpu.memory_space<hbm>>) target(%dma_start3A_412 : memref<128x128xf32, #tpu.memory_space<vmem>>) target_semaphore(%arg13 : memref<!tpu.dma_semaphore, #tpu.memory_space<semaphore_mem>>)
      } else {
      }
      %mul3A_247 = arith.constant 2 : i32
      %mul3A_248 = arith.muli %scan3A_120, %mul3A_247 : i32
      %add3A_249 = arith.constant 1 : i32
      %add3A_250 = arith.addi %mul3A_248, %add3A_249 : i32
      %mul3A_251 = arith.constant 128 : i32
      %mul3A_252 = arith.muli %add3A_250, %mul3A_251 : i32
      %add3A_253 = arith.addi %mul3A_2, %mul3A_252 : i32
      %dma_wait3A_254 = arith.constant 1 : i32
      %dma_wait3A_255 = arith.constant 0 : i32
      %dma_wait3A_256 = tpu.memref_slice %arg7[%dma_wait3A_254, %dma_wait3A_255] : memref<2x128xi32, #tpu.memory_space<vmem>> -> memref<1x128xi32, #tpu.memory_space<vmem>>
      %dma_wait3A_257 = tpu.memref_squeeze %dma_wait3A_256 : memref<1x128xi32, #tpu.memory_space<vmem>> -> memref<128xi32, #tpu.memory_space<vmem>>
      %dma_wait3A_258 = tpu.memref_slice %arg3[%add3A_253] : memref<163840xi32, #tpu.memory_space<hbm>> -> memref<128xi32, #tpu.memory_space<hbm>>
      %dma_wait3A_259 = arith.constant 0 : i32
      %dma_wait3A_260 = tpu.memref_slice %arg7[%dma_wait3A_254, %dma_wait3A_259] : memref<2x128xi32, #tpu.memory_space<vmem>> -> memref<1x128xi32, #tpu.memory_space<vmem>>
      %dma_wait3A_261 = tpu.memref_squeeze %dma_wait3A_260 : memref<1x128xi32, #tpu.memory_space<vmem>> -> memref<128xi32, #tpu.memory_space<vmem>>
      %dma_wait3A_262 = tpu.memref_slice %arg3[%add3A_253] : memref<163840xi32, #tpu.memory_space<hbm>> -> memref<128xi32, #tpu.memory_space<hbm>>
      tpu.wait_dma2 semaphore(%arg14 : memref<!tpu.dma_semaphore, #tpu.memory_space<semaphore_mem>>) src(%dma_wait3A_262 : memref<128xi32, #tpu.memory_space<hbm>>) dst(%dma_wait3A_261 : memref<128xi32, #tpu.memory_space<vmem>>)
      %dma_wait3A_263 = arith.constant 1 : i32
      %dma_wait3A_264 = arith.constant 0 : i32
      %dma_wait3A_265 = arith.constant 0 : i32
      %dma_wait3A_266 = tpu.memref_slice %arg8[%dma_wait3A_263, %dma_wait3A_264, %dma_wait3A_265] : memref<2x128x128xf32, #tpu.memory_space<vmem>> -> memref<1x128x128xf32, #tpu.memory_space<vmem>>
      %dma_wait3A_267 = tpu.memref_squeeze %dma_wait3A_266 : memref<1x128x128xf32, #tpu.memory_space<vmem>> -> memref<128x128xf32, #tpu.memory_space<vmem>>
      %dma_wait3A_268 = arith.constant 0 : i32
      %dma_wait3A_269 = tpu.memref_slice %arg2[%add3A_253, %dma_wait3A_268] : memref<163840x128xf32, #tpu.memory_space<hbm>> -> memref<128x128xf32, #tpu.memory_space<hbm>>
      %dma_wait3A_270 = arith.constant 0 : i32
      %dma_wait3A_271 = arith.constant 0 : i32
      %dma_wait3A_272 = tpu.memref_slice %arg8[%dma_wait3A_263, %dma_wait3A_270, %dma_wait3A_271] : memref<2x128x128xf32, #tpu.memory_space<vmem>> -> memref<1x128x128xf32, #tpu.memory_space<vmem>>
      %dma_wait3A_273 = tpu.memref_squeeze %dma_wait3A_272 : memref<1x128x128xf32, #tpu.memory_space<vmem>> -> memref<128x128xf32, #tpu.memory_space<vmem>>
      %dma_wait3A_274 = arith.constant 0 : i32
      %dma_wait3A_275 = tpu.memref_slice %arg2[%add3A_253, %dma_wait3A_274] : memref<163840x128xf32, #tpu.memory_space<hbm>> -> memref<128x128xf32, #tpu.memory_space<hbm>>
      tpu.wait_dma2 semaphore(%arg14 : memref<!tpu.dma_semaphore, #tpu.memory_space<semaphore_mem>>) src(%dma_wait3A_275 : memref<128x128xf32, #tpu.memory_space<hbm>>) dst(%dma_wait3A_273 : memref<128x128xf32, #tpu.memory_space<vmem>>)
      %dma_start3A_276 = arith.constant 1 : i32
      %dma_start3A_277 = arith.constant 1 : i32
      %dma_start3A_278 = arith.constant 0 : i32
      %dma_start3A_279 = arith.constant 0 : i32
      %dma_start3A_280 = tpu.memref_slice %arg8[%dma_start3A_276, %dma_start3A_278, %dma_start3A_279] : memref<2x128x128xf32, #tpu.memory_space<vmem>> -> memref<1x128x128xf32, #tpu.memory_space<vmem>>
      %dma_start3A_281 = tpu.memref_squeeze %dma_start3A_280 : memref<1x128x128xf32, #tpu.memory_space<vmem>> -> memref<128x128xf32, #tpu.memory_space<vmem>>
      %dma_start3A_282 = arith.constant 0 : i32
      %dma_start3A_283 = tpu.memref_slice %arg7[%dma_start3A_277, %dma_start3A_282] : memref<2x128xi32, #tpu.memory_space<vmem>> -> memref<1x128xi32, #tpu.memory_space<vmem>>
      %dma_start3A_284 = tpu.memref_squeeze %dma_start3A_283 : memref<1x128xi32, #tpu.memory_space<vmem>> -> memref<128xi32, #tpu.memory_space<vmem>>
      %dma_start3A_285 = arith.constant 0 : i32
      %dma_start3A_286 = arith.constant 0 : i32
      %dma_start3A_287 = tpu.memref_slice %arg11[%dma_start3A_285, %dma_start3A_286] : memref<10240x128xf32, #tpu.memory_space<vmem_shared>> -> memref<10240x128xf32, #tpu.memory_space<vmem_shared>>
      tpu.enqueue_indirect_dma source(%dma_start3A_281 : memref<128x128xf32, #tpu.memory_space<vmem>>) target(%dma_start3A_287 : memref<10240x128xf32, #tpu.memory_space<vmem_shared>>) offsets(%dma_start3A_284 : memref<128xi32, #tpu.memory_space<vmem>>) semaphore(%arg16 : memref<!tpu.dma_semaphore, #tpu.memory_space<semaphore_mem>>) {add = true}
      %get3A_288 = arith.constant 1 : i32
      %get3A_289 = arith.index_cast %get3A_288 : i32 to index
      %get3A_290 = arith.constant 0 : index
      %get3A_291 = tpu.vector_load %arg7[%get3A_289, %get3A_290] {strides = array<i32>} : memref<2x128xi32, #tpu.memory_space<vmem>>, vector<16xi32>,
      %shift_right_logical3A_292 = arith.constant 7 : i32
      %shift_right_logical3A_293 = vector.broadcast %shift_right_logical3A_292 : i32 to vector<16xi32>
      %shift_right_logical3A_294 = arith.shrui %get3A_291, %shift_right_logical3A_293 : vector<16xi32>
      %and3A_295 = arith.constant 127 : i32
      %and3A_296 = vector.broadcast %and3A_295 : i32 to vector<16xi32>
      %and3A_297 = arith.andi %get3A_291, %and3A_296 : vector<16xi32>
      tpu.vector_store_idx %arg9[%shift_right_logical3A_294, %and3A_297], %broadcast_in_dim3A_37 {add = true} : memref<80x128xf32, #tpu.memory_space<vmem>>[vector<16xi32>, vector<16xi32>], vector<16xf32>,
      %get3A_298 = arith.constant 1 : i32
      %get3A_299 = arith.index_cast %get3A_298 : i32 to index
      %get3A_300 = arith.constant 16 : index
      %get3A_301 = tpu.vector_load %arg7[%get3A_299, %get3A_300] {strides = array<i32>} : memref<2x128xi32, #tpu.memory_space<vmem>>, vector<16xi32>,
      %shift_right_logical3A_302 = arith.constant 7 : i32
      %shift_right_logical3A_303 = vector.broadcast %shift_right_logical3A_302 : i32 to vector<16xi32>
      %shift_right_logical3A_304 = arith.shrui %get3A_301, %shift_right_logical3A_303 : vector<16xi32>
      %and3A_305 = arith.constant 127 : i32
      %and3A_306 = vector.broadcast %and3A_305 : i32 to vector<16xi32>
      %and3A_307 = arith.andi %get3A_301, %and3A_306 : vector<16xi32>
      tpu.vector_store_idx %arg9[%shift_right_logical3A_304, %and3A_307], %broadcast_in_dim3A_37 {add = true} : memref<80x128xf32, #tpu.memory_space<vmem>>[vector<16xi32>, vector<16xi32>], vector<16xf32>,
      %get3A_308 = arith.constant 1 : i32
      %get3A_309 = arith.index_cast %get3A_308 : i32 to index
      %get3A_310 = arith.constant 32 : index
      %get3A_311 = tpu.vector_load %arg7[%get3A_309, %get3A_310] {strides = array<i32>} : memref<2x128xi32, #tpu.memory_space<vmem>>, vector<16xi32>,
      %shift_right_logical3A_312 = arith.constant 7 : i32
      %shift_right_logical3A_313 = vector.broadcast %shift_right_logical3A_312 : i32 to vector<16xi32>
      %shift_right_logical3A_314 = arith.shrui %get3A_311, %shift_right_logical3A_313 : vector<16xi32>
      %and3A_315 = arith.constant 127 : i32
      %and3A_316 = vector.broadcast %and3A_315 : i32 to vector<16xi32>
      %and3A_317 = arith.andi %get3A_311, %and3A_316 : vector<16xi32>
      tpu.vector_store_idx %arg9[%shift_right_logical3A_314, %and3A_317], %broadcast_in_dim3A_37 {add = true} : memref<80x128xf32, #tpu.memory_space<vmem>>[vector<16xi32>, vector<16xi32>], vector<16xf32>,
      %get3A_318 = arith.constant 1 : i32
      %get3A_319 = arith.index_cast %get3A_318 : i32 to index
      %get3A_320 = arith.constant 48 : index
      %get3A_321 = tpu.vector_load %arg7[%get3A_319, %get3A_320] {strides = array<i32>} : memref<2x128xi32, #tpu.memory_space<vmem>>, vector<16xi32>,
      %shift_right_logical3A_322 = arith.constant 7 : i32
      %shift_right_logical3A_323 = vector.broadcast %shift_right_logical3A_322 : i32 to vector<16xi32>
      %shift_right_logical3A_324 = arith.shrui %get3A_321, %shift_right_logical3A_323 : vector<16xi32>
      %and3A_325 = arith.constant 127 : i32
      %and3A_326 = vector.broadcast %and3A_325 : i32 to vector<16xi32>
      %and3A_327 = arith.andi %get3A_321, %and3A_326 : vector<16xi32>
      tpu.vector_store_idx %arg9[%shift_right_logical3A_324, %and3A_327], %broadcast_in_dim3A_37 {add = true} : memref<80x128xf32, #tpu.memory_space<vmem>>[vector<16xi32>, vector<16xi32>], vector<16xf32>,
      %get3A_328 = arith.constant 1 : i32
      %get3A_329 = arith.index_cast %get3A_328 : i32 to index
      %get3A_330 = arith.constant 64 : index
      %get3A_331 = tpu.vector_load %arg7[%get3A_329, %get3A_330] {strides = array<i32>} : memref<2x128xi32, #tpu.memory_space<vmem>>, vector<16xi32>,
      %shift_right_logical3A_332 = arith.constant 7 : i32
      %shift_right_logical3A_333 = vector.broadcast %shift_right_logical3A_332 : i32 to vector<16xi32>
      %shift_right_logical3A_334 = arith.shrui %get3A_331, %shift_right_logical3A_333 : vector<16xi32>
      %and3A_335 = arith.constant 127 : i32
      %and3A_336 = vector.broadcast %and3A_335 : i32 to vector<16xi32>
      %and3A_337 = arith.andi %get3A_331, %and3A_336 : vector<16xi32>
      tpu.vector_store_idx %arg9[%shift_right_logical3A_334, %and3A_337], %broadcast_in_dim3A_37 {add = true} : memref<80x128xf32, #tpu.memory_space<vmem>>[vector<16xi32>, vector<16xi32>], vector<16xf32>,
      %get3A_338 = arith.constant 1 : i32
      %get3A_339 = arith.index_cast %get3A_338 : i32 to index
      %get3A_340 = arith.constant 80 : index
      %get3A_341 = tpu.vector_load %arg7[%get3A_339, %get3A_340] {strides = array<i32>} : memref<2x128xi32, #tpu.memory_space<vmem>>, vector<16xi32>,
      %shift_right_logical3A_342 = arith.constant 7 : i32
      %shift_right_logical3A_343 = vector.broadcast %shift_right_logical3A_342 : i32 to vector<16xi32>
      %shift_right_logical3A_344 = arith.shrui %get3A_341, %shift_right_logical3A_343 : vector<16xi32>
      %and3A_345 = arith.constant 127 : i32
      %and3A_346 = vector.broadcast %and3A_345 : i32 to vector<16xi32>
      %and3A_347 = arith.andi %get3A_341, %and3A_346 : vector<16xi32>
      tpu.vector_store_idx %arg9[%shift_right_logical3A_344, %and3A_347], %broadcast_in_dim3A_37 {add = true} : memref<80x128xf32, #tpu.memory_space<vmem>>[vector<16xi32>, vector<16xi32>], vector<16xf32>,
      %get3A_348 = arith.constant 1 : i32
      %get3A_349 = arith.index_cast %get3A_348 : i32 to index
      %get3A_350 = arith.constant 96 : index
      %get3A_351 = tpu.vector_load %arg7[%get3A_349, %get3A_350] {strides = array<i32>} : memref<2x128xi32, #tpu.memory_space<vmem>>, vector<16xi32>,
      %shift_right_logical3A_352 = arith.constant 7 : i32
      %shift_right_logical3A_353 = vector.broadcast %shift_right_logical3A_352 : i32 to vector<16xi32>
      %shift_right_logical3A_354 = arith.shrui %get3A_351, %shift_right_logical3A_353 : vector<16xi32>
      %and3A_355 = arith.constant 127 : i32
      %and3A_356 = vector.broadcast %and3A_355 : i32 to vector<16xi32>
      %and3A_357 = arith.andi %get3A_351, %and3A_356 : vector<16xi32>
      tpu.vector_store_idx %arg9[%shift_right_logical3A_354, %and3A_357], %broadcast_in_dim3A_37 {add = true} : memref<80x128xf32, #tpu.memory_space<vmem>>[vector<16xi32>, vector<16xi32>], vector<16xf32>,
      %get3A_358 = arith.constant 1 : i32
      %get3A_359 = arith.index_cast %get3A_358 : i32 to index
      %get3A_360 = arith.constant 112 : index
      %get3A_361 = tpu.vector_load %arg7[%get3A_359, %get3A_360] {strides = array<i32>} : memref<2x128xi32, #tpu.memory_space<vmem>>, vector<16xi32>,
      %shift_right_logical3A_362 = arith.constant 7 : i32
      %shift_right_logical3A_363 = vector.broadcast %shift_right_logical3A_362 : i32 to vector<16xi32>
      %shift_right_logical3A_364 = arith.shrui %get3A_361, %shift_right_logical3A_363 : vector<16xi32>
      %and3A_365 = arith.constant 127 : i32
      %and3A_366 = vector.broadcast %and3A_365 : i32 to vector<16xi32>
      %and3A_367 = arith.andi %get3A_361, %and3A_366 : vector<16xi32>
      tpu.vector_store_idx %arg9[%shift_right_logical3A_364, %and3A_367], %broadcast_in_dim3A_37 {add = true} : memref<80x128xf32, #tpu.memory_space<vmem>>[vector<16xi32>, vector<16xi32>], vector<16xf32>,
      %add3A_368 = arith.constant 2 : i32
      %add3A_369 = arith.addi %add3A_250, %add3A_368 : i32
      %lt3A_370 = arith.constant 40 : i32
      %lt3A_371 = arith.cmpi slt, %add3A_369, %lt3A_370 : i32
      %convert_element_type3A_372 = arith.extui %lt3A_371 : i1 to i32
      %cond3A_373 = arith.constant 0 : i32
      %cond3A_374 = arith.cmpi ne, %convert_element_type3A_372, %cond3A_373 : i32
      scf.if %cond3A_374 {
        %dma_wait3A_376 = arith.constant 1 : i32
        %dma_wait3A_377 = arith.constant 1 : i32
        %dma_wait3A_378 = arith.constant 0 : i32
        %dma_wait3A_379 = arith.constant 0 : i32
        %dma_wait3A_380 = tpu.memref_slice %arg8[%dma_wait3A_376, %dma_wait3A_378, %dma_wait3A_379] : memref<2x128x128xf32, #tpu.memory_space<vmem>> -> memref<1x128x128xf32, #tpu.memory_space<vmem>>
        %dma_wait3A_381 = tpu.memref_squeeze %dma_wait3A_380 : memref<1x128x128xf32, #tpu.memory_space<vmem>> -> memref<128x128xf32, #tpu.memory_space<vmem>>
        %dma_wait3A_382 = arith.constant 0 : i32
        %dma_wait3A_383 = tpu.memref_slice %arg7[%dma_wait3A_377, %dma_wait3A_382] : memref<2x128xi32, #tpu.memory_space<vmem>> -> memref<1x128xi32, #tpu.memory_space<vmem>>
        %dma_wait3A_384 = tpu.memref_squeeze %dma_wait3A_383 : memref<1x128xi32, #tpu.memory_space<vmem>> -> memref<128xi32, #tpu.memory_space<vmem>>
        %dma_wait3A_385 = arith.constant 0 : i32
        %dma_wait3A_386 = arith.constant 0 : i32
        %dma_wait3A_387 = tpu.memref_slice %arg11[%dma_wait3A_385, %dma_wait3A_386] : memref<10240x128xf32, #tpu.memory_space<vmem_shared>> -> memref<10240x128xf32, #tpu.memory_space<vmem_shared>>
        tpu.wait_indirect_dma semaphore(%arg16 : memref<!tpu.dma_semaphore, #tpu.memory_space<semaphore_mem>>) src(%dma_wait3A_381 : memref<128x128xf32, #tpu.memory_space<vmem>>) dst(%dma_wait3A_387 : memref<10240x128xf32, #tpu.memory_space<vmem_shared>>)
        %add3A_388 = arith.constant 2 : i32
        %add3A_389 = arith.addi %add3A_250, %add3A_388 : i32
        %mul3A_390 = arith.constant 128 : i32
        %mul3A_391 = arith.muli %add3A_389, %mul3A_390 : i32
        %add3A_392 = arith.addi %mul3A_2, %mul3A_391 : i32
        %dma_start3A_393 = arith.constant 1 : i32
        %dma_start3A_394 = arith.constant 0 : i32
        %dma_start3A_395 = tpu.memref_slice %arg7[%dma_start3A_393, %dma_start3A_394] : memref<2x128xi32, #tpu.memory_space<vmem>> -> memref<1x128xi32, #tpu.memory_space<vmem>>
        %dma_start3A_396 = tpu.memref_squeeze %dma_start3A_395 : memref<1x128xi32, #tpu.memory_space<vmem>> -> memref<128xi32, #tpu.memory_space<vmem>>
        %dma_start3A_397 = tpu.memref_slice %arg3[%add3A_392] : memref<163840xi32, #tpu.memory_space<hbm>> -> memref<128xi32, #tpu.memory_space<hbm>>
        %dma_start3A_398 = arith.constant 0 : i32
        %dma_start3A_399 = tpu.memref_slice %arg7[%dma_start3A_393, %dma_start3A_398] : memref<2x128xi32, #tpu.memory_space<vmem>> -> memref<1x128xi32, #tpu.memory_space<vmem>>
        %dma_start3A_400 = tpu.memref_squeeze %dma_start3A_399 : memref<1x128xi32, #tpu.memory_space<vmem>> -> memref<128xi32, #tpu.memory_space<vmem>>
        %dma_start3A_401 = tpu.memref_slice %arg3[%add3A_392] : memref<163840xi32, #tpu.memory_space<hbm>> -> memref<128xi32, #tpu.memory_space<hbm>>
        tpu.enqueue_dma source(%dma_start3A_401 : memref<128xi32, #tpu.memory_space<hbm>>) target(%dma_start3A_400 : memref<128xi32, #tpu.memory_space<vmem>>) target_semaphore(%arg14 : memref<!tpu.dma_semaphore, #tpu.memory_space<semaphore_mem>>)
        %dma_start3A_402 = arith.constant 1 : i32
        %dma_start3A_403 = arith.constant 0 : i32
        %dma_start3A_404 = arith.constant 0 : i32
        %dma_start3A_405 = tpu.memref_slice %arg8[%dma_start3A_402, %dma_start3A_403, %dma_start3A_404] : memref<2x128x128xf32, #tpu.memory_space<vmem>> -> memref<1x128x128xf32, #tpu.memory_space<vmem>>
        %dma_start3A_406 = tpu.memref_squeeze %dma_start3A_405 : memref<1x128x128xf32, #tpu.memory_space<vmem>> -> memref<128x128xf32, #tpu.memory_space<vmem>>
        %dma_start3A_407 = arith.constant 0 : i32
        %dma_start3A_408 = tpu.memref_slice %arg2[%add3A_392, %dma_start3A_407] : memref<163840x128xf32, #tpu.memory_space<hbm>> -> memref<128x128xf32, #tpu.memory_space<hbm>>
        %dma_start3A_409 = arith.constant 0 : i32
        %dma_start3A_410 = arith.constant 0 : i32
        %dma_start3A_411 = tpu.memref_slice %arg8[%dma_start3A_402, %dma_start3A_409, %dma_start3A_410] : memref<2x128x128xf32, #tpu.memory_space<vmem>> -> memref<1x128x128xf32, #tpu.memory_space<vmem>>
        %dma_start3A_412 = tpu.memref_squeeze %dma_start3A_411 : memref<1x128x128xf32, #tpu.memory_space<vmem>> -> memref<128x128xf32, #tpu.memory_space<vmem>>
        %dma_start3A_413 = arith.constant 0 : i32
        %dma_start3A_414 = tpu.memref_slice %arg2[%add3A_392, %dma_start3A_413] : memref<163840x128xf32, #tpu.memory_space<hbm>> -> memref<128x128xf32, #tpu.memory_space<hbm>>
        tpu.enqueue_dma source(%dma_start3A_414 : memref<128x128xf32, #tpu.memory_space<hbm>>) target(%dma_start3A_412 : memref<128x128xf32, #tpu.memory_space<vmem>>) target_semaphore(%arg14 : memref<!tpu.dma_semaphore, #tpu.memory_space<semaphore_mem>>)
      } else {
      }
      %scan3A_375 = arith.constant 0 : i32
      scf.yield %scan3A_375 : i32
    }
    %scan3A_90 = arith.constant 20 : i32
    %dma_wait3A = arith.constant 0 : i32
    %dma_wait3A_91 = arith.constant 0 : i32
    %dma_wait3A_92 = arith.constant 0 : i32
    %dma_wait3A_93 = arith.constant 0 : i32
    %dma_wait3A_94 = tpu.memref_slice %arg8[%dma_wait3A, %dma_wait3A_92, %dma_wait3A_93] : memref<2x128x128xf32, #tpu.memory_space<vmem>> -> memref<1x128x128xf32, #tpu.memory_space<vmem>>
    %dma_wait3A_95 = tpu.memref_squeeze %dma_wait3A_94 : memref<1x128x128xf32, #tpu.memory_space<vmem>> -> memref<128x128xf32, #tpu.memory_space<vmem>>
    %dma_wait3A_96 = arith.constant 0 : i32
    %dma_wait3A_97 = tpu.memref_slice %arg7[%dma_wait3A_91, %dma_wait3A_96] : memref<2x128xi32, #tpu.memory_space<vmem>> -> memref<1x128xi32, #tpu.memory_space<vmem>>
    %dma_wait3A_98 = tpu.memref_squeeze %dma_wait3A_97 : memref<1x128xi32, #tpu.memory_space<vmem>> -> memref<128xi32, #tpu.memory_space<vmem>>
    %dma_wait3A_99 = arith.constant 0 : i32
    %dma_wait3A_100 = arith.constant 0 : i32
    %dma_wait3A_101 = tpu.memref_slice %arg11[%dma_wait3A_99, %dma_wait3A_100] : memref<10240x128xf32, #tpu.memory_space<vmem_shared>> -> memref<10240x128xf32, #tpu.memory_space<vmem_shared>>
    tpu.wait_indirect_dma semaphore(%arg15 : memref<!tpu.dma_semaphore, #tpu.memory_space<semaphore_mem>>) src(%dma_wait3A_95 : memref<128x128xf32, #tpu.memory_space<vmem>>) dst(%dma_wait3A_101 : memref<10240x128xf32, #tpu.memory_space<vmem_shared>>)
    %dma_wait3A_102 = arith.constant 1 : i32
    %dma_wait3A_103 = arith.constant 1 : i32
    %dma_wait3A_104 = arith.constant 0 : i32
    %dma_wait3A_105 = arith.constant 0 : i32
    %dma_wait3A_106 = tpu.memref_slice %arg8[%dma_wait3A_102, %dma_wait3A_104, %dma_wait3A_105] : memref<2x128x128xf32, #tpu.memory_space<vmem>> -> memref<1x128x128xf32, #tpu.memory_space<vmem>>
    %dma_wait3A_107 = tpu.memref_squeeze %dma_wait3A_106 : memref<1x128x128xf32, #tpu.memory_space<vmem>> -> memref<128x128xf32, #tpu.memory_space<vmem>>
    %dma_wait3A_108 = arith.constant 0 : i32
    %dma_wait3A_109 = tpu.memref_slice %arg7[%dma_wait3A_103, %dma_wait3A_108] : memref<2x128xi32, #tpu.memory_space<vmem>> -> memref<1x128xi32, #tpu.memory_space<vmem>>
    %dma_wait3A_110 = tpu.memref_squeeze %dma_wait3A_109 : memref<1x128xi32, #tpu.memory_space<vmem>> -> memref<128xi32, #tpu.memory_space<vmem>>
    %dma_wait3A_111 = arith.constant 0 : i32
    %dma_wait3A_112 = arith.constant 0 : i32
    %dma_wait3A_113 = tpu.memref_slice %arg11[%dma_wait3A_111, %dma_wait3A_112] : memref<10240x128xf32, #tpu.memory_space<vmem_shared>> -> memref<10240x128xf32, #tpu.memory_space<vmem_shared>>
    tpu.wait_indirect_dma semaphore(%arg16 : memref<!tpu.dma_semaphore, #tpu.memory_space<semaphore_mem>>) src(%dma_wait3A_107 : memref<128x128xf32, #tpu.memory_space<vmem>>) dst(%dma_wait3A_113 : memref<10240x128xf32, #tpu.memory_space<vmem_shared>>)
    "tpu.region"() ({
      %run_scoped3A = tpu.sem_alloc : memref<!tpu.dma_semaphore, #tpu.memory_space<semaphore_mem>>
      %dma_start3A_120 = arith.constant 0 : i32
      %dma_start3A_121 = arith.constant 0 : i32
      %dma_start3A_122 = tpu.memref_slice %arg12[%dma_start3A_120, %dma_start3A_121] : memref<80x128xf32, #tpu.memory_space<vmem_shared>> -> memref<80x128xf32, #tpu.memory_space<vmem_shared>>
      tpu.enqueue_indirect_dma source(%arg9 : memref<80x128xf32, #tpu.memory_space<vmem>>) target(%dma_start3A_122 : memref<80x128xf32, #tpu.memory_space<vmem_shared>>) offsets(%arg10 : memref<80xi32, #tpu.memory_space<vmem>>) semaphore(%run_scoped3A : memref<!tpu.dma_semaphore, #tpu.memory_space<semaphore_mem>>) {add = true}
      %dma_wait3A_123 = arith.constant 0 : i32
      %dma_wait3A_124 = arith.constant 0 : i32
      %dma_wait3A_125 = tpu.memref_slice %arg12[%dma_wait3A_123, %dma_wait3A_124] : memref<80x128xf32, #tpu.memory_space<vmem_shared>> -> memref<80x128xf32, #tpu.memory_space<vmem_shared>>
      tpu.wait_indirect_dma semaphore(%run_scoped3A : memref<!tpu.dma_semaphore, #tpu.memory_space<semaphore_mem>>) src(%arg9 : memref<80x128xf32, #tpu.memory_space<vmem>>) dst(%dma_wait3A_125 : memref<80x128xf32, #tpu.memory_space<vmem_shared>>)
      tpu.yield
    }) : () -> ()
    %barrier3A_114 = arith.constant 0 : index
    tpu.barrier barrier_id(%barrier3A_114)
    "tpu.region"() ({
      %run_scoped3A = tpu.sem_alloc : memref<!tpu.dma_semaphore, #tpu.memory_space<semaphore_mem>>
      %dma_start3A_120 = arith.constant 0 : i32
      %dma_start3A_121 = arith.constant 0 : i32
      %dma_start3A_122 = tpu.memref_slice %arg5[%arg0, %dma_start3A_120, %dma_start3A_121] : memref<2x10240x128xf32, #tpu.memory_space<hbm>> -> memref<1x10240x128xf32, #tpu.memory_space<hbm>>
      %dma_start3A_123 = tpu.memref_squeeze %dma_start3A_122 : memref<1x10240x128xf32, #tpu.memory_space<hbm>> -> memref<10240x128xf32, #tpu.memory_space<hbm>>
      %dma_start3A_124 = arith.constant 0 : i32
      %dma_start3A_125 = tpu.memref_slice %dma_start3A_123[%mul3A_4, %dma_start3A_124] : memref<10240x128xf32, #tpu.memory_space<hbm>> -> memref<640x128xf32, #tpu.memory_space<hbm>>
      %dma_start3A_126 = arith.constant 0 : i32
      %dma_start3A_127 = tpu.memref_slice %arg11[%mul3A_4, %dma_start3A_126] : memref<10240x128xf32, #tpu.memory_space<vmem_shared>> -> memref<640x128xf32, #tpu.memory_space<vmem_shared>>
      tpu.enqueue_dma source(%dma_start3A_127 : memref<640x128xf32, #tpu.memory_space<vmem_shared>>) target(%dma_start3A_125 : memref<640x128xf32, #tpu.memory_space<hbm>>) target_semaphore(%run_scoped3A : memref<!tpu.dma_semaphore, #tpu.memory_space<semaphore_mem>>)
      %dma_wait3A_128 = arith.constant 0 : i32
      %dma_wait3A_129 = arith.constant 0 : i32
      %dma_wait3A_130 = tpu.memref_slice %arg5[%arg0, %dma_wait3A_128, %dma_wait3A_129] : memref<2x10240x128xf32, #tpu.memory_space<hbm>> -> memref<1x10240x128xf32, #tpu.memory_space<hbm>>
      %dma_wait3A_131 = tpu.memref_squeeze %dma_wait3A_130 : memref<1x10240x128xf32, #tpu.memory_space<hbm>> -> memref<10240x128xf32, #tpu.memory_space<hbm>>
      %dma_wait3A_132 = arith.constant 0 : i32
      %dma_wait3A_133 = tpu.memref_slice %dma_wait3A_131[%mul3A_4, %dma_wait3A_132] : memref<10240x128xf32, #tpu.memory_space<hbm>> -> memref<640x128xf32, #tpu.memory_space<hbm>>
      %dma_wait3A_134 = arith.constant 0 : i32
      %dma_wait3A_135 = tpu.memref_slice %arg11[%mul3A_4, %dma_wait3A_134] : memref<10240x128xf32, #tpu.memory_space<vmem_shared>> -> memref<640x128xf32, #tpu.memory_space<vmem_shared>>
      tpu.wait_dma2 semaphore(%run_scoped3A : memref<!tpu.dma_semaphore, #tpu.memory_space<semaphore_mem>>) src(%dma_wait3A_135 : memref<640x128xf32, #tpu.memory_space<vmem_shared>>) dst(%dma_wait3A_133 : memref<640x128xf32, #tpu.memory_space<hbm>>)
      tpu.yield
    }) : () -> ()
    %lt3A_115 = arith.constant 10 : i32
    %lt3A_116 = arith.cmpi slt, %arg1, %lt3A_115 : i32
    %convert_element_type3A_117 = arith.extui %lt3A_116 : i1 to i32
    %cond3A_118 = arith.constant 0 : i32
    %cond3A_119 = arith.cmpi ne, %convert_element_type3A_117, %cond3A_118 : i32
    scf.if %cond3A_119 {
      "tpu.region"() ({
        %run_scoped3A = tpu.sem_alloc : memref<!tpu.dma_semaphore, #tpu.memory_space<semaphore_mem>>
        %dma_start3A_120 = arith.constant 0 : i32
        %dma_start3A_121 = arith.constant 0 : i32
        %dma_start3A_122 = tpu.memref_slice %arg6[%arg0, %dma_start3A_120, %dma_start3A_121] : memref<2x80x128xf32, #tpu.memory_space<hbm>> -> memref<1x80x128xf32, #tpu.memory_space<hbm>>
        %dma_start3A_123 = tpu.memref_squeeze %dma_start3A_122 : memref<1x80x128xf32, #tpu.memory_space<hbm>> -> memref<80x128xf32, #tpu.memory_space<hbm>>
        %dma_start3A_124 = arith.constant 0 : i32
        %dma_start3A_125 = tpu.memref_slice %dma_start3A_123[%mul3A_6, %dma_start3A_124] : memref<80x128xf32, #tpu.memory_space<hbm>> -> memref<8x128xf32, #tpu.memory_space<hbm>>
        %dma_start3A_126 = arith.constant 0 : i32
        %dma_start3A_127 = tpu.memref_slice %arg12[%mul3A_6, %dma_start3A_126] : memref<80x128xf32, #tpu.memory_space<vmem_shared>> -> memref<8x128xf32, #tpu.memory_space<vmem_shared>>
        tpu.enqueue_dma source(%dma_start3A_127 : memref<8x128xf32, #tpu.memory_space<vmem_shared>>) target(%dma_start3A_125 : memref<8x128xf32, #tpu.memory_space<hbm>>) target_semaphore(%run_scoped3A : memref<!tpu.dma_semaphore, #tpu.memory_space<semaphore_mem>>)
        %dma_wait3A_128 = arith.constant 0 : i32
        %dma_wait3A_129 = arith.constant 0 : i32
        %dma_wait3A_130 = tpu.memref_slice %arg6[%arg0, %dma_wait3A_128, %dma_wait3A_129] : memref<2x80x128xf32, #tpu.memory_space<hbm>> -> memref<1x80x128xf32, #tpu.memory_space<hbm>>
        %dma_wait3A_131 = tpu.memref_squeeze %dma_wait3A_130 : memref<1x80x128xf32, #tpu.memory_space<hbm>> -> memref<80x128xf32, #tpu.memory_space<hbm>>
        %dma_wait3A_132 = arith.constant 0 : i32
        %dma_wait3A_133 = tpu.memref_slice %dma_wait3A_131[%mul3A_6, %dma_wait3A_132] : memref<80x128xf32, #tpu.memory_space<hbm>> -> memref<8x128xf32, #tpu.memory_space<hbm>>
        %dma_wait3A_134 = arith.constant 0 : i32
        %dma_wait3A_135 = tpu.memref_slice %arg12[%mul3A_6, %dma_wait3A_134] : memref<80x128xf32, #tpu.memory_space<vmem_shared>> -> memref<8x128xf32, #tpu.memory_space<vmem_shared>>
        tpu.wait_dma2 semaphore(%run_scoped3A : memref<!tpu.dma_semaphore, #tpu.memory_space<semaphore_mem>>) src(%dma_wait3A_135 : memref<8x128xf32, #tpu.memory_space<vmem_shared>>) dst(%dma_wait3A_133 : memref<8x128xf32, #tpu.memory_space<hbm>>)
        tpu.yield
      }) : () -> ()
    } else {
    }
    return
  }
}

#map = affine_map<(d0, d1) -> (0, 0)>
#map1 = affine_map<(d0, d1) -> (0)>
module attributes {stable_mosaic.version = 14 : i64} {
  func.func @_gather_body(%arg0: i32, %arg1: i32, %arg2: memref<32768x128xf32, #tpu.memory_space<hbm>>, %arg3: memref<10000x128xf32, #tpu.memory_space<hbm>>, %arg4: memref<163840xi32, #tpu.memory_space<hbm>>, %arg5: memref<163840xi32, #tpu.memory_space<hbm>>, %arg6: memref<163840x128xf32, #tpu.memory_space<hbm>>, %arg7: memref<163840x128xf32, #tpu.memory_space<hbm>>, %arg8: memref<7424xi32, #tpu.memory_space<vmem>>, %arg9: memref<7424xi32, #tpu.memory_space<vmem>>, %arg10: memref<2x128x128xf32, #tpu.memory_space<vmem>>, %arg11: memref<2x128x128xf32, #tpu.memory_space<vmem>>, %arg12: memref<!tpu.dma_semaphore, #tpu.memory_space<semaphore_mem>>, %arg13: memref<!tpu.dma_semaphore, #tpu.memory_space<semaphore_mem>>, %arg14: memref<!tpu.dma_semaphore, #tpu.memory_space<semaphore_mem>>, %arg15: memref<!tpu.dma_semaphore, #tpu.memory_space<semaphore_mem>>) attributes {dimension_semantics = [#tpu.dimension_semantics<core_parallel>, #tpu.dimension_semantics<subcore_parallel>], iteration_bounds = array<i64: 2, 16>, scalar_prefetch = 0 : i64, scratch_operands = 8 : i64, tpu.core_type = #tpu.core_type<sc_vector_subcore>, window_params = [{transform_indices = #map}, {transform_indices = #map}, {transform_indices = #map1}, {transform_indices = #map1}, {transform_indices = #map}, {transform_indices = #map}]} {
    %mul3A = arith.constant 10240 : i32
    %mul3A_0 = arith.muli %arg1, %mul3A : i32
    %eq3A = arith.constant 0 : i32
    %eq3A_1 = arith.cmpi eq, %arg0, %eq3A : i32
    %jit3A = arith.constant 0 : i32
    %jit3A_2 = arith.constant 7424 : i32
    %select_n3A = arith.select %eq3A_1, %jit3A, %jit3A_2 : i32
    %add3A = arith.addi %mul3A_0, %select_n3A : i32
    %eq3A_3 = arith.constant 0 : i32
    %eq3A_4 = arith.cmpi eq, %arg0, %eq3A_3 : i32
    %jit3A_5 = arith.constant 58 : i32
    %jit3A_6 = arith.constant 22 : i32
    %select_n3A_7 = arith.select %eq3A_4, %jit3A_5, %jit3A_6 : i32
    %eq3A_8 = arith.constant 0 : i32
    %eq3A_9 = arith.cmpi eq, %arg0, %eq3A_8 : i32
    %convert_element_type3A = arith.extui %eq3A_9 : i1 to i32
    %cond3A = arith.constant 0 : i32
    %cond3A_10 = arith.cmpi ne, %convert_element_type3A, %cond3A : i32
    scf.if %cond3A_10 {
      "tpu.region"() ({
        %run_scoped3A = tpu.sem_alloc : memref<!tpu.dma_semaphore, #tpu.memory_space<semaphore_mem>>
        %dma_start3A_149 = arith.constant 0 : i32
        %dma_start3A_150 = tpu.memref_slice %arg8[%dma_start3A_149] : memref<7424xi32, #tpu.memory_space<vmem>> -> memref<7424xi32, #tpu.memory_space<vmem>>
        %dma_start3A_151 = tpu.memref_slice %arg4[%add3A] : memref<163840xi32, #tpu.memory_space<hbm>> -> memref<7424xi32, #tpu.memory_space<hbm>>
        %dma_start3A_152 = arith.constant 0 : i32
        %dma_start3A_153 = tpu.memref_slice %arg8[%dma_start3A_152] : memref<7424xi32, #tpu.memory_space<vmem>> -> memref<7424xi32, #tpu.memory_space<vmem>>
        %dma_start3A_154 = tpu.memref_slice %arg4[%add3A] : memref<163840xi32, #tpu.memory_space<hbm>> -> memref<7424xi32, #tpu.memory_space<hbm>>
        tpu.enqueue_dma source(%dma_start3A_154 : memref<7424xi32, #tpu.memory_space<hbm>>) target(%dma_start3A_153 : memref<7424xi32, #tpu.memory_space<vmem>>) target_semaphore(%run_scoped3A : memref<!tpu.dma_semaphore, #tpu.memory_space<semaphore_mem>>)
        %dma_wait3A_155 = arith.constant 0 : i32
        %dma_wait3A_156 = tpu.memref_slice %arg8[%dma_wait3A_155] : memref<7424xi32, #tpu.memory_space<vmem>> -> memref<7424xi32, #tpu.memory_space<vmem>>
        %dma_wait3A_157 = tpu.memref_slice %arg4[%add3A] : memref<163840xi32, #tpu.memory_space<hbm>> -> memref<7424xi32, #tpu.memory_space<hbm>>
        %dma_wait3A_158 = arith.constant 0 : i32
        %dma_wait3A_159 = tpu.memref_slice %arg8[%dma_wait3A_158] : memref<7424xi32, #tpu.memory_space<vmem>> -> memref<7424xi32, #tpu.memory_space<vmem>>
        %dma_wait3A_160 = tpu.memref_slice %arg4[%add3A] : memref<163840xi32, #tpu.memory_space<hbm>> -> memref<7424xi32, #tpu.memory_space<hbm>>
        tpu.wait_dma2 semaphore(%run_scoped3A : memref<!tpu.dma_semaphore, #tpu.memory_space<semaphore_mem>>) src(%dma_wait3A_160 : memref<7424xi32, #tpu.memory_space<hbm>>) dst(%dma_wait3A_159 : memref<7424xi32, #tpu.memory_space<vmem>>)
        tpu.yield
      }) : () -> ()
      "tpu.region"() ({
        %run_scoped3A = tpu.sem_alloc : memref<!tpu.dma_semaphore, #tpu.memory_space<semaphore_mem>>
        %dma_start3A_149 = arith.constant 0 : i32
        %dma_start3A_150 = tpu.memref_slice %arg9[%dma_start3A_149] : memref<7424xi32, #tpu.memory_space<vmem>> -> memref<7424xi32, #tpu.memory_space<vmem>>
        %dma_start3A_151 = tpu.memref_slice %arg5[%add3A] : memref<163840xi32, #tpu.memory_space<hbm>> -> memref<7424xi32, #tpu.memory_space<hbm>>
        %dma_start3A_152 = arith.constant 0 : i32
        %dma_start3A_153 = tpu.memref_slice %arg9[%dma_start3A_152] : memref<7424xi32, #tpu.memory_space<vmem>> -> memref<7424xi32, #tpu.memory_space<vmem>>
        %dma_start3A_154 = tpu.memref_slice %arg5[%add3A] : memref<163840xi32, #tpu.memory_space<hbm>> -> memref<7424xi32, #tpu.memory_space<hbm>>
        tpu.enqueue_dma source(%dma_start3A_154 : memref<7424xi32, #tpu.memory_space<hbm>>) target(%dma_start3A_153 : memref<7424xi32, #tpu.memory_space<vmem>>) target_semaphore(%run_scoped3A : memref<!tpu.dma_semaphore, #tpu.memory_space<semaphore_mem>>)
        %dma_wait3A_155 = arith.constant 0 : i32
        %dma_wait3A_156 = tpu.memref_slice %arg9[%dma_wait3A_155] : memref<7424xi32, #tpu.memory_space<vmem>> -> memref<7424xi32, #tpu.memory_space<vmem>>
        %dma_wait3A_157 = tpu.memref_slice %arg5[%add3A] : memref<163840xi32, #tpu.memory_space<hbm>> -> memref<7424xi32, #tpu.memory_space<hbm>>
        %dma_wait3A_158 = arith.constant 0 : i32
        %dma_wait3A_159 = tpu.memref_slice %arg9[%dma_wait3A_158] : memref<7424xi32, #tpu.memory_space<vmem>> -> memref<7424xi32, #tpu.memory_space<vmem>>
        %dma_wait3A_160 = tpu.memref_slice %arg5[%add3A] : memref<163840xi32, #tpu.memory_space<hbm>> -> memref<7424xi32, #tpu.memory_space<hbm>>
        tpu.wait_dma2 semaphore(%run_scoped3A : memref<!tpu.dma_semaphore, #tpu.memory_space<semaphore_mem>>) src(%dma_wait3A_160 : memref<7424xi32, #tpu.memory_space<hbm>>) dst(%dma_wait3A_159 : memref<7424xi32, #tpu.memory_space<vmem>>)
        tpu.yield
      }) : () -> ()
    } else {
    }
    %eq3A_11 = arith.constant 1 : i32
    %eq3A_12 = arith.cmpi eq, %arg0, %eq3A_11 : i32
    %convert_element_type3A_13 = arith.extui %eq3A_12 : i1 to i32
    %cond3A_14 = arith.constant 0 : i32
    %cond3A_15 = arith.cmpi ne, %convert_element_type3A_13, %cond3A_14 : i32
    scf.if %cond3A_15 {
      "tpu.region"() ({
        %run_scoped3A = tpu.sem_alloc : memref<!tpu.dma_semaphore, #tpu.memory_space<semaphore_mem>>
        %dma_start3A_149 = arith.constant 0 : i32
        %dma_start3A_150 = tpu.memref_slice %arg8[%dma_start3A_149] : memref<7424xi32, #tpu.memory_space<vmem>> -> memref<2816xi32, #tpu.memory_space<vmem>>
        %dma_start3A_151 = tpu.memref_slice %arg4[%add3A] : memref<163840xi32, #tpu.memory_space<hbm>> -> memref<2816xi32, #tpu.memory_space<hbm>>
        %dma_start3A_152 = arith.constant 0 : i32
        %dma_start3A_153 = tpu.memref_slice %arg8[%dma_start3A_152] : memref<7424xi32, #tpu.memory_space<vmem>> -> memref<2816xi32, #tpu.memory_space<vmem>>
        %dma_start3A_154 = tpu.memref_slice %arg4[%add3A] : memref<163840xi32, #tpu.memory_space<hbm>> -> memref<2816xi32, #tpu.memory_space<hbm>>
        tpu.enqueue_dma source(%dma_start3A_154 : memref<2816xi32, #tpu.memory_space<hbm>>) target(%dma_start3A_153 : memref<2816xi32, #tpu.memory_space<vmem>>) target_semaphore(%run_scoped3A : memref<!tpu.dma_semaphore, #tpu.memory_space<semaphore_mem>>)
        %dma_wait3A_155 = arith.constant 0 : i32
        %dma_wait3A_156 = tpu.memref_slice %arg8[%dma_wait3A_155] : memref<7424xi32, #tpu.memory_space<vmem>> -> memref<2816xi32, #tpu.memory_space<vmem>>
        %dma_wait3A_157 = tpu.memref_slice %arg4[%add3A] : memref<163840xi32, #tpu.memory_space<hbm>> -> memref<2816xi32, #tpu.memory_space<hbm>>
        %dma_wait3A_158 = arith.constant 0 : i32
        %dma_wait3A_159 = tpu.memref_slice %arg8[%dma_wait3A_158] : memref<7424xi32, #tpu.memory_space<vmem>> -> memref<2816xi32, #tpu.memory_space<vmem>>
        %dma_wait3A_160 = tpu.memref_slice %arg4[%add3A] : memref<163840xi32, #tpu.memory_space<hbm>> -> memref<2816xi32, #tpu.memory_space<hbm>>
        tpu.wait_dma2 semaphore(%run_scoped3A : memref<!tpu.dma_semaphore, #tpu.memory_space<semaphore_mem>>) src(%dma_wait3A_160 : memref<2816xi32, #tpu.memory_space<hbm>>) dst(%dma_wait3A_159 : memref<2816xi32, #tpu.memory_space<vmem>>)
        tpu.yield
      }) : () -> ()
      "tpu.region"() ({
        %run_scoped3A = tpu.sem_alloc : memref<!tpu.dma_semaphore, #tpu.memory_space<semaphore_mem>>
        %dma_start3A_149 = arith.constant 0 : i32
        %dma_start3A_150 = tpu.memref_slice %arg9[%dma_start3A_149] : memref<7424xi32, #tpu.memory_space<vmem>> -> memref<2816xi32, #tpu.memory_space<vmem>>
        %dma_start3A_151 = tpu.memref_slice %arg5[%add3A] : memref<163840xi32, #tpu.memory_space<hbm>> -> memref<2816xi32, #tpu.memory_space<hbm>>
        %dma_start3A_152 = arith.constant 0 : i32
        %dma_start3A_153 = tpu.memref_slice %arg9[%dma_start3A_152] : memref<7424xi32, #tpu.memory_space<vmem>> -> memref<2816xi32, #tpu.memory_space<vmem>>
        %dma_start3A_154 = tpu.memref_slice %arg5[%add3A] : memref<163840xi32, #tpu.memory_space<hbm>> -> memref<2816xi32, #tpu.memory_space<hbm>>
        tpu.enqueue_dma source(%dma_start3A_154 : memref<2816xi32, #tpu.memory_space<hbm>>) target(%dma_start3A_153 : memref<2816xi32, #tpu.memory_space<vmem>>) target_semaphore(%run_scoped3A : memref<!tpu.dma_semaphore, #tpu.memory_space<semaphore_mem>>)
        %dma_wait3A_155 = arith.constant 0 : i32
        %dma_wait3A_156 = tpu.memref_slice %arg9[%dma_wait3A_155] : memref<7424xi32, #tpu.memory_space<vmem>> -> memref<2816xi32, #tpu.memory_space<vmem>>
        %dma_wait3A_157 = tpu.memref_slice %arg5[%add3A] : memref<163840xi32, #tpu.memory_space<hbm>> -> memref<2816xi32, #tpu.memory_space<hbm>>
        %dma_wait3A_158 = arith.constant 0 : i32
        %dma_wait3A_159 = tpu.memref_slice %arg9[%dma_wait3A_158] : memref<7424xi32, #tpu.memory_space<vmem>> -> memref<2816xi32, #tpu.memory_space<vmem>>
        %dma_wait3A_160 = tpu.memref_slice %arg5[%add3A] : memref<163840xi32, #tpu.memory_space<hbm>> -> memref<2816xi32, #tpu.memory_space<hbm>>
        tpu.wait_dma2 semaphore(%run_scoped3A : memref<!tpu.dma_semaphore, #tpu.memory_space<semaphore_mem>>) src(%dma_wait3A_160 : memref<2816xi32, #tpu.memory_space<hbm>>) dst(%dma_wait3A_159 : memref<2816xi32, #tpu.memory_space<vmem>>)
        tpu.yield
      }) : () -> ()
    } else {
    }
    %dma_start3A = arith.constant 0 : i32
    %dma_start3A_16 = arith.constant 0 : i32
    %dma_start3A_17 = arith.constant 0 : i32
    %dma_start3A_18 = tpu.memref_slice %arg10[%dma_start3A, %dma_start3A_16, %dma_start3A_17] : memref<2x128x128xf32, #tpu.memory_space<vmem>> -> memref<1x128x128xf32, #tpu.memory_space<vmem>>
    %dma_start3A_19 = tpu.memref_squeeze %dma_start3A_18 : memref<1x128x128xf32, #tpu.memory_space<vmem>> -> memref<128x128xf32, #tpu.memory_space<vmem>>
    %dma_start3A_20 = arith.constant 0 : i32
    %dma_start3A_21 = tpu.memref_slice %arg8[%dma_start3A_20] : memref<7424xi32, #tpu.memory_space<vmem>> -> memref<128xi32, #tpu.memory_space<vmem>>
    %dma_start3A_22 = arith.constant 0 : i32
    %dma_start3A_23 = arith.constant 0 : i32
    %dma_start3A_24 = tpu.memref_slice %arg2[%dma_start3A_22, %dma_start3A_23] : memref<32768x128xf32, #tpu.memory_space<hbm>> -> memref<32768x128xf32, #tpu.memory_space<hbm>>
    tpu.enqueue_indirect_dma source(%dma_start3A_24 : memref<32768x128xf32, #tpu.memory_space<hbm>>) target(%dma_start3A_19 : memref<128x128xf32, #tpu.memory_space<vmem>>) offsets(%dma_start3A_21 : memref<128xi32, #tpu.memory_space<vmem>>) semaphore(%arg12 : memref<!tpu.dma_semaphore, #tpu.memory_space<semaphore_mem>>)
    %dma_start3A_25 = arith.constant 0 : i32
    %dma_start3A_26 = arith.constant 0 : i32
    %dma_start3A_27 = arith.constant 0 : i32
    %dma_start3A_28 = tpu.memref_slice %arg11[%dma_start3A_25, %dma_start3A_26, %dma_start3A_27] : memref<2x128x128xf32, #tpu.memory_space<vmem>> -> memref<1x128x128xf32, #tpu.memory_space<vmem>>
    %dma_start3A_29 = tpu.memref_squeeze %dma_start3A_28 : memref<1x128x128xf32, #tpu.memory_space<vmem>> -> memref<128x128xf32, #tpu.memory_space<vmem>>
    %dma_start3A_30 = arith.constant 0 : i32
    %dma_start3A_31 = tpu.memref_slice %arg9[%dma_start3A_30] : memref<7424xi32, #tpu.memory_space<vmem>> -> memref<128xi32, #tpu.memory_space<vmem>>
    %dma_start3A_32 = arith.constant 0 : i32
    %dma_start3A_33 = arith.constant 0 : i32
    %dma_start3A_34 = tpu.memref_slice %arg3[%dma_start3A_32, %dma_start3A_33] : memref<10000x128xf32, #tpu.memory_space<hbm>> -> memref<10000x128xf32, #tpu.memory_space<hbm>>
    tpu.enqueue_indirect_dma source(%dma_start3A_34 : memref<10000x128xf32, #tpu.memory_space<hbm>>) target(%dma_start3A_29 : memref<128x128xf32, #tpu.memory_space<vmem>>) offsets(%dma_start3A_31 : memref<128xi32, #tpu.memory_space<vmem>>) semaphore(%arg12 : memref<!tpu.dma_semaphore, #tpu.memory_space<semaphore_mem>>)
    %dma_start3A_35 = arith.constant 1 : i32
    %dma_start3A_36 = arith.constant 0 : i32
    %dma_start3A_37 = arith.constant 0 : i32
    %dma_start3A_38 = tpu.memref_slice %arg10[%dma_start3A_35, %dma_start3A_36, %dma_start3A_37] : memref<2x128x128xf32, #tpu.memory_space<vmem>> -> memref<1x128x128xf32, #tpu.memory_space<vmem>>
    %dma_start3A_39 = tpu.memref_squeeze %dma_start3A_38 : memref<1x128x128xf32, #tpu.memory_space<vmem>> -> memref<128x128xf32, #tpu.memory_space<vmem>>
    %dma_start3A_40 = arith.constant 128 : i32
    %dma_start3A_41 = tpu.memref_slice %arg8[%dma_start3A_40] : memref<7424xi32, #tpu.memory_space<vmem>> -> memref<128xi32, #tpu.memory_space<vmem>>
    %dma_start3A_42 = arith.constant 0 : i32
    %dma_start3A_43 = arith.constant 0 : i32
    %dma_start3A_44 = tpu.memref_slice %arg2[%dma_start3A_42, %dma_start3A_43] : memref<32768x128xf32, #tpu.memory_space<hbm>> -> memref<32768x128xf32, #tpu.memory_space<hbm>>
    tpu.enqueue_indirect_dma source(%dma_start3A_44 : memref<32768x128xf32, #tpu.memory_space<hbm>>) target(%dma_start3A_39 : memref<128x128xf32, #tpu.memory_space<vmem>>) offsets(%dma_start3A_41 : memref<128xi32, #tpu.memory_space<vmem>>) semaphore(%arg13 : memref<!tpu.dma_semaphore, #tpu.memory_space<semaphore_mem>>)
    %dma_start3A_45 = arith.constant 1 : i32
    %dma_start3A_46 = arith.constant 0 : i32
    %dma_start3A_47 = arith.constant 0 : i32
    %dma_start3A_48 = tpu.memref_slice %arg11[%dma_start3A_45, %dma_start3A_46, %dma_start3A_47] : memref<2x128x128xf32, #tpu.memory_space<vmem>> -> memref<1x128x128xf32, #tpu.memory_space<vmem>>
    %dma_start3A_49 = tpu.memref_squeeze %dma_start3A_48 : memref<1x128x128xf32, #tpu.memory_space<vmem>> -> memref<128x128xf32, #tpu.memory_space<vmem>>
    %dma_start3A_50 = arith.constant 128 : i32
    %dma_start3A_51 = tpu.memref_slice %arg9[%dma_start3A_50] : memref<7424xi32, #tpu.memory_space<vmem>> -> memref<128xi32, #tpu.memory_space<vmem>>
    %dma_start3A_52 = arith.constant 0 : i32
    %dma_start3A_53 = arith.constant 0 : i32
    %dma_start3A_54 = tpu.memref_slice %arg3[%dma_start3A_52, %dma_start3A_53] : memref<10000x128xf32, #tpu.memory_space<hbm>> -> memref<10000x128xf32, #tpu.memory_space<hbm>>
    tpu.enqueue_indirect_dma source(%dma_start3A_54 : memref<10000x128xf32, #tpu.memory_space<hbm>>) target(%dma_start3A_49 : memref<128x128xf32, #tpu.memory_space<vmem>>) offsets(%dma_start3A_51 : memref<128xi32, #tpu.memory_space<vmem>>) semaphore(%arg13 : memref<!tpu.dma_semaphore, #tpu.memory_space<semaphore_mem>>)
    %jit3A_55 = arith.constant 2 : i32
    %div3A = arith.divsi %select_n3A_7, %jit3A_55 : i32
    %sign3A = arith.constant 0 : i32
    %sign3A_56 = arith.cmpi sgt, %select_n3A_7, %sign3A : i32
    %sign3A_57 = arith.extui %sign3A_56 : i1 to i32
    %sign3A_58 = arith.constant 0 : i32
    %sign3A_59 = arith.cmpi slt, %select_n3A_7, %sign3A_58 : i32
    %sign3A_60 = arith.extui %sign3A_59 : i1 to i32
    %sign3A_61 = arith.subi %sign3A_57, %sign3A_60 : i32
    %sign3A_62 = arith.constant 0 : i32
    %sign3A_63 = arith.cmpi sgt, %jit3A_55, %sign3A_62 : i32
    %sign3A_64 = arith.extui %sign3A_63 : i1 to i32
    %sign3A_65 = arith.constant 0 : i32
    %sign3A_66 = arith.cmpi slt, %jit3A_55, %sign3A_65 : i32
    %sign3A_67 = arith.extui %sign3A_66 : i1 to i32
    %sign3A_68 = arith.subi %sign3A_64, %sign3A_67 : i32
    %ne3A = arith.cmpi ne, %sign3A_61, %sign3A_68 : i32
    %rem3A = arith.remsi %select_n3A_7, %jit3A_55 : i32
    %ne3A_69 = arith.constant 0 : i32
    %ne3A_70 = arith.cmpi ne, %rem3A, %ne3A_69 : i32
    %and3A = arith.andi %ne3A, %ne3A_70 : i1
    %sub3A = arith.constant 1 : i32
    %sub3A_71 = arith.subi %div3A, %sub3A : i32
    %select_n3A_72 = arith.select %and3A, %sub3A_71, %div3A : i32
    %while3A = arith.constant 0 : i32
    %while3A_73 = arith.constant 0 : i32
    %while3A_74 = arith.subi %select_n3A_72, %while3A : i32
    %while3A_75 = arith.addi %while3A, %while3A_74 : i32
    %while3A_76 = arith.constant 1 : i32
    %while3A_77 = arith.divsi %while3A_74, %while3A_76 : i32
    %while3A_78 = arith.muli %while3A_77, %while3A_76 : i32
    %while3A_79 = arith.addi %while3A, %while3A_78 : i32
    %while3A_80 = arith.constant 1 : i32
    %while3A_81 = scf.for %while3A_149 = %while3A to %while3A_79 step %while3A_80 iter_args(%while3A_150 = %while3A_73) -> (i32)  : i32 {
      %mul3A_151 = arith.constant 2 : i32
      %mul3A_152 = arith.muli %while3A_149, %mul3A_151 : i32
      %add3A_153 = arith.constant 0 : i32
      %add3A_154 = arith.addi %mul3A_152, %add3A_153 : i32
      %mul3A_155 = arith.constant 128 : i32
      %mul3A_156 = arith.muli %add3A_154, %mul3A_155 : i32
      %dma_wait3A_157 = arith.constant 0 : i32
      %dma_wait3A_158 = arith.constant 0 : i32
      %dma_wait3A_159 = arith.constant 0 : i32
      %dma_wait3A_160 = tpu.memref_slice %arg10[%dma_wait3A_157, %dma_wait3A_158, %dma_wait3A_159] : memref<2x128x128xf32, #tpu.memory_space<vmem>> -> memref<1x128x128xf32, #tpu.memory_space<vmem>>
      %dma_wait3A_161 = tpu.memref_squeeze %dma_wait3A_160 : memref<1x128x128xf32, #tpu.memory_space<vmem>> -> memref<128x128xf32, #tpu.memory_space<vmem>>
      %dma_wait3A_162 = tpu.memref_slice %arg8[%mul3A_156] : memref<7424xi32, #tpu.memory_space<vmem>> -> memref<128xi32, #tpu.memory_space<vmem>>
      %dma_wait3A_163 = arith.constant 0 : i32
      %dma_wait3A_164 = arith.constant 0 : i32
      %dma_wait3A_165 = tpu.memref_slice %arg2[%dma_wait3A_163, %dma_wait3A_164] : memref<32768x128xf32, #tpu.memory_space<hbm>> -> memref<32768x128xf32, #tpu.memory_space<hbm>>
      tpu.wait_indirect_dma semaphore(%arg12 : memref<!tpu.dma_semaphore, #tpu.memory_space<semaphore_mem>>) src(%dma_wait3A_165 : memref<32768x128xf32, #tpu.memory_space<hbm>>) dst(%dma_wait3A_161 : memref<128x128xf32, #tpu.memory_space<vmem>>)
      %dma_wait3A_166 = arith.constant 0 : i32
      %dma_wait3A_167 = arith.constant 0 : i32
      %dma_wait3A_168 = arith.constant 0 : i32
      %dma_wait3A_169 = tpu.memref_slice %arg11[%dma_wait3A_166, %dma_wait3A_167, %dma_wait3A_168] : memref<2x128x128xf32, #tpu.memory_space<vmem>> -> memref<1x128x128xf32, #tpu.memory_space<vmem>>
      %dma_wait3A_170 = tpu.memref_squeeze %dma_wait3A_169 : memref<1x128x128xf32, #tpu.memory_space<vmem>> -> memref<128x128xf32, #tpu.memory_space<vmem>>
      %dma_wait3A_171 = tpu.memref_slice %arg9[%mul3A_156] : memref<7424xi32, #tpu.memory_space<vmem>> -> memref<128xi32, #tpu.memory_space<vmem>>
      %dma_wait3A_172 = arith.constant 0 : i32
      %dma_wait3A_173 = arith.constant 0 : i32
      %dma_wait3A_174 = tpu.memref_slice %arg3[%dma_wait3A_172, %dma_wait3A_173] : memref<10000x128xf32, #tpu.memory_space<hbm>> -> memref<10000x128xf32, #tpu.memory_space<hbm>>
      tpu.wait_indirect_dma semaphore(%arg12 : memref<!tpu.dma_semaphore, #tpu.memory_space<semaphore_mem>>) src(%dma_wait3A_174 : memref<10000x128xf32, #tpu.memory_space<hbm>>) dst(%dma_wait3A_170 : memref<128x128xf32, #tpu.memory_space<vmem>>)
      %mul3A_175 = arith.constant 128 : i32
      %mul3A_176 = arith.muli %add3A_154, %mul3A_175 : i32
      %add3A_177 = arith.addi %add3A, %mul3A_176 : i32
      %dma_start3A_178 = arith.constant 0 : i32
      %dma_start3A_179 = arith.constant 0 : i32
      %dma_start3A_180 = arith.constant 0 : i32
      %dma_start3A_181 = tpu.memref_slice %arg10[%dma_start3A_178, %dma_start3A_179, %dma_start3A_180] : memref<2x128x128xf32, #tpu.memory_space<vmem>> -> memref<1x128x128xf32, #tpu.memory_space<vmem>>
      %dma_start3A_182 = tpu.memref_squeeze %dma_start3A_181 : memref<1x128x128xf32, #tpu.memory_space<vmem>> -> memref<128x128xf32, #tpu.memory_space<vmem>>
      %dma_start3A_183 = arith.constant 0 : i32
      %dma_start3A_184 = tpu.memref_slice %arg6[%add3A_177, %dma_start3A_183] : memref<163840x128xf32, #tpu.memory_space<hbm>> -> memref<128x128xf32, #tpu.memory_space<hbm>>
      %dma_start3A_185 = arith.constant 0 : i32
      %dma_start3A_186 = tpu.memref_slice %arg6[%add3A_177, %dma_start3A_185] : memref<163840x128xf32, #tpu.memory_space<hbm>> -> memref<128x128xf32, #tpu.memory_space<hbm>>
      %dma_start3A_187 = arith.constant 0 : i32
      %dma_start3A_188 = arith.constant 0 : i32
      %dma_start3A_189 = tpu.memref_slice %arg10[%dma_start3A_178, %dma_start3A_187, %dma_start3A_188] : memref<2x128x128xf32, #tpu.memory_space<vmem>> -> memref<1x128x128xf32, #tpu.memory_space<vmem>>
      %dma_start3A_190 = tpu.memref_squeeze %dma_start3A_189 : memref<1x128x128xf32, #tpu.memory_space<vmem>> -> memref<128x128xf32, #tpu.memory_space<vmem>>
      tpu.enqueue_dma source(%dma_start3A_190 : memref<128x128xf32, #tpu.memory_space<vmem>>) target(%dma_start3A_186 : memref<128x128xf32, #tpu.memory_space<hbm>>) target_semaphore(%arg14 : memref<!tpu.dma_semaphore, #tpu.memory_space<semaphore_mem>>)
      %dma_start3A_191 = arith.constant 0 : i32
      %dma_start3A_192 = arith.constant 0 : i32
      %dma_start3A_193 = arith.constant 0 : i32
      %dma_start3A_194 = tpu.memref_slice %arg11[%dma_start3A_191, %dma_start3A_192, %dma_start3A_193] : memref<2x128x128xf32, #tpu.memory_space<vmem>> -> memref<1x128x128xf32, #tpu.memory_space<vmem>>
      %dma_start3A_195 = tpu.memref_squeeze %dma_start3A_194 : memref<1x128x128xf32, #tpu.memory_space<vmem>> -> memref<128x128xf32, #tpu.memory_space<vmem>>
      %dma_start3A_196 = arith.constant 0 : i32
      %dma_start3A_197 = tpu.memref_slice %arg7[%add3A_177, %dma_start3A_196] : memref<163840x128xf32, #tpu.memory_space<hbm>> -> memref<128x128xf32, #tpu.memory_space<hbm>>
      %dma_start3A_198 = arith.constant 0 : i32
      %dma_start3A_199 = tpu.memref_slice %arg7[%add3A_177, %dma_start3A_198] : memref<163840x128xf32, #tpu.memory_space<hbm>> -> memref<128x128xf32, #tpu.memory_space<hbm>>
      %dma_start3A_200 = arith.constant 0 : i32
      %dma_start3A_201 = arith.constant 0 : i32
      %dma_start3A_202 = tpu.memref_slice %arg11[%dma_start3A_191, %dma_start3A_200, %dma_start3A_201] : memref<2x128x128xf32, #tpu.memory_space<vmem>> -> memref<1x128x128xf32, #tpu.memory_space<vmem>>
      %dma_start3A_203 = tpu.memref_squeeze %dma_start3A_202 : memref<1x128x128xf32, #tpu.memory_space<vmem>> -> memref<128x128xf32, #tpu.memory_space<vmem>>
      tpu.enqueue_dma source(%dma_start3A_203 : memref<128x128xf32, #tpu.memory_space<vmem>>) target(%dma_start3A_199 : memref<128x128xf32, #tpu.memory_space<hbm>>) target_semaphore(%arg14 : memref<!tpu.dma_semaphore, #tpu.memory_space<semaphore_mem>>)
      %add3A_204 = arith.constant 2 : i32
      %add3A_205 = arith.addi %add3A_154, %add3A_204 : i32
      %lt3A = arith.cmpi slt, %add3A_205, %select_n3A_7 : i32
      %convert_element_type3A_206 = arith.extui %lt3A : i1 to i32
      %cond3A_207 = arith.constant 0 : i32
      %cond3A_208 = arith.cmpi ne, %convert_element_type3A_206, %cond3A_207 : i32
      scf.if %cond3A_208 {
        %mul3A_269 = arith.constant 128 : i32
        %mul3A_270 = arith.muli %add3A_154, %mul3A_269 : i32
        %add3A_271 = arith.addi %add3A, %mul3A_270 : i32
        %dma_wait3A_272 = arith.constant 0 : i32
        %dma_wait3A_273 = arith.constant 0 : i32
        %dma_wait3A_274 = arith.constant 0 : i32
        %dma_wait3A_275 = tpu.memref_slice %arg10[%dma_wait3A_272, %dma_wait3A_273, %dma_wait3A_274] : memref<2x128x128xf32, #tpu.memory_space<vmem>> -> memref<1x128x128xf32, #tpu.memory_space<vmem>>
        %dma_wait3A_276 = tpu.memref_squeeze %dma_wait3A_275 : memref<1x128x128xf32, #tpu.memory_space<vmem>> -> memref<128x128xf32, #tpu.memory_space<vmem>>
        %dma_wait3A_277 = arith.constant 0 : i32
        %dma_wait3A_278 = tpu.memref_slice %arg6[%add3A_271, %dma_wait3A_277] : memref<163840x128xf32, #tpu.memory_space<hbm>> -> memref<128x128xf32, #tpu.memory_space<hbm>>
        %dma_wait3A_279 = arith.constant 0 : i32
        %dma_wait3A_280 = tpu.memref_slice %arg6[%add3A_271, %dma_wait3A_279] : memref<163840x128xf32, #tpu.memory_space<hbm>> -> memref<128x128xf32, #tpu.memory_space<hbm>>
        %dma_wait3A_281 = arith.constant 0 : i32
        %dma_wait3A_282 = arith.constant 0 : i32
        %dma_wait3A_283 = tpu.memref_slice %arg10[%dma_wait3A_272, %dma_wait3A_281, %dma_wait3A_282] : memref<2x128x128xf32, #tpu.memory_space<vmem>> -> memref<1x128x128xf32, #tpu.memory_space<vmem>>
        %dma_wait3A_284 = tpu.memref_squeeze %dma_wait3A_283 : memref<1x128x128xf32, #tpu.memory_space<vmem>> -> memref<128x128xf32, #tpu.memory_space<vmem>>
        tpu.wait_dma2 semaphore(%arg14 : memref<!tpu.dma_semaphore, #tpu.memory_space<semaphore_mem>>) src(%dma_wait3A_284 : memref<128x128xf32, #tpu.memory_space<vmem>>) dst(%dma_wait3A_280 : memref<128x128xf32, #tpu.memory_space<hbm>>)
        %dma_wait3A_285 = arith.constant 0 : i32
        %dma_wait3A_286 = arith.constant 0 : i32
        %dma_wait3A_287 = arith.constant 0 : i32
        %dma_wait3A_288 = tpu.memref_slice %arg11[%dma_wait3A_285, %dma_wait3A_286, %dma_wait3A_287] : memref<2x128x128xf32, #tpu.memory_space<vmem>> -> memref<1x128x128xf32, #tpu.memory_space<vmem>>
        %dma_wait3A_289 = tpu.memref_squeeze %dma_wait3A_288 : memref<1x128x128xf32, #tpu.memory_space<vmem>> -> memref<128x128xf32, #tpu.memory_space<vmem>>
        %dma_wait3A_290 = arith.constant 0 : i32
        %dma_wait3A_291 = tpu.memref_slice %arg7[%add3A_271, %dma_wait3A_290] : memref<163840x128xf32, #tpu.memory_space<hbm>> -> memref<128x128xf32, #tpu.memory_space<hbm>>
        %dma_wait3A_292 = arith.constant 0 : i32
        %dma_wait3A_293 = tpu.memref_slice %arg7[%add3A_271, %dma_wait3A_292] : memref<163840x128xf32, #tpu.memory_space<hbm>> -> memref<128x128xf32, #tpu.memory_space<hbm>>
        %dma_wait3A_294 = arith.constant 0 : i32
        %dma_wait3A_295 = arith.constant 0 : i32
        %dma_wait3A_296 = tpu.memref_slice %arg11[%dma_wait3A_285, %dma_wait3A_294, %dma_wait3A_295] : memref<2x128x128xf32, #tpu.memory_space<vmem>> -> memref<1x128x128xf32, #tpu.memory_space<vmem>>
        %dma_wait3A_297 = tpu.memref_squeeze %dma_wait3A_296 : memref<1x128x128xf32, #tpu.memory_space<vmem>> -> memref<128x128xf32, #tpu.memory_space<vmem>>
        tpu.wait_dma2 semaphore(%arg14 : memref<!tpu.dma_semaphore, #tpu.memory_space<semaphore_mem>>) src(%dma_wait3A_297 : memref<128x128xf32, #tpu.memory_space<vmem>>) dst(%dma_wait3A_293 : memref<128x128xf32, #tpu.memory_space<hbm>>)
        %add3A_298 = arith.constant 2 : i32
        %add3A_299 = arith.addi %add3A_154, %add3A_298 : i32
        %mul3A_300 = arith.constant 128 : i32
        %mul3A_301 = arith.muli %add3A_299, %mul3A_300 : i32
        %dma_start3A_302 = arith.constant 0 : i32
        %dma_start3A_303 = arith.constant 0 : i32
        %dma_start3A_304 = arith.constant 0 : i32
        %dma_start3A_305 = tpu.memref_slice %arg10[%dma_start3A_302, %dma_start3A_303, %dma_start3A_304] : memref<2x128x128xf32, #tpu.memory_space<vmem>> -> memref<1x128x128xf32, #tpu.memory_space<vmem>>
        %dma_start3A_306 = tpu.memref_squeeze %dma_start3A_305 : memref<1x128x128xf32, #tpu.memory_space<vmem>> -> memref<128x128xf32, #tpu.memory_space<vmem>>
        %dma_start3A_307 = tpu.memref_slice %arg8[%mul3A_301] : memref<7424xi32, #tpu.memory_space<vmem>> -> memref<128xi32, #tpu.memory_space<vmem>>
        %dma_start3A_308 = arith.constant 0 : i32
        %dma_start3A_309 = arith.constant 0 : i32
        %dma_start3A_310 = tpu.memref_slice %arg2[%dma_start3A_308, %dma_start3A_309] : memref<32768x128xf32, #tpu.memory_space<hbm>> -> memref<32768x128xf32, #tpu.memory_space<hbm>>
        tpu.enqueue_indirect_dma source(%dma_start3A_310 : memref<32768x128xf32, #tpu.memory_space<hbm>>) target(%dma_start3A_306 : memref<128x128xf32, #tpu.memory_space<vmem>>) offsets(%dma_start3A_307 : memref<128xi32, #tpu.memory_space<vmem>>) semaphore(%arg12 : memref<!tpu.dma_semaphore, #tpu.memory_space<semaphore_mem>>)
        %dma_start3A_311 = arith.constant 0 : i32
        %dma_start3A_312 = arith.constant 0 : i32
        %dma_start3A_313 = arith.constant 0 : i32
        %dma_start3A_314 = tpu.memref_slice %arg11[%dma_start3A_311, %dma_start3A_312, %dma_start3A_313] : memref<2x128x128xf32, #tpu.memory_space<vmem>> -> memref<1x128x128xf32, #tpu.memory_space<vmem>>
        %dma_start3A_315 = tpu.memref_squeeze %dma_start3A_314 : memref<1x128x128xf32, #tpu.memory_space<vmem>> -> memref<128x128xf32, #tpu.memory_space<vmem>>
        %dma_start3A_316 = tpu.memref_slice %arg9[%mul3A_301] : memref<7424xi32, #tpu.memory_space<vmem>> -> memref<128xi32, #tpu.memory_space<vmem>>
        %dma_start3A_317 = arith.constant 0 : i32
        %dma_start3A_318 = arith.constant 0 : i32
        %dma_start3A_319 = tpu.memref_slice %arg3[%dma_start3A_317, %dma_start3A_318] : memref<10000x128xf32, #tpu.memory_space<hbm>> -> memref<10000x128xf32, #tpu.memory_space<hbm>>
        tpu.enqueue_indirect_dma source(%dma_start3A_319 : memref<10000x128xf32, #tpu.memory_space<hbm>>) target(%dma_start3A_315 : memref<128x128xf32, #tpu.memory_space<vmem>>) offsets(%dma_start3A_316 : memref<128xi32, #tpu.memory_space<vmem>>) semaphore(%arg12 : memref<!tpu.dma_semaphore, #tpu.memory_space<semaphore_mem>>)
      } else {
      }
      %mul3A_209 = arith.constant 2 : i32
      %mul3A_210 = arith.muli %while3A_149, %mul3A_209 : i32
      %add3A_211 = arith.constant 1 : i32
      %add3A_212 = arith.addi %mul3A_210, %add3A_211 : i32
      %mul3A_213 = arith.constant 128 : i32
      %mul3A_214 = arith.muli %add3A_212, %mul3A_213 : i32
      %dma_wait3A_215 = arith.constant 1 : i32
      %dma_wait3A_216 = arith.constant 0 : i32
      %dma_wait3A_217 = arith.constant 0 : i32
      %dma_wait3A_218 = tpu.memref_slice %arg10[%dma_wait3A_215, %dma_wait3A_216, %dma_wait3A_217] : memref<2x128x128xf32, #tpu.memory_space<vmem>> -> memref<1x128x128xf32, #tpu.memory_space<vmem>>
      %dma_wait3A_219 = tpu.memref_squeeze %dma_wait3A_218 : memref<1x128x128xf32, #tpu.memory_space<vmem>> -> memref<128x128xf32, #tpu.memory_space<vmem>>
      %dma_wait3A_220 = tpu.memref_slice %arg8[%mul3A_214] : memref<7424xi32, #tpu.memory_space<vmem>> -> memref<128xi32, #tpu.memory_space<vmem>>
      %dma_wait3A_221 = arith.constant 0 : i32
      %dma_wait3A_222 = arith.constant 0 : i32
      %dma_wait3A_223 = tpu.memref_slice %arg2[%dma_wait3A_221, %dma_wait3A_222] : memref<32768x128xf32, #tpu.memory_space<hbm>> -> memref<32768x128xf32, #tpu.memory_space<hbm>>
      tpu.wait_indirect_dma semaphore(%arg13 : memref<!tpu.dma_semaphore, #tpu.memory_space<semaphore_mem>>) src(%dma_wait3A_223 : memref<32768x128xf32, #tpu.memory_space<hbm>>) dst(%dma_wait3A_219 : memref<128x128xf32, #tpu.memory_space<vmem>>)
      %dma_wait3A_224 = arith.constant 1 : i32
      %dma_wait3A_225 = arith.constant 0 : i32
      %dma_wait3A_226 = arith.constant 0 : i32
      %dma_wait3A_227 = tpu.memref_slice %arg11[%dma_wait3A_224, %dma_wait3A_225, %dma_wait3A_226] : memref<2x128x128xf32, #tpu.memory_space<vmem>> -> memref<1x128x128xf32, #tpu.memory_space<vmem>>
      %dma_wait3A_228 = tpu.memref_squeeze %dma_wait3A_227 : memref<1x128x128xf32, #tpu.memory_space<vmem>> -> memref<128x128xf32, #tpu.memory_space<vmem>>
      %dma_wait3A_229 = tpu.memref_slice %arg9[%mul3A_214] : memref<7424xi32, #tpu.memory_space<vmem>> -> memref<128xi32, #tpu.memory_space<vmem>>
      %dma_wait3A_230 = arith.constant 0 : i32
      %dma_wait3A_231 = arith.constant 0 : i32
      %dma_wait3A_232 = tpu.memref_slice %arg3[%dma_wait3A_230, %dma_wait3A_231] : memref<10000x128xf32, #tpu.memory_space<hbm>> -> memref<10000x128xf32, #tpu.memory_space<hbm>>
      tpu.wait_indirect_dma semaphore(%arg13 : memref<!tpu.dma_semaphore, #tpu.memory_space<semaphore_mem>>) src(%dma_wait3A_232 : memref<10000x128xf32, #tpu.memory_space<hbm>>) dst(%dma_wait3A_228 : memref<128x128xf32, #tpu.memory_space<vmem>>)
      %mul3A_233 = arith.constant 128 : i32
      %mul3A_234 = arith.muli %add3A_212, %mul3A_233 : i32
      %add3A_235 = arith.addi %add3A, %mul3A_234 : i32
      %dma_start3A_236 = arith.constant 1 : i32
      %dma_start3A_237 = arith.constant 0 : i32
      %dma_start3A_238 = arith.constant 0 : i32
      %dma_start3A_239 = tpu.memref_slice %arg10[%dma_start3A_236, %dma_start3A_237, %dma_start3A_238] : memref<2x128x128xf32, #tpu.memory_space<vmem>> -> memref<1x128x128xf32, #tpu.memory_space<vmem>>
      %dma_start3A_240 = tpu.memref_squeeze %dma_start3A_239 : memref<1x128x128xf32, #tpu.memory_space<vmem>> -> memref<128x128xf32, #tpu.memory_space<vmem>>
      %dma_start3A_241 = arith.constant 0 : i32
      %dma_start3A_242 = tpu.memref_slice %arg6[%add3A_235, %dma_start3A_241] : memref<163840x128xf32, #tpu.memory_space<hbm>> -> memref<128x128xf32, #tpu.memory_space<hbm>>
      %dma_start3A_243 = arith.constant 0 : i32
      %dma_start3A_244 = tpu.memref_slice %arg6[%add3A_235, %dma_start3A_243] : memref<163840x128xf32, #tpu.memory_space<hbm>> -> memref<128x128xf32, #tpu.memory_space<hbm>>
      %dma_start3A_245 = arith.constant 0 : i32
      %dma_start3A_246 = arith.constant 0 : i32
      %dma_start3A_247 = tpu.memref_slice %arg10[%dma_start3A_236, %dma_start3A_245, %dma_start3A_246] : memref<2x128x128xf32, #tpu.memory_space<vmem>> -> memref<1x128x128xf32, #tpu.memory_space<vmem>>
      %dma_start3A_248 = tpu.memref_squeeze %dma_start3A_247 : memref<1x128x128xf32, #tpu.memory_space<vmem>> -> memref<128x128xf32, #tpu.memory_space<vmem>>
      tpu.enqueue_dma source(%dma_start3A_248 : memref<128x128xf32, #tpu.memory_space<vmem>>) target(%dma_start3A_244 : memref<128x128xf32, #tpu.memory_space<hbm>>) target_semaphore(%arg15 : memref<!tpu.dma_semaphore, #tpu.memory_space<semaphore_mem>>)
      %dma_start3A_249 = arith.constant 1 : i32
      %dma_start3A_250 = arith.constant 0 : i32
      %dma_start3A_251 = arith.constant 0 : i32
      %dma_start3A_252 = tpu.memref_slice %arg11[%dma_start3A_249, %dma_start3A_250, %dma_start3A_251] : memref<2x128x128xf32, #tpu.memory_space<vmem>> -> memref<1x128x128xf32, #tpu.memory_space<vmem>>
      %dma_start3A_253 = tpu.memref_squeeze %dma_start3A_252 : memref<1x128x128xf32, #tpu.memory_space<vmem>> -> memref<128x128xf32, #tpu.memory_space<vmem>>
      %dma_start3A_254 = arith.constant 0 : i32
      %dma_start3A_255 = tpu.memref_slice %arg7[%add3A_235, %dma_start3A_254] : memref<163840x128xf32, #tpu.memory_space<hbm>> -> memref<128x128xf32, #tpu.memory_space<hbm>>
      %dma_start3A_256 = arith.constant 0 : i32
      %dma_start3A_257 = tpu.memref_slice %arg7[%add3A_235, %dma_start3A_256] : memref<163840x128xf32, #tpu.memory_space<hbm>> -> memref<128x128xf32, #tpu.memory_space<hbm>>
      %dma_start3A_258 = arith.constant 0 : i32
      %dma_start3A_259 = arith.constant 0 : i32
      %dma_start3A_260 = tpu.memref_slice %arg11[%dma_start3A_249, %dma_start3A_258, %dma_start3A_259] : memref<2x128x128xf32, #tpu.memory_space<vmem>> -> memref<1x128x128xf32, #tpu.memory_space<vmem>>
      %dma_start3A_261 = tpu.memref_squeeze %dma_start3A_260 : memref<1x128x128xf32, #tpu.memory_space<vmem>> -> memref<128x128xf32, #tpu.memory_space<vmem>>
      tpu.enqueue_dma source(%dma_start3A_261 : memref<128x128xf32, #tpu.memory_space<vmem>>) target(%dma_start3A_257 : memref<128x128xf32, #tpu.memory_space<hbm>>) target_semaphore(%arg15 : memref<!tpu.dma_semaphore, #tpu.memory_space<semaphore_mem>>)
      %add3A_262 = arith.constant 2 : i32
      %add3A_263 = arith.addi %add3A_212, %add3A_262 : i32
      %lt3A_264 = arith.cmpi slt, %add3A_263, %select_n3A_7 : i32
      %convert_element_type3A_265 = arith.extui %lt3A_264 : i1 to i32
      %cond3A_266 = arith.constant 0 : i32
      %cond3A_267 = arith.cmpi ne, %convert_element_type3A_265, %cond3A_266 : i32
      scf.if %cond3A_267 {
        %mul3A_269 = arith.constant 128 : i32
        %mul3A_270 = arith.muli %add3A_212, %mul3A_269 : i32
        %add3A_271 = arith.addi %add3A, %mul3A_270 : i32
        %dma_wait3A_272 = arith.constant 1 : i32
        %dma_wait3A_273 = arith.constant 0 : i32
        %dma_wait3A_274 = arith.constant 0 : i32
        %dma_wait3A_275 = tpu.memref_slice %arg10[%dma_wait3A_272, %dma_wait3A_273, %dma_wait3A_274] : memref<2x128x128xf32, #tpu.memory_space<vmem>> -> memref<1x128x128xf32, #tpu.memory_space<vmem>>
        %dma_wait3A_276 = tpu.memref_squeeze %dma_wait3A_275 : memref<1x128x128xf32, #tpu.memory_space<vmem>> -> memref<128x128xf32, #tpu.memory_space<vmem>>
        %dma_wait3A_277 = arith.constant 0 : i32
        %dma_wait3A_278 = tpu.memref_slice %arg6[%add3A_271, %dma_wait3A_277] : memref<163840x128xf32, #tpu.memory_space<hbm>> -> memref<128x128xf32, #tpu.memory_space<hbm>>
        %dma_wait3A_279 = arith.constant 0 : i32
        %dma_wait3A_280 = tpu.memref_slice %arg6[%add3A_271, %dma_wait3A_279] : memref<163840x128xf32, #tpu.memory_space<hbm>> -> memref<128x128xf32, #tpu.memory_space<hbm>>
        %dma_wait3A_281 = arith.constant 0 : i32
        %dma_wait3A_282 = arith.constant 0 : i32
        %dma_wait3A_283 = tpu.memref_slice %arg10[%dma_wait3A_272, %dma_wait3A_281, %dma_wait3A_282] : memref<2x128x128xf32, #tpu.memory_space<vmem>> -> memref<1x128x128xf32, #tpu.memory_space<vmem>>
        %dma_wait3A_284 = tpu.memref_squeeze %dma_wait3A_283 : memref<1x128x128xf32, #tpu.memory_space<vmem>> -> memref<128x128xf32, #tpu.memory_space<vmem>>
        tpu.wait_dma2 semaphore(%arg15 : memref<!tpu.dma_semaphore, #tpu.memory_space<semaphore_mem>>) src(%dma_wait3A_284 : memref<128x128xf32, #tpu.memory_space<vmem>>) dst(%dma_wait3A_280 : memref<128x128xf32, #tpu.memory_space<hbm>>)
        %dma_wait3A_285 = arith.constant 1 : i32
        %dma_wait3A_286 = arith.constant 0 : i32
        %dma_wait3A_287 = arith.constant 0 : i32
        %dma_wait3A_288 = tpu.memref_slice %arg11[%dma_wait3A_285, %dma_wait3A_286, %dma_wait3A_287] : memref<2x128x128xf32, #tpu.memory_space<vmem>> -> memref<1x128x128xf32, #tpu.memory_space<vmem>>
        %dma_wait3A_289 = tpu.memref_squeeze %dma_wait3A_288 : memref<1x128x128xf32, #tpu.memory_space<vmem>> -> memref<128x128xf32, #tpu.memory_space<vmem>>
        %dma_wait3A_290 = arith.constant 0 : i32
        %dma_wait3A_291 = tpu.memref_slice %arg7[%add3A_271, %dma_wait3A_290] : memref<163840x128xf32, #tpu.memory_space<hbm>> -> memref<128x128xf32, #tpu.memory_space<hbm>>
        %dma_wait3A_292 = arith.constant 0 : i32
        %dma_wait3A_293 = tpu.memref_slice %arg7[%add3A_271, %dma_wait3A_292] : memref<163840x128xf32, #tpu.memory_space<hbm>> -> memref<128x128xf32, #tpu.memory_space<hbm>>
        %dma_wait3A_294 = arith.constant 0 : i32
        %dma_wait3A_295 = arith.constant 0 : i32
        %dma_wait3A_296 = tpu.memref_slice %arg11[%dma_wait3A_285, %dma_wait3A_294, %dma_wait3A_295] : memref<2x128x128xf32, #tpu.memory_space<vmem>> -> memref<1x128x128xf32, #tpu.memory_space<vmem>>
        %dma_wait3A_297 = tpu.memref_squeeze %dma_wait3A_296 : memref<1x128x128xf32, #tpu.memory_space<vmem>> -> memref<128x128xf32, #tpu.memory_space<vmem>>
        tpu.wait_dma2 semaphore(%arg15 : memref<!tpu.dma_semaphore, #tpu.memory_space<semaphore_mem>>) src(%dma_wait3A_297 : memref<128x128xf32, #tpu.memory_space<vmem>>) dst(%dma_wait3A_293 : memref<128x128xf32, #tpu.memory_space<hbm>>)
        %add3A_298 = arith.constant 2 : i32
        %add3A_299 = arith.addi %add3A_212, %add3A_298 : i32
        %mul3A_300 = arith.constant 128 : i32
        %mul3A_301 = arith.muli %add3A_299, %mul3A_300 : i32
        %dma_start3A_302 = arith.constant 1 : i32
        %dma_start3A_303 = arith.constant 0 : i32
        %dma_start3A_304 = arith.constant 0 : i32
        %dma_start3A_305 = tpu.memref_slice %arg10[%dma_start3A_302, %dma_start3A_303, %dma_start3A_304] : memref<2x128x128xf32, #tpu.memory_space<vmem>> -> memref<1x128x128xf32, #tpu.memory_space<vmem>>
        %dma_start3A_306 = tpu.memref_squeeze %dma_start3A_305 : memref<1x128x128xf32, #tpu.memory_space<vmem>> -> memref<128x128xf32, #tpu.memory_space<vmem>>
        %dma_start3A_307 = tpu.memref_slice %arg8[%mul3A_301] : memref<7424xi32, #tpu.memory_space<vmem>> -> memref<128xi32, #tpu.memory_space<vmem>>
        %dma_start3A_308 = arith.constant 0 : i32
        %dma_start3A_309 = arith.constant 0 : i32
        %dma_start3A_310 = tpu.memref_slice %arg2[%dma_start3A_308, %dma_start3A_309] : memref<32768x128xf32, #tpu.memory_space<hbm>> -> memref<32768x128xf32, #tpu.memory_space<hbm>>
        tpu.enqueue_indirect_dma source(%dma_start3A_310 : memref<32768x128xf32, #tpu.memory_space<hbm>>) target(%dma_start3A_306 : memref<128x128xf32, #tpu.memory_space<vmem>>) offsets(%dma_start3A_307 : memref<128xi32, #tpu.memory_space<vmem>>) semaphore(%arg13 : memref<!tpu.dma_semaphore, #tpu.memory_space<semaphore_mem>>)
        %dma_start3A_311 = arith.constant 1 : i32
        %dma_start3A_312 = arith.constant 0 : i32
        %dma_start3A_313 = arith.constant 0 : i32
        %dma_start3A_314 = tpu.memref_slice %arg11[%dma_start3A_311, %dma_start3A_312, %dma_start3A_313] : memref<2x128x128xf32, #tpu.memory_space<vmem>> -> memref<1x128x128xf32, #tpu.memory_space<vmem>>
        %dma_start3A_315 = tpu.memref_squeeze %dma_start3A_314 : memref<1x128x128xf32, #tpu.memory_space<vmem>> -> memref<128x128xf32, #tpu.memory_space<vmem>>
        %dma_start3A_316 = tpu.memref_slice %arg9[%mul3A_301] : memref<7424xi32, #tpu.memory_space<vmem>> -> memref<128xi32, #tpu.memory_space<vmem>>
        %dma_start3A_317 = arith.constant 0 : i32
        %dma_start3A_318 = arith.constant 0 : i32
        %dma_start3A_319 = tpu.memref_slice %arg3[%dma_start3A_317, %dma_start3A_318] : memref<10000x128xf32, #tpu.memory_space<hbm>> -> memref<10000x128xf32, #tpu.memory_space<hbm>>
        tpu.enqueue_indirect_dma source(%dma_start3A_319 : memref<10000x128xf32, #tpu.memory_space<hbm>>) target(%dma_start3A_315 : memref<128x128xf32, #tpu.memory_space<vmem>>) offsets(%dma_start3A_316 : memref<128xi32, #tpu.memory_space<vmem>>) semaphore(%arg13 : memref<!tpu.dma_semaphore, #tpu.memory_space<semaphore_mem>>)
      } else {
      }
      %while3A_268 = arith.constant 0 : i32
      scf.yield %while3A_268 : i32
    }
    %while3A_82 = arith.constant 1 : i32
    %while3A_83 = scf.for %while3A_149 = %while3A_79 to %while3A_75 step %while3A_82 iter_args(%while3A_150 = %while3A_81) -> (i32)  : i32 {
      %mul3A_151 = arith.constant 2 : i32
      %mul3A_152 = arith.muli %while3A_149, %mul3A_151 : i32
      %add3A_153 = arith.constant 0 : i32
      %add3A_154 = arith.addi %mul3A_152, %add3A_153 : i32
      %mul3A_155 = arith.constant 128 : i32
      %mul3A_156 = arith.muli %add3A_154, %mul3A_155 : i32
      %dma_wait3A_157 = arith.constant 0 : i32
      %dma_wait3A_158 = arith.constant 0 : i32
      %dma_wait3A_159 = arith.constant 0 : i32
      %dma_wait3A_160 = tpu.memref_slice %arg10[%dma_wait3A_157, %dma_wait3A_158, %dma_wait3A_159] : memref<2x128x128xf32, #tpu.memory_space<vmem>> -> memref<1x128x128xf32, #tpu.memory_space<vmem>>
      %dma_wait3A_161 = tpu.memref_squeeze %dma_wait3A_160 : memref<1x128x128xf32, #tpu.memory_space<vmem>> -> memref<128x128xf32, #tpu.memory_space<vmem>>
      %dma_wait3A_162 = tpu.memref_slice %arg8[%mul3A_156] : memref<7424xi32, #tpu.memory_space<vmem>> -> memref<128xi32, #tpu.memory_space<vmem>>
      %dma_wait3A_163 = arith.constant 0 : i32
      %dma_wait3A_164 = arith.constant 0 : i32
      %dma_wait3A_165 = tpu.memref_slice %arg2[%dma_wait3A_163, %dma_wait3A_164] : memref<32768x128xf32, #tpu.memory_space<hbm>> -> memref<32768x128xf32, #tpu.memory_space<hbm>>
      tpu.wait_indirect_dma semaphore(%arg12 : memref<!tpu.dma_semaphore, #tpu.memory_space<semaphore_mem>>) src(%dma_wait3A_165 : memref<32768x128xf32, #tpu.memory_space<hbm>>) dst(%dma_wait3A_161 : memref<128x128xf32, #tpu.memory_space<vmem>>)
      %dma_wait3A_166 = arith.constant 0 : i32
      %dma_wait3A_167 = arith.constant 0 : i32
      %dma_wait3A_168 = arith.constant 0 : i32
      %dma_wait3A_169 = tpu.memref_slice %arg11[%dma_wait3A_166, %dma_wait3A_167, %dma_wait3A_168] : memref<2x128x128xf32, #tpu.memory_space<vmem>> -> memref<1x128x128xf32, #tpu.memory_space<vmem>>
      %dma_wait3A_170 = tpu.memref_squeeze %dma_wait3A_169 : memref<1x128x128xf32, #tpu.memory_space<vmem>> -> memref<128x128xf32, #tpu.memory_space<vmem>>
      %dma_wait3A_171 = tpu.memref_slice %arg9[%mul3A_156] : memref<7424xi32, #tpu.memory_space<vmem>> -> memref<128xi32, #tpu.memory_space<vmem>>
      %dma_wait3A_172 = arith.constant 0 : i32
      %dma_wait3A_173 = arith.constant 0 : i32
      %dma_wait3A_174 = tpu.memref_slice %arg3[%dma_wait3A_172, %dma_wait3A_173] : memref<10000x128xf32, #tpu.memory_space<hbm>> -> memref<10000x128xf32, #tpu.memory_space<hbm>>
      tpu.wait_indirect_dma semaphore(%arg12 : memref<!tpu.dma_semaphore, #tpu.memory_space<semaphore_mem>>) src(%dma_wait3A_174 : memref<10000x128xf32, #tpu.memory_space<hbm>>) dst(%dma_wait3A_170 : memref<128x128xf32, #tpu.memory_space<vmem>>)
      %mul3A_175 = arith.constant 128 : i32
      %mul3A_176 = arith.muli %add3A_154, %mul3A_175 : i32
      %add3A_177 = arith.addi %add3A, %mul3A_176 : i32
      %dma_start3A_178 = arith.constant 0 : i32
      %dma_start3A_179 = arith.constant 0 : i32
      %dma_start3A_180 = arith.constant 0 : i32
      %dma_start3A_181 = tpu.memref_slice %arg10[%dma_start3A_178, %dma_start3A_179, %dma_start3A_180] : memref<2x128x128xf32, #tpu.memory_space<vmem>> -> memref<1x128x128xf32, #tpu.memory_space<vmem>>
      %dma_start3A_182 = tpu.memref_squeeze %dma_start3A_181 : memref<1x128x128xf32, #tpu.memory_space<vmem>> -> memref<128x128xf32, #tpu.memory_space<vmem>>
      %dma_start3A_183 = arith.constant 0 : i32
      %dma_start3A_184 = tpu.memref_slice %arg6[%add3A_177, %dma_start3A_183] : memref<163840x128xf32, #tpu.memory_space<hbm>> -> memref<128x128xf32, #tpu.memory_space<hbm>>
      %dma_start3A_185 = arith.constant 0 : i32
      %dma_start3A_186 = tpu.memref_slice %arg6[%add3A_177, %dma_start3A_185] : memref<163840x128xf32, #tpu.memory_space<hbm>> -> memref<128x128xf32, #tpu.memory_space<hbm>>
      %dma_start3A_187 = arith.constant 0 : i32
      %dma_start3A_188 = arith.constant 0 : i32
      %dma_start3A_189 = tpu.memref_slice %arg10[%dma_start3A_178, %dma_start3A_187, %dma_start3A_188] : memref<2x128x128xf32, #tpu.memory_space<vmem>> -> memref<1x128x128xf32, #tpu.memory_space<vmem>>
      %dma_start3A_190 = tpu.memref_squeeze %dma_start3A_189 : memref<1x128x128xf32, #tpu.memory_space<vmem>> -> memref<128x128xf32, #tpu.memory_space<vmem>>
      tpu.enqueue_dma source(%dma_start3A_190 : memref<128x128xf32, #tpu.memory_space<vmem>>) target(%dma_start3A_186 : memref<128x128xf32, #tpu.memory_space<hbm>>) target_semaphore(%arg14 : memref<!tpu.dma_semaphore, #tpu.memory_space<semaphore_mem>>)
      %dma_start3A_191 = arith.constant 0 : i32
      %dma_start3A_192 = arith.constant 0 : i32
      %dma_start3A_193 = arith.constant 0 : i32
      %dma_start3A_194 = tpu.memref_slice %arg11[%dma_start3A_191, %dma_start3A_192, %dma_start3A_193] : memref<2x128x128xf32, #tpu.memory_space<vmem>> -> memref<1x128x128xf32, #tpu.memory_space<vmem>>
      %dma_start3A_195 = tpu.memref_squeeze %dma_start3A_194 : memref<1x128x128xf32, #tpu.memory_space<vmem>> -> memref<128x128xf32, #tpu.memory_space<vmem>>
      %dma_start3A_196 = arith.constant 0 : i32
      %dma_start3A_197 = tpu.memref_slice %arg7[%add3A_177, %dma_start3A_196] : memref<163840x128xf32, #tpu.memory_space<hbm>> -> memref<128x128xf32, #tpu.memory_space<hbm>>
      %dma_start3A_198 = arith.constant 0 : i32
      %dma_start3A_199 = tpu.memref_slice %arg7[%add3A_177, %dma_start3A_198] : memref<163840x128xf32, #tpu.memory_space<hbm>> -> memref<128x128xf32, #tpu.memory_space<hbm>>
      %dma_start3A_200 = arith.constant 0 : i32
      %dma_start3A_201 = arith.constant 0 : i32
      %dma_start3A_202 = tpu.memref_slice %arg11[%dma_start3A_191, %dma_start3A_200, %dma_start3A_201] : memref<2x128x128xf32, #tpu.memory_space<vmem>> -> memref<1x128x128xf32, #tpu.memory_space<vmem>>
      %dma_start3A_203 = tpu.memref_squeeze %dma_start3A_202 : memref<1x128x128xf32, #tpu.memory_space<vmem>> -> memref<128x128xf32, #tpu.memory_space<vmem>>
      tpu.enqueue_dma source(%dma_start3A_203 : memref<128x128xf32, #tpu.memory_space<vmem>>) target(%dma_start3A_199 : memref<128x128xf32, #tpu.memory_space<hbm>>) target_semaphore(%arg14 : memref<!tpu.dma_semaphore, #tpu.memory_space<semaphore_mem>>)
      %add3A_204 = arith.constant 2 : i32
      %add3A_205 = arith.addi %add3A_154, %add3A_204 : i32
      %lt3A = arith.cmpi slt, %add3A_205, %select_n3A_7 : i32
      %convert_element_type3A_206 = arith.extui %lt3A : i1 to i32
      %cond3A_207 = arith.constant 0 : i32
      %cond3A_208 = arith.cmpi ne, %convert_element_type3A_206, %cond3A_207 : i32
      scf.if %cond3A_208 {
        %mul3A_269 = arith.constant 128 : i32
        %mul3A_270 = arith.muli %add3A_154, %mul3A_269 : i32
        %add3A_271 = arith.addi %add3A, %mul3A_270 : i32
        %dma_wait3A_272 = arith.constant 0 : i32
        %dma_wait3A_273 = arith.constant 0 : i32
        %dma_wait3A_274 = arith.constant 0 : i32
        %dma_wait3A_275 = tpu.memref_slice %arg10[%dma_wait3A_272, %dma_wait3A_273, %dma_wait3A_274] : memref<2x128x128xf32, #tpu.memory_space<vmem>> -> memref<1x128x128xf32, #tpu.memory_space<vmem>>
        %dma_wait3A_276 = tpu.memref_squeeze %dma_wait3A_275 : memref<1x128x128xf32, #tpu.memory_space<vmem>> -> memref<128x128xf32, #tpu.memory_space<vmem>>
        %dma_wait3A_277 = arith.constant 0 : i32
        %dma_wait3A_278 = tpu.memref_slice %arg6[%add3A_271, %dma_wait3A_277] : memref<163840x128xf32, #tpu.memory_space<hbm>> -> memref<128x128xf32, #tpu.memory_space<hbm>>
        %dma_wait3A_279 = arith.constant 0 : i32
        %dma_wait3A_280 = tpu.memref_slice %arg6[%add3A_271, %dma_wait3A_279] : memref<163840x128xf32, #tpu.memory_space<hbm>> -> memref<128x128xf32, #tpu.memory_space<hbm>>
        %dma_wait3A_281 = arith.constant 0 : i32
        %dma_wait3A_282 = arith.constant 0 : i32
        %dma_wait3A_283 = tpu.memref_slice %arg10[%dma_wait3A_272, %dma_wait3A_281, %dma_wait3A_282] : memref<2x128x128xf32, #tpu.memory_space<vmem>> -> memref<1x128x128xf32, #tpu.memory_space<vmem>>
        %dma_wait3A_284 = tpu.memref_squeeze %dma_wait3A_283 : memref<1x128x128xf32, #tpu.memory_space<vmem>> -> memref<128x128xf32, #tpu.memory_space<vmem>>
        tpu.wait_dma2 semaphore(%arg14 : memref<!tpu.dma_semaphore, #tpu.memory_space<semaphore_mem>>) src(%dma_wait3A_284 : memref<128x128xf32, #tpu.memory_space<vmem>>) dst(%dma_wait3A_280 : memref<128x128xf32, #tpu.memory_space<hbm>>)
        %dma_wait3A_285 = arith.constant 0 : i32
        %dma_wait3A_286 = arith.constant 0 : i32
        %dma_wait3A_287 = arith.constant 0 : i32
        %dma_wait3A_288 = tpu.memref_slice %arg11[%dma_wait3A_285, %dma_wait3A_286, %dma_wait3A_287] : memref<2x128x128xf32, #tpu.memory_space<vmem>> -> memref<1x128x128xf32, #tpu.memory_space<vmem>>
        %dma_wait3A_289 = tpu.memref_squeeze %dma_wait3A_288 : memref<1x128x128xf32, #tpu.memory_space<vmem>> -> memref<128x128xf32, #tpu.memory_space<vmem>>
        %dma_wait3A_290 = arith.constant 0 : i32
        %dma_wait3A_291 = tpu.memref_slice %arg7[%add3A_271, %dma_wait3A_290] : memref<163840x128xf32, #tpu.memory_space<hbm>> -> memref<128x128xf32, #tpu.memory_space<hbm>>
        %dma_wait3A_292 = arith.constant 0 : i32
        %dma_wait3A_293 = tpu.memref_slice %arg7[%add3A_271, %dma_wait3A_292] : memref<163840x128xf32, #tpu.memory_space<hbm>> -> memref<128x128xf32, #tpu.memory_space<hbm>>
        %dma_wait3A_294 = arith.constant 0 : i32
        %dma_wait3A_295 = arith.constant 0 : i32
        %dma_wait3A_296 = tpu.memref_slice %arg11[%dma_wait3A_285, %dma_wait3A_294, %dma_wait3A_295] : memref<2x128x128xf32, #tpu.memory_space<vmem>> -> memref<1x128x128xf32, #tpu.memory_space<vmem>>
        %dma_wait3A_297 = tpu.memref_squeeze %dma_wait3A_296 : memref<1x128x128xf32, #tpu.memory_space<vmem>> -> memref<128x128xf32, #tpu.memory_space<vmem>>
        tpu.wait_dma2 semaphore(%arg14 : memref<!tpu.dma_semaphore, #tpu.memory_space<semaphore_mem>>) src(%dma_wait3A_297 : memref<128x128xf32, #tpu.memory_space<vmem>>) dst(%dma_wait3A_293 : memref<128x128xf32, #tpu.memory_space<hbm>>)
        %add3A_298 = arith.constant 2 : i32
        %add3A_299 = arith.addi %add3A_154, %add3A_298 : i32
        %mul3A_300 = arith.constant 128 : i32
        %mul3A_301 = arith.muli %add3A_299, %mul3A_300 : i32
        %dma_start3A_302 = arith.constant 0 : i32
        %dma_start3A_303 = arith.constant 0 : i32
        %dma_start3A_304 = arith.constant 0 : i32
        %dma_start3A_305 = tpu.memref_slice %arg10[%dma_start3A_302, %dma_start3A_303, %dma_start3A_304] : memref<2x128x128xf32, #tpu.memory_space<vmem>> -> memref<1x128x128xf32, #tpu.memory_space<vmem>>
        %dma_start3A_306 = tpu.memref_squeeze %dma_start3A_305 : memref<1x128x128xf32, #tpu.memory_space<vmem>> -> memref<128x128xf32, #tpu.memory_space<vmem>>
        %dma_start3A_307 = tpu.memref_slice %arg8[%mul3A_301] : memref<7424xi32, #tpu.memory_space<vmem>> -> memref<128xi32, #tpu.memory_space<vmem>>
        %dma_start3A_308 = arith.constant 0 : i32
        %dma_start3A_309 = arith.constant 0 : i32
        %dma_start3A_310 = tpu.memref_slice %arg2[%dma_start3A_308, %dma_start3A_309] : memref<32768x128xf32, #tpu.memory_space<hbm>> -> memref<32768x128xf32, #tpu.memory_space<hbm>>
        tpu.enqueue_indirect_dma source(%dma_start3A_310 : memref<32768x128xf32, #tpu.memory_space<hbm>>) target(%dma_start3A_306 : memref<128x128xf32, #tpu.memory_space<vmem>>) offsets(%dma_start3A_307 : memref<128xi32, #tpu.memory_space<vmem>>) semaphore(%arg12 : memref<!tpu.dma_semaphore, #tpu.memory_space<semaphore_mem>>)
        %dma_start3A_311 = arith.constant 0 : i32
        %dma_start3A_312 = arith.constant 0 : i32
        %dma_start3A_313 = arith.constant 0 : i32
        %dma_start3A_314 = tpu.memref_slice %arg11[%dma_start3A_311, %dma_start3A_312, %dma_start3A_313] : memref<2x128x128xf32, #tpu.memory_space<vmem>> -> memref<1x128x128xf32, #tpu.memory_space<vmem>>
        %dma_start3A_315 = tpu.memref_squeeze %dma_start3A_314 : memref<1x128x128xf32, #tpu.memory_space<vmem>> -> memref<128x128xf32, #tpu.memory_space<vmem>>
        %dma_start3A_316 = tpu.memref_slice %arg9[%mul3A_301] : memref<7424xi32, #tpu.memory_space<vmem>> -> memref<128xi32, #tpu.memory_space<vmem>>
        %dma_start3A_317 = arith.constant 0 : i32
        %dma_start3A_318 = arith.constant 0 : i32
        %dma_start3A_319 = tpu.memref_slice %arg3[%dma_start3A_317, %dma_start3A_318] : memref<10000x128xf32, #tpu.memory_space<hbm>> -> memref<10000x128xf32, #tpu.memory_space<hbm>>
        tpu.enqueue_indirect_dma source(%dma_start3A_319 : memref<10000x128xf32, #tpu.memory_space<hbm>>) target(%dma_start3A_315 : memref<128x128xf32, #tpu.memory_space<vmem>>) offsets(%dma_start3A_316 : memref<128xi32, #tpu.memory_space<vmem>>) semaphore(%arg12 : memref<!tpu.dma_semaphore, #tpu.memory_space<semaphore_mem>>)
      } else {
      }
      %mul3A_209 = arith.constant 2 : i32
      %mul3A_210 = arith.muli %while3A_149, %mul3A_209 : i32
      %add3A_211 = arith.constant 1 : i32
      %add3A_212 = arith.addi %mul3A_210, %add3A_211 : i32
      %mul3A_213 = arith.constant 128 : i32
      %mul3A_214 = arith.muli %add3A_212, %mul3A_213 : i32
      %dma_wait3A_215 = arith.constant 1 : i32
      %dma_wait3A_216 = arith.constant 0 : i32
      %dma_wait3A_217 = arith.constant 0 : i32
      %dma_wait3A_218 = tpu.memref_slice %arg10[%dma_wait3A_215, %dma_wait3A_216, %dma_wait3A_217] : memref<2x128x128xf32, #tpu.memory_space<vmem>> -> memref<1x128x128xf32, #tpu.memory_space<vmem>>
      %dma_wait3A_219 = tpu.memref_squeeze %dma_wait3A_218 : memref<1x128x128xf32, #tpu.memory_space<vmem>> -> memref<128x128xf32, #tpu.memory_space<vmem>>
      %dma_wait3A_220 = tpu.memref_slice %arg8[%mul3A_214] : memref<7424xi32, #tpu.memory_space<vmem>> -> memref<128xi32, #tpu.memory_space<vmem>>
      %dma_wait3A_221 = arith.constant 0 : i32
      %dma_wait3A_222 = arith.constant 0 : i32
      %dma_wait3A_223 = tpu.memref_slice %arg2[%dma_wait3A_221, %dma_wait3A_222] : memref<32768x128xf32, #tpu.memory_space<hbm>> -> memref<32768x128xf32, #tpu.memory_space<hbm>>
      tpu.wait_indirect_dma semaphore(%arg13 : memref<!tpu.dma_semaphore, #tpu.memory_space<semaphore_mem>>) src(%dma_wait3A_223 : memref<32768x128xf32, #tpu.memory_space<hbm>>) dst(%dma_wait3A_219 : memref<128x128xf32, #tpu.memory_space<vmem>>)
      %dma_wait3A_224 = arith.constant 1 : i32
      %dma_wait3A_225 = arith.constant 0 : i32
      %dma_wait3A_226 = arith.constant 0 : i32
      %dma_wait3A_227 = tpu.memref_slice %arg11[%dma_wait3A_224, %dma_wait3A_225, %dma_wait3A_226] : memref<2x128x128xf32, #tpu.memory_space<vmem>> -> memref<1x128x128xf32, #tpu.memory_space<vmem>>
      %dma_wait3A_228 = tpu.memref_squeeze %dma_wait3A_227 : memref<1x128x128xf32, #tpu.memory_space<vmem>> -> memref<128x128xf32, #tpu.memory_space<vmem>>
      %dma_wait3A_229 = tpu.memref_slice %arg9[%mul3A_214] : memref<7424xi32, #tpu.memory_space<vmem>> -> memref<128xi32, #tpu.memory_space<vmem>>
      %dma_wait3A_230 = arith.constant 0 : i32
      %dma_wait3A_231 = arith.constant 0 : i32
      %dma_wait3A_232 = tpu.memref_slice %arg3[%dma_wait3A_230, %dma_wait3A_231] : memref<10000x128xf32, #tpu.memory_space<hbm>> -> memref<10000x128xf32, #tpu.memory_space<hbm>>
      tpu.wait_indirect_dma semaphore(%arg13 : memref<!tpu.dma_semaphore, #tpu.memory_space<semaphore_mem>>) src(%dma_wait3A_232 : memref<10000x128xf32, #tpu.memory_space<hbm>>) dst(%dma_wait3A_228 : memref<128x128xf32, #tpu.memory_space<vmem>>)
      %mul3A_233 = arith.constant 128 : i32
      %mul3A_234 = arith.muli %add3A_212, %mul3A_233 : i32
      %add3A_235 = arith.addi %add3A, %mul3A_234 : i32
      %dma_start3A_236 = arith.constant 1 : i32
      %dma_start3A_237 = arith.constant 0 : i32
      %dma_start3A_238 = arith.constant 0 : i32
      %dma_start3A_239 = tpu.memref_slice %arg10[%dma_start3A_236, %dma_start3A_237, %dma_start3A_238] : memref<2x128x128xf32, #tpu.memory_space<vmem>> -> memref<1x128x128xf32, #tpu.memory_space<vmem>>
      %dma_start3A_240 = tpu.memref_squeeze %dma_start3A_239 : memref<1x128x128xf32, #tpu.memory_space<vmem>> -> memref<128x128xf32, #tpu.memory_space<vmem>>
      %dma_start3A_241 = arith.constant 0 : i32
      %dma_start3A_242 = tpu.memref_slice %arg6[%add3A_235, %dma_start3A_241] : memref<163840x128xf32, #tpu.memory_space<hbm>> -> memref<128x128xf32, #tpu.memory_space<hbm>>
      %dma_start3A_243 = arith.constant 0 : i32
      %dma_start3A_244 = tpu.memref_slice %arg6[%add3A_235, %dma_start3A_243] : memref<163840x128xf32, #tpu.memory_space<hbm>> -> memref<128x128xf32, #tpu.memory_space<hbm>>
      %dma_start3A_245 = arith.constant 0 : i32
      %dma_start3A_246 = arith.constant 0 : i32
      %dma_start3A_247 = tpu.memref_slice %arg10[%dma_start3A_236, %dma_start3A_245, %dma_start3A_246] : memref<2x128x128xf32, #tpu.memory_space<vmem>> -> memref<1x128x128xf32, #tpu.memory_space<vmem>>
      %dma_start3A_248 = tpu.memref_squeeze %dma_start3A_247 : memref<1x128x128xf32, #tpu.memory_space<vmem>> -> memref<128x128xf32, #tpu.memory_space<vmem>>
      tpu.enqueue_dma source(%dma_start3A_248 : memref<128x128xf32, #tpu.memory_space<vmem>>) target(%dma_start3A_244 : memref<128x128xf32, #tpu.memory_space<hbm>>) target_semaphore(%arg15 : memref<!tpu.dma_semaphore, #tpu.memory_space<semaphore_mem>>)
      %dma_start3A_249 = arith.constant 1 : i32
      %dma_start3A_250 = arith.constant 0 : i32
      %dma_start3A_251 = arith.constant 0 : i32
      %dma_start3A_252 = tpu.memref_slice %arg11[%dma_start3A_249, %dma_start3A_250, %dma_start3A_251] : memref<2x128x128xf32, #tpu.memory_space<vmem>> -> memref<1x128x128xf32, #tpu.memory_space<vmem>>
      %dma_start3A_253 = tpu.memref_squeeze %dma_start3A_252 : memref<1x128x128xf32, #tpu.memory_space<vmem>> -> memref<128x128xf32, #tpu.memory_space<vmem>>
      %dma_start3A_254 = arith.constant 0 : i32
      %dma_start3A_255 = tpu.memref_slice %arg7[%add3A_235, %dma_start3A_254] : memref<163840x128xf32, #tpu.memory_space<hbm>> -> memref<128x128xf32, #tpu.memory_space<hbm>>
      %dma_start3A_256 = arith.constant 0 : i32
      %dma_start3A_257 = tpu.memref_slice %arg7[%add3A_235, %dma_start3A_256] : memref<163840x128xf32, #tpu.memory_space<hbm>> -> memref<128x128xf32, #tpu.memory_space<hbm>>
      %dma_start3A_258 = arith.constant 0 : i32
      %dma_start3A_259 = arith.constant 0 : i32
      %dma_start3A_260 = tpu.memref_slice %arg11[%dma_start3A_249, %dma_start3A_258, %dma_start3A_259] : memref<2x128x128xf32, #tpu.memory_space<vmem>> -> memref<1x128x128xf32, #tpu.memory_space<vmem>>
      %dma_start3A_261 = tpu.memref_squeeze %dma_start3A_260 : memref<1x128x128xf32, #tpu.memory_space<vmem>> -> memref<128x128xf32, #tpu.memory_space<vmem>>
      tpu.enqueue_dma source(%dma_start3A_261 : memref<128x128xf32, #tpu.memory_space<vmem>>) target(%dma_start3A_257 : memref<128x128xf32, #tpu.memory_space<hbm>>) target_semaphore(%arg15 : memref<!tpu.dma_semaphore, #tpu.memory_space<semaphore_mem>>)
      %add3A_262 = arith.constant 2 : i32
      %add3A_263 = arith.addi %add3A_212, %add3A_262 : i32
      %lt3A_264 = arith.cmpi slt, %add3A_263, %select_n3A_7 : i32
      %convert_element_type3A_265 = arith.extui %lt3A_264 : i1 to i32
      %cond3A_266 = arith.constant 0 : i32
      %cond3A_267 = arith.cmpi ne, %convert_element_type3A_265, %cond3A_266 : i32
      scf.if %cond3A_267 {
        %mul3A_269 = arith.constant 128 : i32
        %mul3A_270 = arith.muli %add3A_212, %mul3A_269 : i32
        %add3A_271 = arith.addi %add3A, %mul3A_270 : i32
        %dma_wait3A_272 = arith.constant 1 : i32
        %dma_wait3A_273 = arith.constant 0 : i32
        %dma_wait3A_274 = arith.constant 0 : i32
        %dma_wait3A_275 = tpu.memref_slice %arg10[%dma_wait3A_272, %dma_wait3A_273, %dma_wait3A_274] : memref<2x128x128xf32, #tpu.memory_space<vmem>> -> memref<1x128x128xf32, #tpu.memory_space<vmem>>
        %dma_wait3A_276 = tpu.memref_squeeze %dma_wait3A_275 : memref<1x128x128xf32, #tpu.memory_space<vmem>> -> memref<128x128xf32, #tpu.memory_space<vmem>>
        %dma_wait3A_277 = arith.constant 0 : i32
        %dma_wait3A_278 = tpu.memref_slice %arg6[%add3A_271, %dma_wait3A_277] : memref<163840x128xf32, #tpu.memory_space<hbm>> -> memref<128x128xf32, #tpu.memory_space<hbm>>
        %dma_wait3A_279 = arith.constant 0 : i32
        %dma_wait3A_280 = tpu.memref_slice %arg6[%add3A_271, %dma_wait3A_279] : memref<163840x128xf32, #tpu.memory_space<hbm>> -> memref<128x128xf32, #tpu.memory_space<hbm>>
        %dma_wait3A_281 = arith.constant 0 : i32
        %dma_wait3A_282 = arith.constant 0 : i32
        %dma_wait3A_283 = tpu.memref_slice %arg10[%dma_wait3A_272, %dma_wait3A_281, %dma_wait3A_282] : memref<2x128x128xf32, #tpu.memory_space<vmem>> -> memref<1x128x128xf32, #tpu.memory_space<vmem>>
        %dma_wait3A_284 = tpu.memref_squeeze %dma_wait3A_283 : memref<1x128x128xf32, #tpu.memory_space<vmem>> -> memref<128x128xf32, #tpu.memory_space<vmem>>
        tpu.wait_dma2 semaphore(%arg15 : memref<!tpu.dma_semaphore, #tpu.memory_space<semaphore_mem>>) src(%dma_wait3A_284 : memref<128x128xf32, #tpu.memory_space<vmem>>) dst(%dma_wait3A_280 : memref<128x128xf32, #tpu.memory_space<hbm>>)
        %dma_wait3A_285 = arith.constant 1 : i32
        %dma_wait3A_286 = arith.constant 0 : i32
        %dma_wait3A_287 = arith.constant 0 : i32
        %dma_wait3A_288 = tpu.memref_slice %arg11[%dma_wait3A_285, %dma_wait3A_286, %dma_wait3A_287] : memref<2x128x128xf32, #tpu.memory_space<vmem>> -> memref<1x128x128xf32, #tpu.memory_space<vmem>>
        %dma_wait3A_289 = tpu.memref_squeeze %dma_wait3A_288 : memref<1x128x128xf32, #tpu.memory_space<vmem>> -> memref<128x128xf32, #tpu.memory_space<vmem>>
        %dma_wait3A_290 = arith.constant 0 : i32
        %dma_wait3A_291 = tpu.memref_slice %arg7[%add3A_271, %dma_wait3A_290] : memref<163840x128xf32, #tpu.memory_space<hbm>> -> memref<128x128xf32, #tpu.memory_space<hbm>>
        %dma_wait3A_292 = arith.constant 0 : i32
        %dma_wait3A_293 = tpu.memref_slice %arg7[%add3A_271, %dma_wait3A_292] : memref<163840x128xf32, #tpu.memory_space<hbm>> -> memref<128x128xf32, #tpu.memory_space<hbm>>
        %dma_wait3A_294 = arith.constant 0 : i32
        %dma_wait3A_295 = arith.constant 0 : i32
        %dma_wait3A_296 = tpu.memref_slice %arg11[%dma_wait3A_285, %dma_wait3A_294, %dma_wait3A_295] : memref<2x128x128xf32, #tpu.memory_space<vmem>> -> memref<1x128x128xf32, #tpu.memory_space<vmem>>
        %dma_wait3A_297 = tpu.memref_squeeze %dma_wait3A_296 : memref<1x128x128xf32, #tpu.memory_space<vmem>> -> memref<128x128xf32, #tpu.memory_space<vmem>>
        tpu.wait_dma2 semaphore(%arg15 : memref<!tpu.dma_semaphore, #tpu.memory_space<semaphore_mem>>) src(%dma_wait3A_297 : memref<128x128xf32, #tpu.memory_space<vmem>>) dst(%dma_wait3A_293 : memref<128x128xf32, #tpu.memory_space<hbm>>)
        %add3A_298 = arith.constant 2 : i32
        %add3A_299 = arith.addi %add3A_212, %add3A_298 : i32
        %mul3A_300 = arith.constant 128 : i32
        %mul3A_301 = arith.muli %add3A_299, %mul3A_300 : i32
        %dma_start3A_302 = arith.constant 1 : i32
        %dma_start3A_303 = arith.constant 0 : i32
        %dma_start3A_304 = arith.constant 0 : i32
        %dma_start3A_305 = tpu.memref_slice %arg10[%dma_start3A_302, %dma_start3A_303, %dma_start3A_304] : memref<2x128x128xf32, #tpu.memory_space<vmem>> -> memref<1x128x128xf32, #tpu.memory_space<vmem>>
        %dma_start3A_306 = tpu.memref_squeeze %dma_start3A_305 : memref<1x128x128xf32, #tpu.memory_space<vmem>> -> memref<128x128xf32, #tpu.memory_space<vmem>>
        %dma_start3A_307 = tpu.memref_slice %arg8[%mul3A_301] : memref<7424xi32, #tpu.memory_space<vmem>> -> memref<128xi32, #tpu.memory_space<vmem>>
        %dma_start3A_308 = arith.constant 0 : i32
        %dma_start3A_309 = arith.constant 0 : i32
        %dma_start3A_310 = tpu.memref_slice %arg2[%dma_start3A_308, %dma_start3A_309] : memref<32768x128xf32, #tpu.memory_space<hbm>> -> memref<32768x128xf32, #tpu.memory_space<hbm>>
        tpu.enqueue_indirect_dma source(%dma_start3A_310 : memref<32768x128xf32, #tpu.memory_space<hbm>>) target(%dma_start3A_306 : memref<128x128xf32, #tpu.memory_space<vmem>>) offsets(%dma_start3A_307 : memref<128xi32, #tpu.memory_space<vmem>>) semaphore(%arg13 : memref<!tpu.dma_semaphore, #tpu.memory_space<semaphore_mem>>)
        %dma_start3A_311 = arith.constant 1 : i32
        %dma_start3A_312 = arith.constant 0 : i32
        %dma_start3A_313 = arith.constant 0 : i32
        %dma_start3A_314 = tpu.memref_slice %arg11[%dma_start3A_311, %dma_start3A_312, %dma_start3A_313] : memref<2x128x128xf32, #tpu.memory_space<vmem>> -> memref<1x128x128xf32, #tpu.memory_space<vmem>>
        %dma_start3A_315 = tpu.memref_squeeze %dma_start3A_314 : memref<1x128x128xf32, #tpu.memory_space<vmem>> -> memref<128x128xf32, #tpu.memory_space<vmem>>
        %dma_start3A_316 = tpu.memref_slice %arg9[%mul3A_301] : memref<7424xi32, #tpu.memory_space<vmem>> -> memref<128xi32, #tpu.memory_space<vmem>>
        %dma_start3A_317 = arith.constant 0 : i32
        %dma_start3A_318 = arith.constant 0 : i32
        %dma_start3A_319 = tpu.memref_slice %arg3[%dma_start3A_317, %dma_start3A_318] : memref<10000x128xf32, #tpu.memory_space<hbm>> -> memref<10000x128xf32, #tpu.memory_space<hbm>>
        tpu.enqueue_indirect_dma source(%dma_start3A_319 : memref<10000x128xf32, #tpu.memory_space<hbm>>) target(%dma_start3A_315 : memref<128x128xf32, #tpu.memory_space<vmem>>) offsets(%dma_start3A_316 : memref<128xi32, #tpu.memory_space<vmem>>) semaphore(%arg13 : memref<!tpu.dma_semaphore, #tpu.memory_space<semaphore_mem>>)
      } else {
      }
      %while3A_268 = arith.constant 0 : i32
      scf.yield %while3A_268 : i32
    }
    %sub3A_84 = arith.constant 2 : i32
    %sub3A_85 = arith.subi %select_n3A_7, %sub3A_84 : i32
    %add3A_86 = arith.constant 0 : i32
    %add3A_87 = arith.addi %sub3A_85, %add3A_86 : i32
    %mul3A_88 = arith.constant 128 : i32
    %mul3A_89 = arith.muli %add3A_87, %mul3A_88 : i32
    %add3A_90 = arith.addi %add3A, %mul3A_89 : i32
    %dma_wait3A = arith.constant 0 : i32
    %dma_wait3A_91 = arith.constant 0 : i32
    %dma_wait3A_92 = arith.constant 0 : i32
    %dma_wait3A_93 = tpu.memref_slice %arg10[%dma_wait3A, %dma_wait3A_91, %dma_wait3A_92] : memref<2x128x128xf32, #tpu.memory_space<vmem>> -> memref<1x128x128xf32, #tpu.memory_space<vmem>>
    %dma_wait3A_94 = tpu.memref_squeeze %dma_wait3A_93 : memref<1x128x128xf32, #tpu.memory_space<vmem>> -> memref<128x128xf32, #tpu.memory_space<vmem>>
    %dma_wait3A_95 = arith.constant 0 : i32
    %dma_wait3A_96 = tpu.memref_slice %arg6[%add3A_90, %dma_wait3A_95] : memref<163840x128xf32, #tpu.memory_space<hbm>> -> memref<128x128xf32, #tpu.memory_space<hbm>>
    %dma_wait3A_97 = arith.constant 0 : i32
    %dma_wait3A_98 = tpu.memref_slice %arg6[%add3A_90, %dma_wait3A_97] : memref<163840x128xf32, #tpu.memory_space<hbm>> -> memref<128x128xf32, #tpu.memory_space<hbm>>
    %dma_wait3A_99 = arith.constant 0 : i32
    %dma_wait3A_100 = arith.constant 0 : i32
    %dma_wait3A_101 = tpu.memref_slice %arg10[%dma_wait3A, %dma_wait3A_99, %dma_wait3A_100] : memref<2x128x128xf32, #tpu.memory_space<vmem>> -> memref<1x128x128xf32, #tpu.memory_space<vmem>>
    %dma_wait3A_102 = tpu.memref_squeeze %dma_wait3A_101 : memref<1x128x128xf32, #tpu.memory_space<vmem>> -> memref<128x128xf32, #tpu.memory_space<vmem>>
    tpu.wait_dma2 semaphore(%arg14 : memref<!tpu.dma_semaphore, #tpu.memory_space<semaphore_mem>>) src(%dma_wait3A_102 : memref<128x128xf32, #tpu.memory_space<vmem>>) dst(%dma_wait3A_98 : memref<128x128xf32, #tpu.memory_space<hbm>>)
    %dma_wait3A_103 = arith.constant 0 : i32
    %dma_wait3A_104 = arith.constant 0 : i32
    %dma_wait3A_105 = arith.constant 0 : i32
    %dma_wait3A_106 = tpu.memref_slice %arg11[%dma_wait3A_103, %dma_wait3A_104, %dma_wait3A_105] : memref<2x128x128xf32, #tpu.memory_space<vmem>> -> memref<1x128x128xf32, #tpu.memory_space<vmem>>
    %dma_wait3A_107 = tpu.memref_squeeze %dma_wait3A_106 : memref<1x128x128xf32, #tpu.memory_space<vmem>> -> memref<128x128xf32, #tpu.memory_space<vmem>>
    %dma_wait3A_108 = arith.constant 0 : i32
    %dma_wait3A_109 = tpu.memref_slice %arg7[%add3A_90, %dma_wait3A_108] : memref<163840x128xf32, #tpu.memory_space<hbm>> -> memref<128x128xf32, #tpu.memory_space<hbm>>
    %dma_wait3A_110 = arith.constant 0 : i32
    %dma_wait3A_111 = tpu.memref_slice %arg7[%add3A_90, %dma_wait3A_110] : memref<163840x128xf32, #tpu.memory_space<hbm>> -> memref<128x128xf32, #tpu.memory_space<hbm>>
    %dma_wait3A_112 = arith.constant 0 : i32
    %dma_wait3A_113 = arith.constant 0 : i32
    %dma_wait3A_114 = tpu.memref_slice %arg11[%dma_wait3A_103, %dma_wait3A_112, %dma_wait3A_113] : memref<2x128x128xf32, #tpu.memory_space<vmem>> -> memref<1x128x128xf32, #tpu.memory_space<vmem>>
    %dma_wait3A_115 = tpu.memref_squeeze %dma_wait3A_114 : memref<1x128x128xf32, #tpu.memory_space<vmem>> -> memref<128x128xf32, #tpu.memory_space<vmem>>
    tpu.wait_dma2 semaphore(%arg14 : memref<!tpu.dma_semaphore, #tpu.memory_space<semaphore_mem>>) src(%dma_wait3A_115 : memref<128x128xf32, #tpu.memory_space<vmem>>) dst(%dma_wait3A_111 : memref<128x128xf32, #tpu.memory_space<hbm>>)
    %sub3A_116 = arith.constant 2 : i32
    %sub3A_117 = arith.subi %select_n3A_7, %sub3A_116 : i32
    %add3A_118 = arith.constant 1 : i32
    %add3A_119 = arith.addi %sub3A_117, %add3A_118 : i32
    %mul3A_120 = arith.constant 128 : i32
    %mul3A_121 = arith.muli %add3A_119, %mul3A_120 : i32
    %add3A_122 = arith.addi %add3A, %mul3A_121 : i32
    %dma_wait3A_123 = arith.constant 1 : i32
    %dma_wait3A_124 = arith.constant 0 : i32
    %dma_wait3A_125 = arith.constant 0 : i32
    %dma_wait3A_126 = tpu.memref_slice %arg10[%dma_wait3A_123, %dma_wait3A_124, %dma_wait3A_125] : memref<2x128x128xf32, #tpu.memory_space<vmem>> -> memref<1x128x128xf32, #tpu.memory_space<vmem>>
    %dma_wait3A_127 = tpu.memref_squeeze %dma_wait3A_126 : memref<1x128x128xf32, #tpu.memory_space<vmem>> -> memref<128x128xf32, #tpu.memory_space<vmem>>
    %dma_wait3A_128 = arith.constant 0 : i32
    %dma_wait3A_129 = tpu.memref_slice %arg6[%add3A_122, %dma_wait3A_128] : memref<163840x128xf32, #tpu.memory_space<hbm>> -> memref<128x128xf32, #tpu.memory_space<hbm>>
    %dma_wait3A_130 = arith.constant 0 : i32
    %dma_wait3A_131 = tpu.memref_slice %arg6[%add3A_122, %dma_wait3A_130] : memref<163840x128xf32, #tpu.memory_space<hbm>> -> memref<128x128xf32, #tpu.memory_space<hbm>>
    %dma_wait3A_132 = arith.constant 0 : i32
    %dma_wait3A_133 = arith.constant 0 : i32
    %dma_wait3A_134 = tpu.memref_slice %arg10[%dma_wait3A_123, %dma_wait3A_132, %dma_wait3A_133] : memref<2x128x128xf32, #tpu.memory_space<vmem>> -> memref<1x128x128xf32, #tpu.memory_space<vmem>>
    %dma_wait3A_135 = tpu.memref_squeeze %dma_wait3A_134 : memref<1x128x128xf32, #tpu.memory_space<vmem>> -> memref<128x128xf32, #tpu.memory_space<vmem>>
    tpu.wait_dma2 semaphore(%arg15 : memref<!tpu.dma_semaphore, #tpu.memory_space<semaphore_mem>>) src(%dma_wait3A_135 : memref<128x128xf32, #tpu.memory_space<vmem>>) dst(%dma_wait3A_131 : memref<128x128xf32, #tpu.memory_space<hbm>>)
    %dma_wait3A_136 = arith.constant 1 : i32
    %dma_wait3A_137 = arith.constant 0 : i32
    %dma_wait3A_138 = arith.constant 0 : i32
    %dma_wait3A_139 = tpu.memref_slice %arg11[%dma_wait3A_136, %dma_wait3A_137, %dma_wait3A_138] : memref<2x128x128xf32, #tpu.memory_space<vmem>> -> memref<1x128x128xf32, #tpu.memory_space<vmem>>
    %dma_wait3A_140 = tpu.memref_squeeze %dma_wait3A_139 : memref<1x128x128xf32, #tpu.memory_space<vmem>> -> memref<128x128xf32, #tpu.memory_space<vmem>>
    %dma_wait3A_141 = arith.constant 0 : i32
    %dma_wait3A_142 = tpu.memref_slice %arg7[%add3A_122, %dma_wait3A_141] : memref<163840x128xf32, #tpu.memory_space<hbm>> -> memref<128x128xf32, #tpu.memory_space<hbm>>
    %dma_wait3A_143 = arith.constant 0 : i32
    %dma_wait3A_144 = tpu.memref_slice %arg7[%add3A_122, %dma_wait3A_143] : memref<163840x128xf32, #tpu.memory_space<hbm>> -> memref<128x128xf32, #tpu.memory_space<hbm>>
    %dma_wait3A_145 = arith.constant 0 : i32
    %dma_wait3A_146 = arith.constant 0 : i32
    %dma_wait3A_147 = tpu.memref_slice %arg11[%dma_wait3A_136, %dma_wait3A_145, %dma_wait3A_146] : memref<2x128x128xf32, #tpu.memory_space<vmem>> -> memref<1x128x128xf32, #tpu.memory_space<vmem>>
    %dma_wait3A_148 = tpu.memref_squeeze %dma_wait3A_147 : memref<1x128x128xf32, #tpu.memory_space<vmem>> -> memref<128x128xf32, #tpu.memory_space<vmem>>
    tpu.wait_dma2 semaphore(%arg15 : memref<!tpu.dma_semaphore, #tpu.memory_space<semaphore_mem>>) src(%dma_wait3A_148 : memref<128x128xf32, #tpu.memory_space<vmem>>) dst(%dma_wait3A_144 : memref<128x128xf32, #tpu.memory_space<hbm>>)
    return
  }
}

module attributes {stable_mosaic.version = 14 : i64} {
  func.func @_pos_body(%arg0: memref<10000x128xf32, #tpu.memory_space<vmem>>, %arg1: memref<10000x128xf32, #tpu.memory_space<vmem>>) attributes {dimension_semantics = [], scalar_prefetch = 0 : i64, scratch_operands = 0 : i64, tpu.core_type = #tpu.core_type<tc>} {
    %iota3A = tpu.iota {dimensions = array<i32: 1>} : vector<10000x128xi32>
    %jit3A = arith.constant 32 : i32
    %eq3A = arith.constant 0 : i32
    %eq3A_0 = arith.cmpi eq, %jit3A, %eq3A : i32
    %jit3A_1 = arith.constant 1 : i32
    %select_n3A = arith.select %eq3A_0, %jit3A_1, %jit3A : i32
    %rem3A = vector.broadcast %select_n3A : i32 to vector<10000x128xi32>
    %rem3A_2 = arith.remsi %iota3A, %rem3A : vector<10000x128xi32>
    %ne3A = arith.constant 0 : i32
    %ne3A_3 = vector.broadcast %ne3A : i32 to vector<10000x128xi32>
    %ne3A_4 = arith.cmpi ne, %rem3A_2, %ne3A_3 : vector<10000x128xi32>
    %lt3A = arith.constant 0 : i32
    %lt3A_5 = vector.broadcast %lt3A : i32 to vector<10000x128xi32>
    %lt3A_6 = arith.cmpi slt, %rem3A_2, %lt3A_5 : vector<10000x128xi32>
    %lt3A_7 = arith.constant 0 : i32
    %lt3A_8 = arith.cmpi slt, %select_n3A, %lt3A_7 : i32
    %ne3A_9 = vector.broadcast %lt3A_8 : i1 to vector<10000x128xi1>
    %ne3A_10 = vector.broadcast %ne3A_9 : vector<10000x128xi1> to vector<10000x128xi1>
    %ne3A_11 = arith.xori %lt3A_6, %ne3A_10 : vector<10000x128xi1>
    %and3A = arith.andi %ne3A_11, %ne3A_4 : vector<10000x128xi1>
    %add3A = vector.broadcast %select_n3A : i32 to vector<10000x128xi32>
    %add3A_12 = arith.addi %rem3A_2, %add3A : vector<10000x128xi32>
    %select_n3A_13 = arith.select %and3A, %add3A_12, %rem3A_2 : vector<10000x128xi1>, vector<10000x128xi32>
    %jit3A_14 = arith.constant 16 : i32
    %eq3A_15 = arith.constant 0 : i32
    %eq3A_16 = arith.cmpi eq, %jit3A_14, %eq3A_15 : i32
    %jit3A_17 = arith.constant 1 : i32
    %select_n3A_18 = arith.select %eq3A_16, %jit3A_17, %jit3A_14 : i32
    %rem3A_19 = vector.broadcast %select_n3A_18 : i32 to vector<10000x128xi32>
    %rem3A_20 = arith.remsi %select_n3A_13, %rem3A_19 : vector<10000x128xi32>
    %ne3A_21 = arith.constant 0 : i32
    %ne3A_22 = vector.broadcast %ne3A_21 : i32 to vector<10000x128xi32>
    %ne3A_23 = arith.cmpi ne, %rem3A_20, %ne3A_22 : vector<10000x128xi32>
    %lt3A_24 = arith.constant 0 : i32
    %lt3A_25 = vector.broadcast %lt3A_24 : i32 to vector<10000x128xi32>
    %lt3A_26 = arith.cmpi slt, %rem3A_20, %lt3A_25 : vector<10000x128xi32>
    %lt3A_27 = arith.constant 0 : i32
    %lt3A_28 = arith.cmpi slt, %select_n3A_18, %lt3A_27 : i32
    %ne3A_29 = vector.broadcast %lt3A_28 : i1 to vector<10000x128xi1>
    %ne3A_30 = vector.broadcast %ne3A_29 : vector<10000x128xi1> to vector<10000x128xi1>
    %ne3A_31 = arith.xori %lt3A_26, %ne3A_30 : vector<10000x128xi1>
    %and3A_32 = arith.andi %ne3A_31, %ne3A_23 : vector<10000x128xi1>
    %add3A_33 = vector.broadcast %select_n3A_18 : i32 to vector<10000x128xi32>
    %add3A_34 = arith.addi %rem3A_20, %add3A_33 : vector<10000x128xi32>
    %select_n3A_35 = arith.select %and3A_32, %add3A_34, %rem3A_20 : vector<10000x128xi1>, vector<10000x128xi32>
    %convert_element_type3A = arith.sitofp %select_n3A_35 : vector<10000x128xi32> to vector<10000x128xf32>
    %log3A = arith.constant 1.000000e+04 : f32
    %log3A_36 = math.log %log3A : f32
    %mul3A = arith.constant -6.250000e-02 : f32
    %mul3A_37 = arith.mulf %mul3A, %log3A_36 : f32
    %mul3A_38 = vector.broadcast %mul3A_37 : f32 to vector<10000x128xf32>
    %mul3A_39 = arith.mulf %convert_element_type3A, %mul3A_38 : vector<10000x128xf32>
    %exp3A = math.exp %mul3A_39 : vector<10000x128xf32>
    %get3A = arith.constant 0 : index
    %get3A_40 = arith.constant 0 : index
    %get3A_41 = vector.load %arg0[%get3A, %get3A_40] : memref<10000x128xf32, #tpu.memory_space<vmem>>, vector<10000x128xf32>
    %mul3A_42 = arith.mulf %get3A_41, %exp3A : vector<10000x128xf32>
    %lt3A_43 = arith.constant 16 : i32
    %lt3A_44 = vector.broadcast %lt3A_43 : i32 to vector<10000x128xi32>
    %lt3A_45 = arith.cmpi slt, %select_n3A_13, %lt3A_44 : vector<10000x128xi32>
    %sin3A = math.sin %mul3A_42 : vector<10000x128xf32>
    %cos3A = math.cos %mul3A_42 : vector<10000x128xf32>
    %select_n3A_46 = arith.select %lt3A_45, %sin3A, %cos3A : vector<10000x128xi1>, vector<10000x128xf32>
    %swap3A = arith.constant 0 : index
    %swap3A_47 = arith.constant 0 : index
    %swap3A_48 = vector.load %arg1[%swap3A, %swap3A_47] : memref<10000x128xf32, #tpu.memory_space<vmem>>, vector<10000x128xf32>
    tpu.vector_store %arg1[%swap3A, %swap3A_47], %select_n3A_46 {strides = array<i32>} : memref<10000x128xf32, #tpu.memory_space<vmem>>, vector<10000x128xf32>,
    return
  }
}

module attributes {stable_mosaic.version = 14 : i64} {
  func.func @_mlp_body(%arg0: i32, %arg1: memref<1024x128xf32, #tpu.memory_space<vmem>>, %arg2: memref<1024x128xf32, #tpu.memory_space<vmem>>, %arg3: memref<128x512xf32, #tpu.memory_space<vmem>>, %arg4: memref<128x512xf32, #tpu.memory_space<vmem>>, %arg5: memref<1x512xf32, #tpu.memory_space<vmem>>, %arg6: memref<512x256xf32, #tpu.memory_space<vmem>>, %arg7: memref<1x256xf32, #tpu.memory_space<vmem>>, %arg8: memref<256x128xf32, #tpu.memory_space<vmem>>, %arg9: memref<1x128xf32, #tpu.memory_space<vmem>>, %arg10: memref<1024x128xf32, #tpu.memory_space<vmem>>) attributes {dimension_semantics = [#tpu.dimension_semantics<arbitrary>], iteration_bounds = array<i64: 160>, scalar_prefetch = 0 : i64, scratch_operands = 0 : i64, tpu.core_type = #tpu.core_type<tc>, window_params = [{transform_indices = @transform_0, window_bounds = array<i64: 1024, 128>}, {transform_indices = @transform_1, window_bounds = array<i64: 1024, 128>}, {pipeline_mode = #tpu.pipeline_mode<synchronous>, transform_indices = @transform_2, window_bounds = array<i64: 128, 512>}, {pipeline_mode = #tpu.pipeline_mode<synchronous>, transform_indices = @transform_3, window_bounds = array<i64: 128, 512>}, {pipeline_mode = #tpu.pipeline_mode<synchronous>, transform_indices = @transform_4, window_bounds = array<i64: 1, 512>}, {pipeline_mode = #tpu.pipeline_mode<synchronous>, transform_indices = @transform_5, window_bounds = array<i64: 512, 256>}, {pipeline_mode = #tpu.pipeline_mode<synchronous>, transform_indices = @transform_6, window_bounds = array<i64: 1, 256>}, {pipeline_mode = #tpu.pipeline_mode<synchronous>, transform_indices = @transform_7, window_bounds = array<i64: 256, 128>}, {pipeline_mode = #tpu.pipeline_mode<synchronous>, transform_indices = @transform_8, window_bounds = array<i64: 1, 128>}, {transform_indices = @transform_9, window_bounds = array<i64: 1024, 128>}]} {
    %get3A = arith.constant 0 : index
    %get3A_0 = arith.constant 0 : index
    %get3A_1 = vector.load %arg1[%get3A, %get3A_0] : memref<1024x128xf32, #tpu.memory_space<vmem>>, vector<1024x128xf32>
    %get3A_2 = arith.constant 0 : index
    %get3A_3 = arith.constant 0 : index
    %get3A_4 = vector.load %arg3[%get3A_2, %get3A_3] : memref<128x512xf32, #tpu.memory_space<vmem>>, vector<128x512xf32>
    %dot_general3A = arith.constant dense<0.000000e+00> : vector<1024x512xf32>
    %dot_general3A_5 = tpu.matmul %get3A_1, %get3A_4, %dot_general3A {dimension_numbers = #tpu.dot_dimension_numbers<[1], [0], [0], [1], [0, 0, 1, 1], [], []>, transpose_lhs_hint = false} : vector<1024x128xf32>, vector<128x512xf32>, vector<1024x512xf32> -> vector<1024x512xf32>
    %get3A_6 = arith.constant 0 : index
    %get3A_7 = arith.constant 0 : index
    %get3A_8 = vector.load %arg2[%get3A_6, %get3A_7] : memref<1024x128xf32, #tpu.memory_space<vmem>>, vector<1024x128xf32>
    %get3A_9 = arith.constant 0 : index
    %get3A_10 = arith.constant 0 : index
    %get3A_11 = vector.load %arg4[%get3A_9, %get3A_10] : memref<128x512xf32, #tpu.memory_space<vmem>>, vector<128x512xf32>
    %dot_general3A_12 = arith.constant dense<0.000000e+00> : vector<1024x512xf32>
    %dot_general3A_13 = tpu.matmul %get3A_8, %get3A_11, %dot_general3A_12 {dimension_numbers = #tpu.dot_dimension_numbers<[1], [0], [0], [1], [0, 0, 1, 1], [], []>, transpose_lhs_hint = false} : vector<1024x128xf32>, vector<128x512xf32>, vector<1024x512xf32> -> vector<1024x512xf32>
    %add3A = arith.addf %dot_general3A_5, %dot_general3A_13 : vector<1024x512xf32>
    %get3A_14 = arith.constant 0 : index
    %get3A_15 = arith.constant 0 : index
    %get3A_16 = vector.load %arg5[%get3A_14, %get3A_15] : memref<1x512xf32, #tpu.memory_space<vmem>>, vector<1x512xf32>
    %add3A_17 = vector.broadcast %get3A_16 : vector<1x512xf32> to vector<1024x512xf32>
    %add3A_18 = arith.addf %add3A, %add3A_17 : vector<1024x512xf32>
    %mul3A = arith.constant 5.000000e-01 : f32
    %mul3A_19 = vector.broadcast %mul3A : f32 to vector<1024x512xf32>
    %mul3A_20 = arith.mulf %mul3A_19, %add3A_18 : vector<1024x512xf32>
    %mul3A_21 = arith.constant 0.707106769 : f32
    %mul3A_22 = vector.broadcast %mul3A_21 : f32 to vector<1024x512xf32>
    %mul3A_23 = arith.mulf %add3A_18, %mul3A_22 : vector<1024x512xf32>
    %erf3A = math.erf %mul3A_23 : vector<1024x512xf32>
    %add3A_24 = arith.constant 1.000000e+00 : f32
    %add3A_25 = vector.broadcast %add3A_24 : f32 to vector<1024x512xf32>
    %add3A_26 = arith.addf %add3A_25, %erf3A : vector<1024x512xf32>
    %mul3A_27 = arith.mulf %mul3A_20, %add3A_26 : vector<1024x512xf32>
    %get3A_28 = arith.constant 0 : index
    %get3A_29 = arith.constant 0 : index
    %get3A_30 = vector.load %arg6[%get3A_28, %get3A_29] : memref<512x256xf32, #tpu.memory_space<vmem>>, vector<512x256xf32>
    %dot_general3A_31 = arith.constant dense<0.000000e+00> : vector<1024x256xf32>
    %dot_general3A_32 = tpu.matmul %mul3A_27, %get3A_30, %dot_general3A_31 {dimension_numbers = #tpu.dot_dimension_numbers<[1], [0], [0], [1], [0, 0, 1, 1], [], []>, transpose_lhs_hint = false} : vector<1024x512xf32>, vector<512x256xf32>, vector<1024x256xf32> -> vector<1024x256xf32>
    %get3A_33 = arith.constant 0 : index
    %get3A_34 = arith.constant 0 : index
    %get3A_35 = vector.load %arg7[%get3A_33, %get3A_34] : memref<1x256xf32, #tpu.memory_space<vmem>>, vector<1x256xf32>
    %add3A_36 = vector.broadcast %get3A_35 : vector<1x256xf32> to vector<1024x256xf32>
    %add3A_37 = arith.addf %dot_general3A_32, %add3A_36 : vector<1024x256xf32>
    %mul3A_38 = arith.constant 5.000000e-01 : f32
    %mul3A_39 = vector.broadcast %mul3A_38 : f32 to vector<1024x256xf32>
    %mul3A_40 = arith.mulf %mul3A_39, %add3A_37 : vector<1024x256xf32>
    %mul3A_41 = arith.constant 0.707106769 : f32
    %mul3A_42 = vector.broadcast %mul3A_41 : f32 to vector<1024x256xf32>
    %mul3A_43 = arith.mulf %add3A_37, %mul3A_42 : vector<1024x256xf32>
    %erf3A_44 = math.erf %mul3A_43 : vector<1024x256xf32>
    %add3A_45 = arith.constant 1.000000e+00 : f32
    %add3A_46 = vector.broadcast %add3A_45 : f32 to vector<1024x256xf32>
    %add3A_47 = arith.addf %add3A_46, %erf3A_44 : vector<1024x256xf32>
    %mul3A_48 = arith.mulf %mul3A_40, %add3A_47 : vector<1024x256xf32>
    %get3A_49 = arith.constant 0 : index
    %get3A_50 = arith.constant 0 : index
    %get3A_51 = vector.load %arg8[%get3A_49, %get3A_50] : memref<256x128xf32, #tpu.memory_space<vmem>>, vector<256x128xf32>
    %dot_general3A_52 = arith.constant dense<0.000000e+00> : vector<1024x128xf32>
    %dot_general3A_53 = tpu.matmul %mul3A_48, %get3A_51, %dot_general3A_52 {dimension_numbers = #tpu.dot_dimension_numbers<[1], [0], [0], [1], [0, 0, 1, 1], [], []>, transpose_lhs_hint = false} : vector<1024x256xf32>, vector<256x128xf32>, vector<1024x128xf32> -> vector<1024x128xf32>
    %get3A_54 = arith.constant 0 : index
    %get3A_55 = arith.constant 0 : index
    %get3A_56 = vector.load %arg9[%get3A_54, %get3A_55] : memref<1x128xf32, #tpu.memory_space<vmem>>, vector<1x128xf32>
    %add3A_57 = vector.broadcast %get3A_56 : vector<1x128xf32> to vector<1024x128xf32>
    %add3A_58 = arith.addf %dot_general3A_53, %add3A_57 : vector<1024x128xf32>
    %swap3A = arith.constant 0 : index
    %swap3A_59 = arith.constant 0 : index
    %swap3A_60 = vector.load %arg10[%swap3A, %swap3A_59] : memref<1024x128xf32, #tpu.memory_space<vmem>>, vector<1024x128xf32>
    tpu.vector_store %arg10[%swap3A, %swap3A_59], %add3A_58 {strides = array<i32>} : memref<1024x128xf32, #tpu.memory_space<vmem>>, vector<1024x128xf32>,
    return
  }
  func.func @transform_0(%arg0: i32) -> (i32, i32) {
    %c0_i32 = arith.constant 0 : i32
    %c0_i32_0 = arith.constant 0 : i32
    return %arg0, %c0_i32 : i32, i32
  }
  func.func @transform_1(%arg0: i32) -> (i32, i32) {
    %c0_i32 = arith.constant 0 : i32
    %c0_i32_0 = arith.constant 0 : i32
    return %arg0, %c0_i32 : i32, i32
  }
  func.func @transform_2(%arg0: i32) -> (i32, i32) {
    %c0_i32 = arith.constant 0 : i32
    %c0_i32_0 = arith.constant 0 : i32
    %c0_i32_1 = arith.constant 0 : i32
    return %c0_i32, %c0_i32_0 : i32, i32
  }
  func.func @transform_3(%arg0: i32) -> (i32, i32) {
    %c0_i32 = arith.constant 0 : i32
    %c0_i32_0 = arith.constant 0 : i32
    %c0_i32_1 = arith.constant 0 : i32
    return %c0_i32, %c0_i32_0 : i32, i32
  }
  func.func @transform_4(%arg0: i32) -> (i32, i32) {
    %c0_i32 = arith.constant 0 : i32
    %c0_i32_0 = arith.constant 0 : i32
    %c0_i32_1 = arith.constant 0 : i32
    return %c0_i32, %c0_i32_0 : i32, i32
  }
  func.func @transform_5(%arg0: i32) -> (i32, i32) {
    %c0_i32 = arith.constant 0 : i32
    %c0_i32_0 = arith.constant 0 : i32
    %c0_i32_1 = arith.constant 0 : i32
    return %c0_i32, %c0_i32_0 : i32, i32
  }
  func.func @transform_6(%arg0: i32) -> (i32, i32) {
    %c0_i32 = arith.constant 0 : i32
    %c0_i32_0 = arith.constant 0 : i32
    %c0_i32_1 = arith.constant 0 : i32
    return %c0_i32, %c0_i32_0 : i32, i32
  }
  func.func @transform_7(%arg0: i32) -> (i32, i32) {
    %c0_i32 = arith.constant 0 : i32
    %c0_i32_0 = arith.constant 0 : i32
    %c0_i32_1 = arith.constant 0 : i32
    return %c0_i32, %c0_i32_0 : i32, i32
  }
  func.func @transform_8(%arg0: i32) -> (i32, i32) {
    %c0_i32 = arith.constant 0 : i32
    %c0_i32_0 = arith.constant 0 : i32
    %c0_i32_1 = arith.constant 0 : i32
    return %c0_i32, %c0_i32_0 : i32, i32
  }
  func.func @transform_9(%arg0: i32) -> (i32, i32) {
    %c0_i32 = arith.constant 0 : i32
    %c0_i32_0 = arith.constant 0 : i32
    return %arg0, %c0_i32 : i32, i32
  }
}

module attributes {stable_mosaic.version = 14 : i64} {
  func.func @_fin_body(%arg0: i32, %arg1: memref<1000x128xf32, #tpu.memory_space<vmem>>, %arg2: memref<1000x128xf32, #tpu.memory_space<vmem>>, %arg3: memref<1000x1xf32, #tpu.memory_space<vmem>>, %arg4: memref<1000x1xf32, #tpu.memory_space<vmem>>, %arg5: memref<128x256xf32, #tpu.memory_space<vmem>>, %arg6: memref<1x256xf32, #tpu.memory_space<vmem>>, %arg7: memref<256x4xf32, #tpu.memory_space<vmem>>, %arg8: memref<1x4xf32, #tpu.memory_space<vmem>>, %arg9: memref<1000x4xf32, #tpu.memory_space<vmem>>) attributes {dimension_semantics = [#tpu.dimension_semantics<arbitrary>], iteration_bounds = array<i64: 10>, scalar_prefetch = 0 : i64, scratch_operands = 0 : i64, tpu.core_type = #tpu.core_type<tc>, window_params = [{transform_indices = @transform_0, window_bounds = array<i64: 1000, 128>}, {transform_indices = @transform_1, window_bounds = array<i64: 1000, 128>}, {transform_indices = @transform_2, window_bounds = array<i64: 1000, 1>}, {transform_indices = @transform_3, window_bounds = array<i64: 1000, 1>}, {pipeline_mode = #tpu.pipeline_mode<synchronous>, transform_indices = @transform_4, window_bounds = array<i64: 128, 256>}, {pipeline_mode = #tpu.pipeline_mode<synchronous>, transform_indices = @transform_5, window_bounds = array<i64: 1, 256>}, {pipeline_mode = #tpu.pipeline_mode<synchronous>, transform_indices = @transform_6, window_bounds = array<i64: 256, 4>}, {pipeline_mode = #tpu.pipeline_mode<synchronous>, transform_indices = @transform_7, window_bounds = array<i64: 1, 4>}, {transform_indices = @transform_8, window_bounds = array<i64: 1000, 4>}]} {
    %get3A = arith.constant 0 : index
    %get3A_0 = arith.constant 0 : index
    %get3A_1 = vector.load %arg1[%get3A, %get3A_0] : memref<1000x128xf32, #tpu.memory_space<vmem>>, vector<1000x128xf32>
    %get3A_2 = arith.constant 0 : index
    %get3A_3 = arith.constant 0 : index
    %get3A_4 = vector.load %arg2[%get3A_2, %get3A_3] : memref<1000x128xf32, #tpu.memory_space<vmem>>, vector<1000x128xf32>
    %add3A = arith.addf %get3A_1, %get3A_4 : vector<1000x128xf32>
    %get3A_5 = arith.constant 0 : index
    %get3A_6 = arith.constant 0 : index
    %get3A_7 = vector.load %arg3[%get3A_5, %get3A_6] : memref<1000x1xf32, #tpu.memory_space<vmem>>, vector<1000x1xf32>
    %get3A_8 = arith.constant 0 : index
    %get3A_9 = arith.constant 0 : index
    %get3A_10 = vector.load %arg4[%get3A_8, %get3A_9] : memref<1000x1xf32, #tpu.memory_space<vmem>>, vector<1000x1xf32>
    %add3A_11 = arith.addf %get3A_7, %get3A_10 : vector<1000x1xf32>
    %gt3A = arith.constant 0.000000e+00 : f32
    %gt3A_12 = vector.broadcast %gt3A : f32 to vector<1000x1xf32>
    %gt3A_13 = arith.cmpf ogt, %add3A_11, %gt3A_12 : vector<1000x1xf32>
    %max3A = arith.constant 1.000000e+00 : f32
    %max3A_14 = vector.broadcast %max3A : f32 to vector<1000x1xf32>
    %max3A_15 = arith.maximumf %add3A_11, %max3A_14 : vector<1000x1xf32>
    %div3A = vector.broadcast %max3A_15 : vector<1000x1xf32> to vector<1000x128xf32>
    %div3A_16 = arith.divf %add3A, %div3A : vector<1000x128xf32>
    %jit3A = arith.constant 0.000000e+00 : f32
    %broadcast_in_dim3A = vector.shape_cast %gt3A_13 : vector<1000x1xi1> to vector<1000x1xi1>
    %broadcast_in_dim3A_17 = vector.broadcast %broadcast_in_dim3A : vector<1000x1xi1> to vector<1000x128xi1>
    %broadcast_in_dim3A_18 = vector.broadcast %jit3A : f32 to vector<1000x128xf32>
    %select_n3A = arith.select %broadcast_in_dim3A_17, %div3A_16, %broadcast_in_dim3A_18 : vector<1000x128xi1>, vector<1000x128xf32>
    %get3A_19 = arith.constant 0 : index
    %get3A_20 = arith.constant 0 : index
    %get3A_21 = vector.load %arg5[%get3A_19, %get3A_20] : memref<128x256xf32, #tpu.memory_space<vmem>>, vector<128x256xf32>
    %dot_general3A = arith.constant dense<0.000000e+00> : vector<1000x256xf32>
    %dot_general3A_22 = tpu.matmul %select_n3A, %get3A_21, %dot_general3A {dimension_numbers = #tpu.dot_dimension_numbers<[1], [0], [0], [1], [0, 0, 1, 1], [], []>, transpose_lhs_hint = false} : vector<1000x128xf32>, vector<128x256xf32>, vector<1000x256xf32> -> vector<1000x256xf32>
    %get3A_23 = arith.constant 0 : index
    %get3A_24 = arith.constant 0 : index
    %get3A_25 = vector.load %arg6[%get3A_23, %get3A_24] : memref<1x256xf32, #tpu.memory_space<vmem>>, vector<1x256xf32>
    %add3A_26 = vector.broadcast %get3A_25 : vector<1x256xf32> to vector<1000x256xf32>
    %add3A_27 = arith.addf %dot_general3A_22, %add3A_26 : vector<1000x256xf32>
    %mul3A = arith.constant 5.000000e-01 : f32
    %mul3A_28 = vector.broadcast %mul3A : f32 to vector<1000x256xf32>
    %mul3A_29 = arith.mulf %mul3A_28, %add3A_27 : vector<1000x256xf32>
    %mul3A_30 = arith.constant 0.707106769 : f32
    %mul3A_31 = vector.broadcast %mul3A_30 : f32 to vector<1000x256xf32>
    %mul3A_32 = arith.mulf %add3A_27, %mul3A_31 : vector<1000x256xf32>
    %erf3A = math.erf %mul3A_32 : vector<1000x256xf32>
    %add3A_33 = arith.constant 1.000000e+00 : f32
    %add3A_34 = vector.broadcast %add3A_33 : f32 to vector<1000x256xf32>
    %add3A_35 = arith.addf %add3A_34, %erf3A : vector<1000x256xf32>
    %mul3A_36 = arith.mulf %mul3A_29, %add3A_35 : vector<1000x256xf32>
    %get3A_37 = arith.constant 0 : index
    %get3A_38 = arith.constant 0 : index
    %get3A_39 = vector.load %arg7[%get3A_37, %get3A_38] : memref<256x4xf32, #tpu.memory_space<vmem>>, vector<256x4xf32>
    %dot_general3A_40 = arith.constant dense<0.000000e+00> : vector<1000x4xf32>
    %dot_general3A_41 = tpu.matmul %mul3A_36, %get3A_39, %dot_general3A_40 {dimension_numbers = #tpu.dot_dimension_numbers<[1], [0], [0], [1], [0, 0, 1, 1], [], []>, transpose_lhs_hint = false} : vector<1000x256xf32>, vector<256x4xf32>, vector<1000x4xf32> -> vector<1000x4xf32>
    %get3A_42 = arith.constant 0 : index
    %get3A_43 = arith.constant 0 : index
    %get3A_44 = vector.load %arg8[%get3A_42, %get3A_43] : memref<1x4xf32, #tpu.memory_space<vmem>>, vector<1x4xf32>
    %add3A_45 = vector.broadcast %get3A_44 : vector<1x4xf32> to vector<1000x4xf32>
    %add3A_46 = arith.addf %dot_general3A_41, %add3A_45 : vector<1000x4xf32>
    %swap3A = arith.constant 0 : index
    %swap3A_47 = arith.constant 0 : index
    %swap3A_48 = vector.load %arg9[%swap3A, %swap3A_47] : memref<1000x4xf32, #tpu.memory_space<vmem>>, vector<1000x4xf32>
    tpu.vector_store %arg9[%swap3A, %swap3A_47], %add3A_46 {strides = array<i32>} : memref<1000x4xf32, #tpu.memory_space<vmem>>, vector<1000x4xf32>,
    return
  }
  func.func @transform_0(%arg0: i32) -> (i32, i32) {
    %c0_i32 = arith.constant 0 : i32
    %c0_i32_0 = arith.constant 0 : i32
    return %arg0, %c0_i32 : i32, i32
  }
  func.func @transform_1(%arg0: i32) -> (i32, i32) {
    %c0_i32 = arith.constant 0 : i32
    %c0_i32_0 = arith.constant 0 : i32
    return %arg0, %c0_i32 : i32, i32
  }
  func.func @transform_2(%arg0: i32) -> (i32, i32) {
    %c0_i32 = arith.constant 0 : i32
    %c0_i32_0 = arith.constant 0 : i32
    return %arg0, %c0_i32 : i32, i32
  }
  func.func @transform_3(%arg0: i32) -> (i32, i32) {
    %c0_i32 = arith.constant 0 : i32
    %c0_i32_0 = arith.constant 0 : i32
    return %arg0, %c0_i32 : i32, i32
  }
  func.func @transform_4(%arg0: i32) -> (i32, i32) {
    %c0_i32 = arith.constant 0 : i32
    %c0_i32_0 = arith.constant 0 : i32
    %c0_i32_1 = arith.constant 0 : i32
    return %c0_i32, %c0_i32_0 : i32, i32
  }
  func.func @transform_5(%arg0: i32) -> (i32, i32) {
    %c0_i32 = arith.constant 0 : i32
    %c0_i32_0 = arith.constant 0 : i32
    %c0_i32_1 = arith.constant 0 : i32
    return %c0_i32, %c0_i32_0 : i32, i32
  }
  func.func @transform_6(%arg0: i32) -> (i32, i32) {
    %c0_i32 = arith.constant 0 : i32
    %c0_i32_0 = arith.constant 0 : i32
    %c0_i32_1 = arith.constant 0 : i32
    return %c0_i32, %c0_i32_0 : i32, i32
  }
  func.func @transform_7(%arg0: i32) -> (i32, i32) {
    %c0_i32 = arith.constant 0 : i32
    %c0_i32_0 = arith.constant 0 : i32
    %c0_i32_1 = arith.constant 0 : i32
    return %c0_i32, %c0_i32_0 : i32, i32
  }
  func.func @transform_8(%arg0: i32) -> (i32, i32) {
    %c0_i32 = arith.constant 0 : i32
    %c0_i32_0 = arith.constant 0 : i32
    return %arg0, %c0_i32 : i32, i32
  }
}

</mosaic_0001>

<sc_bundles>
// kernel: kernel.10.cloned.1.call-start
scs
__scs_entry_jumppad:
0x0: {  	(pc) =	sbr.rel $0x88, $3  }
0x1: {  	(tag) =	ssettag $0x0;
	lr =	simm.s32 $0x1  }
0x2: {  	[smem:$0x3F94] =	sst lr;
	_ =	strace $0xD0000000  }
0x3: {  	_ = 	snop  }
0x4: {  	_ = 	snop  }
0x5: {  	_ = 	snop  }
0x6: {  	_ = 	snop  }
0x7: {  	_ = 	snop  }
__scs_overlays_trampoline_lowered:
0x8: {  	[smem:$0x3FA3] =	sst s0  }
0x9: {  	[smem:$0x3FA4] =	sst s1  }
0xa: {  	[smem:$0x3FA5] =	sst s2  }
0xb: {  	[smem:$0x3FA6] =	sst s3  }
0xc: {  	[smem:$0x3FA7] =	sst s4  }
0xd: {  	[smem:$0x3FA8] =	sst s5  }
0xe: {  	[smem:$0x3FA9] =	sst s6  }
0xf: {  	[smem:$0x3FAA] =	sst s7  }
0x10: {  	[smem:$0x3FAB] =	sst s8  }
0x11: {  	[smem:$0x3FAC] =	sst s9;
	s0 =	simm.s32 @!p0 $0x0  }
0x12: {  	s1 =	sld [smem:$0x3F92];
	s0 =	simm.s32 @p0 $0x1  }
0x13: {  	[smem:$0x3FAD] =	sst s0;
	s0 =	simm.s32 @!p1 $0x0  }
0x14: {  	s2 =	sld [smem:$0x3F91];
	s0 =	simm.s32 @p1 $0x1  }
0x15: {  	[smem:$0x3FAE] =	sst s0;
	s0 =	simm.s32 @!p2 $0x0  }
0x16: {  	s3 =	sld [smem:$0x3FDB];
	s0 =	simm.s32 @p2 $0x1  }
0x17: {  	s4 =	simm.s32 $0x1BF5;
	[smem:$0x3FB0] =	sst s0  }
0x18: {  	s0 =	sld [smem:$0x3F93];
	_ =	swait.ge [sflag:s4], $0x0  }
0x19: {  	s7 =	sld [smem:$0x3F94]  }
0x1a: {  	s8 =	sadd.s32 $0xFFFFE003, lr  }
0x1b: {  	s9 =	sadd.s32 $0xFFFFFEF7, lr;
	s5 =	simm.s32 $0xFFFFFFFF;
	p2 =	slt.u32 s8, $0xFFFFF086  }
0x1c: {  	p1 =	slt.u32 s9, $0xF7A;
	s5 =	simm.s32 @!p2 $0x0  }
0x1d: {  	s5 =	simm.s32 @p1 $0x1;
	p0 =	seq.s32 s7, s2  }
0x1e: {  	s7 =	smul.u32 @!p0 $0xF7A, s2;
	p2 =	seq.s32 @!p0 s5, $0x0  }
0x1f: {  	s9 =	smul.u32 $0xF7A, s1;
	s8 =	simm.s32 @!p0 $0x1BF5;
	p2 =	por !p2, p0  }
0x20: {  	[sflag:s8] =	ssyncset.s32 @!p0 $0xFFFFF086;
	s6 =	sadd.s32 @!p0 s3, s7;
	s7 =	simm.s32 @!p0 $0x108  }
0x21: {  	s3 =	sadd.s32 s3, s9;
	s6 =	sadd.s32 @!p0 $0x88, s6;
	s7 =	simm.s32 @p2 $0x1082  }
0x22: {  	[simem:s7], [sflag:s8] =	dma.local @!p0 [hbm:s6], $0xF7A  }
0x23: {  	s9 =	sor.u32 $0xD0000000, s2;
	s6 =	simm.s32 $0x108;
	_ =	swait.ge @!p0 [sflag:s8], $0x0  }
0x24: {  	s3 =	sadd.s32 $0x88, s3;
	s6 =	simm.s32 @!p1 $0x1082;
	[sflag:s4] =	ssyncset.s32 $0xFFFFF086  }
0x25: {  	[simem:s6], [sflag:s4] =	dma.local [hbm:s3], $0xF7A  }
0x26: {  	[smem:$0x3F94] =	sst s1;
	(tag) =	ssettag s2;
	_ =	strace s9  }
0x27: {  	s1 =	sld [smem:$0x3FA4]  }
0x28: {  	s2 =	sld [smem:$0x3FA5]  }
0x29: {  	s4 =	sld [smem:$0x3FA7]  }
0x2a: {  	p0 =	seq.s32 s5, $0x0;
	s5 =	sld [smem:$0x3FA8]  }
0x2b: {  	s6 =	sld [smem:$0x3FA9]  }
0x2c: {  	s7 =	sld [smem:$0x3FAA]  }
0x2d: {  	s3 =	simm.s32 $0x108;
	s8 =	sld [smem:$0x3FAB]  }
0x2e: {  	s3 =	simm.s32 @!p0 $0x1082;
	s9 =	sld [smem:$0x3FAC]  }
0x2f: {  	lr =	sadd.s32 s0, s3;
	s0 =	sld [smem:$0x3FA3]  }
0x30: {  	s3 =	sld [smem:$0x3FA6]  }
0x31: {  	[smem:$0x3FAF] =	sst s10  }
0x32: {  	s10 =	sld [smem:$0x3FAD];
	_ =	sdelay $0x3  }
0x33: {  	p0 =	seq.s32 s10, $0x1;
	s10 =	sld [smem:$0x3FAF];
	_ =	sdelay $0x3  }
0x34: {  	[smem:$0x3FAF] =	sst s10  }
0x35: {  	s10 =	sld [smem:$0x3FAE];
	_ =	sdelay $0x3  }
0x36: {  	p1 =	seq.s32 s10, $0x1;
	s10 =	sld [smem:$0x3FAF];
	_ =	sdelay $0x3  }
0x37: {  	[smem:$0x3FAF] =	sst s10  }
0x38: {  	s10 =	sld [smem:$0x3FB0]  }
0x39: {  	_ = 	snop;
	(pc) =	sbr.ind lr, $3  }
0x3a: {  	_ = 	snop  }
0x3b: {  	_ = 	snop  }
0x3c: {  	p2 =	seq.s32 s10, $0x1;
	s10 =	sld [smem:$0x3FAF]  }
0x3d: {  	_ =	shalt  }
0x3e: {  	_ =	shalt  }
0x3f: {  	_ =	shalt  }
0x40: {  	_ =	shalt  }
0x41: {  	_ =	shalt  }
0x42: {  	_ =	shalt  }
0x43: {  	_ =	shalt  }
0x44: {  	_ =	shalt  }
0x45: {  	_ =	shalt  }
0x46: {  	_ =	shalt  }
0x47: {  	_ =	shalt  }
0x48: {  	_ =	shalt  }
0x49: {  	_ =	shalt  }
0x4a: {  	_ =	shalt  }
0x4b: {  	_ =	shalt  }
0x4c: {  	_ =	shalt  }
0x4d: {  	_ =	shalt  }
0x4e: {  	_ =	shalt  }
0x4f: {  	_ =	shalt  }
0x50: {  	_ =	shalt  }
0x51: {  	_ =	shalt  }
0x52: {  	_ =	shalt  }
0x53: {  	_ =	shalt  }
0x54: {  	_ =	shalt  }
0x55: {  	_ =	shalt  }
0x56: {  	_ =	shalt  }
0x57: {  	_ =	shalt  }
0x58: {  	_ =	shalt  }
0x59: {  	_ =	shalt  }
0x5a: {  	_ =	shalt  }
0x5b: {  	_ =	shalt  }
0x5c: {  	_ =	shalt  }
0x5d: {  	_ =	shalt  }
0x5e: {  	_ =	shalt  }
0x5f: {  	_ =	shalt  }
0x60: {  	_ =	shalt  }
0x61: {  	_ =	shalt  }
0x62: {  	_ =	shalt  }
0x63: {  	_ =	shalt  }
0x64: {  	_ =	shalt  }
0x65: {  	_ =	shalt  }
0x66: {  	_ =	shalt  }
0x67: {  	_ =	shalt  }
0x68: {  	_ =	shalt  }
0x69: {  	_ =	shalt  }
0x6a: {  	_ =	shalt  }
0x6b: {  	_ =	shalt  }
0x6c: {  	_ =	shalt  }
0x6d: {  	_ =	shalt  }
0x6e: {  	_ =	shalt  }
0x6f: {  	_ =	shalt  }
0x70: {  	_ =	shalt  }
0x71: {  	_ =	shalt  }
0x72: {  	_ =	shalt  }
0x73: {  	_ =	shalt  }
0x74: {  	_ =	shalt  }
0x75: {  	_ =	shalt  }
0x76: {  	_ =	shalt  }
0x77: {  	_ =	shalt  }
0x78: {  	_ =	shalt  }
0x79: {  	_ =	shalt  }
0x7a: {  	_ =	shalt  }
0x7b: {  	_ =	shalt  }
0x7c: {  	_ =	shalt  }
0x7d: {  	_ =	shalt  }
0x7e: {  	_ =	shalt  }
0x7f: {  	_ =	shalt  }
0x80: {  	_ =	shalt  }
0x81: {  	_ =	shalt  }
0x82: {  	_ =	shalt  }
0x83: {  	_ =	shalt  }
0x84: {  	_ =	shalt  }
0x85: {  	_ =	shalt  }
0x86: {  	_ =	shalt  }
0x87: {  	_ =	shalt  }
.Lfunc_end0:
.L_simem_size_0:
called_computation.1_lowered:
.L_overlay_start_0:
0x88: {  	s2 =	sld [smem:$0x3FD9]  }
0x89: {  	s3 =	sld [smem:$0x3FFE];
	_ =	sdelay $0x1  }
0x8a: {  	s1 =	srdreg.scid  }
0x8b: {  	s0 =	sand.u32 $0x1, s1  }
0x8c: {  	s17 =	sshll.u32 s0, $0xA;
	s2 =	sadd.s32 s3, s2  }
0x8d: {  	s2 =	sadd.s32 s2, s17  }
0x8e: {  	[smem:$0x3FBB] =	sst s2  }
0x8f: {  	_ = 	snop  }
0x90: {  	s2 =	sld [smem:$0x3FD0];
	(tm) =	ssettm $0x1  }
0x91: {  	s18 =	sld [smem:$0x3FFB];
	_ =	sdelay $0x3  }
0x92: {  	_ =	strace s18  }
0x93: {  	s3 =	sld [smem:$0x3FFC];
	_ =	sdelay $0x3  }
0x94: {  	_ =	strace s3  }
0x95: {  	s3 =	sld [smem:$0x3FFD];
	_ =	sdelay $0x3  }
0x96: {  	_ =	strace s3  }
0x97: {  	_ =	strace $0x8FFFFFFF  }
0x98: {  	s19 =	sld [smem:$0x3FDB];
	_ =	sdelay $0x1  }
0x99: {  	s4 =	simm.s32 $_scs_section_size  }
0x9a: {  	s5 =	simm.s32 $_size__tile_overlayer_lowered;
	s6 =	simm.s32 $_tile_overlayer_lowered  }
0x9b: {  	s22 =	simm.s32 $0x1BFF;
	s21 =	sshll.u32 s6, $0x1;
	s3 =	sadd.s32 s4, s19  }
0x9c: {  	s7 =	simm.s32 $0x0;
	s20 =	sshll.u32 s5, $0x1;
	s5 =	sadd.s32 s21, s3  }
0x9d: {  	[timem:s7], [sflag:s22] =	dma.local [hbm:s5], s20  }
0x9e: {  	_ =	swait.ge [sflag:s22], s20  }
0x9f: {  	s4 =	ssub.s32 $0x0, s20;
	[sflag:s22] =	ssyncset.done $0x0  }
0xa0: {  	[sflag:s22] =	ssyncadd.s32 s4;
	_ =	sdelay $0x1  }
0xa1: {  	s23 =	simm.s32 $0x1B8B  }
0xa2: {  	_ =	swait.ge [sflag:s23], $0x1  }
0xa3: {  	[sflag:s23] =	ssyncset.done $0x0  }
0xa4: {  	s25 =	simm.s32 $0x1B8E;
	s24 =	sld [smem:$0x3FFE];
	[sflag:s23] =	ssyncadd.s32 $0xFFFFFFFF  }
0xa5: {  	s26 =	simm.s32 $execute0_lowered;
	[smem:$0x3FD2] =	sst s25  }
0xa6: {  	s5 =	sshll.u32 s26, $0x1;
	_ =	strace $0x80000049;
	[dreg:$0x1] =	wrdreg $0xFFFFFFFF  }
0xa7: {  	s28 =	simm.s32 $_size_execute0_lowered;
	s3 =	sadd.s32 s3, s5;
	[dreg:$0x0] =	wrdreg $0x0  }
0xa8: {  	s5 =	sshll.u32 s28, $0x1;
	[dreg:$0x2] =	wrdreg s3  }
0xa9: {  	[dreg:$0x3] =	wrdreg s5  }
0xaa: {  	[dreg:$0x4] =	wrdreg $0xC0  }
0xab: {  	_ =	task [dreg:s7], $0x5FFFF  }
0xac: {  	[dreg:$0x1] =	wrdreg $0xFFFFFFFF  }
0xad: {  	[dreg:$0x0] =	wrdreg $0x60  }
0xae: {  	[dreg:$0x2] =	wrdreg s24  }
0xaf: {  	[dreg:$0x3] =	wrdreg s2  }
0xb0: {  	[dreg:$0x4] =	wrdreg $0xA9800  }
0xb1: {  	[dreg:$0x5] =	wrdreg $0x1E9800  }
0xb2: {  	[dreg:$0x6] =	wrdreg $0x9  }
0xb3: {  	_ =	task.clear_ibuf [dreg:s7], $0x7FFFF;
	_ =	strace $0x90000049  }
0xb4: {  	s29 =	simm.s32 $0x9;
	_ =	strace $0x8000004B  }
0xb5: {  	_ =	swait.ge [sflag:s29], $0x1  }
0xb6: {  	[sflag:s29] =	ssyncadd.s32 $0xFFFFFFFF  }
0xb7: {  	_ =	strace $0x9000004B  }
0xb8: {  	_ =	sfence  }
0xb9: {  	s30 =	sld [smem:$0x0];
	_ =	sdelay $0x2  }
0xba: {  	s31 =	sshll.u32 s1, $0xD;
	s1 =	sshrl.u32 s1, $0x2  }
0xbb: {  	s3 =	sand.u32 $0x4000, s31;
	s1 =	sadd.s32 s1, s30  }
0xbc: {  	s0 =	sor.u32 s3, s0;
	s1 =	sshll.u32 s1, $0x11  }
0xbd: {  	s0 =	sor.u32 s1, s0  }
0xbe: {  	s0 =	sadd.s32 $0x8F2B, s0  }
0xbf: {  	[sflag:s0] =	ssyncadd.remote.s32 $0x1  }
0xc0: {  	_ =	sfence.sel $0xFFFF  }
0xc1: {  	[dreg:$0x0] =	wrdreg $0xFFFFFFFF;
	(pc) =	sbr.abs _section_cstart, $3  }
0xc2: {  	[dreg:$0x1] =	wrdreg $0xFFFFFFFF  }
0xc3: {  	_ =	task.clear_ibuf [dreg:s7], $0x2FFFF;
	_ =	strace $0x9FFFFFFF  }
0xc4: {  	(tm) =	ssettm $0x7FFFFFFF  }
0xc5: {  	_ =	shalt  }
tec
execute0_lowered:
.L_overlay_start_1:
0x0: {  	(tag) =	ssettag $0x1  }
0x1: {  	s0 =	rddreg [dreg:$0x0]  }
0x2: {  	s2 =	rddreg [dreg:$0x1]  }
0x3: {  	s1 =	rddreg [dreg:$0x2]  }
0x4: {  	s11 =	rddreg [dreg:$0x3];
	s3 =	simm.s32 $0x0;
	s6 =	srdreg.scid  }
0x5: {  	s19 =	stileid.u32;
	s28 =	simm.s32 $0x4;
	s31 =	simm.s32 $0x0  }
0x6: {  	[smem:$0x7FF] =	sst s3;
	s4 =	sadd.s32 $0x538A00, s0;
	s13 =	sadd.s32 $0x7800, s0  }
0x7: {  	s5 =	sadd.s32 $0x2800, s0;
	s12 =	sand.u32 $0x1, s6;
	s10 =	smul.u32 $0x50000, s19  }
0x8: {  	s9 =	sshll.u32 s19, $0x1;
	s30 =	sshll.u32 s19, $0x6;
	s22 =	smul.u32 $0x2800, s19  }
0x9: {  	s21 =	smul.u32 $0x28000, s19;
	s25 =	sshll.u32 s19, $0x7;
	p0 =	sgt.u32 s19, $0x9  }
0xa: {  	_ =	strace $0x8000004A;
	s6 =	smul.u32 $0x28000, s12;
	s7 =	ssub.s32 $0x2, s12  }
0xb: {  	s26 =	sor.u32 s12, s9;
	s23 =	smul.u32 $0x14000, s12;
	s8 =	sshrl.u32 s7, $0x1  }
0xc: {  	s9 =	smul.u32 $0x1400, s26;
	s29 =	sshrl.u32 s10, $0x2;
	s10 =	sshll.u32 s19, $0xA  }
0xd: {  	s17 =	smul.u32 $0x14000, s26;
	s19 =	simm.s32 $0x100;
	s0 =	sadd.s32 s6, s0  }
0xe: {  	s14 =	ssub.s32 s7, s8;
	s16 =	sadd.s32 s29, s1;
	s7 =	sadd.s32 s10, s11  }
0xf: {  	s6 =	sor.u32 $0x1C05, s30;
	[dreg:$0x5] =	wrdreg s7;
	s15 =	sshrl.u32 s9, $0x3  }
0x10: {  	s0 =	sadd.s32 $0xC800, s0;
	s8 =	sadd.s32 s13, s15;
	s15 =	sor.u32 $0x80, s9  }
0x11: {  	s9 =	sadd.s32 s4, s17;
	s17 =	smul.u32 $0x500, s12;
	s18 =	sshrl.u32 s15, $0x3  }
0x12: {  	s16 =	sshrl.u32 s16, $0x3;
	s20 =	sshll.u32 s15, $0x4;
	s10 =	sadd.s32 s13, s18  }
0x13: {  	s11 =	sadd.s32 s4, s20;
	s18 =	smul.u32 $0x1400, s12;
	s24 =	sadd.s32 s2, s17  }
0x14: {  	s12 =	smax.u32 s14, $0x1;
	s4 =	sadd.s32 s21, s4;
	s17 =	simm.s32 $0x5  }
0x15: {  	s20 =	simm.s32 $0x80;
	s21 =	simm.s32 $0x4100;
	s2 =	sadd.s32 s23, s4  }
.Ltmp0:
0x16: {  	s23 =	simm.s32 $0x1;
	s24 =	sadd.s32 @!p0 s25, s24;
	(pc) =	sbr.rel .LBB2_1-.Ltmp0, $4  }
0x17: {  	s25 =	simm.s32 $0x2;
	s26 =	sadd.s32 s18, s22;
	s2 =	sadd.s32 $0x1800, s2  }
0x18: {  	v0 =	vlaneseq.u32;
	s18 =	simm.s32 $0x8100;
	s29 =	sor.u32 $0x180, s26;
	s14 =	sor.u32 $0x100, s26  }
0x19: {  	v5 =	vimm.f32 $1.000000000e+00;
	v1 =	vor.u32 $0x10, v0;
	s22 =	sadd.s32 s22, s0;
	s4 =	sshrl.u32 s29, $0x3;
	s30 =	sshrl.u32 s14, $0x3  }
0x1a: {  	v2 =	vor.u32 $0x20, v0;
	v3 =	vor.u32 $0x30, v0;
	v4 =	vor.u32 $0x40, v0;
	s26 =	simm.s32 $0x3;
	s14 =	sadd.s32 s4, s13;
	s15 =	sadd.s32 s30, s13  }
.LBB2_4:
0x1b: {  	_ =	swait.ge [sflag:s26], $0x4000  }
0x1c: {  	[sflag:s26] =	ssyncset.done $0x0  }
0x1d: {  	[sflag:s26] =	ssyncadd.s32 $0xFFFFC000  }
0x1e: {  	_ =	swait.ge [sflag:s28], $0x4000  }
0x1f: {  	[sflag:s28] =	ssyncset.done $0x0  }
0x20: {  	[sflag:s28] =	ssyncadd.s32 $0xFFFFC000  }
0x21: {  	s7 =	simm.s32 $0x50;
	s13 =	simm.s32 $0xA900;
	s4 =	rddreg [dreg:$0x3]  }
0x22: {  	[spmem:s4] =	stream.indirect.scatter.add.f32 [tilespmem:s18], [sflag:$0x5], $0x80, s13, s7, $0xb8;
	[tilespmem:$0x1EC00] =	vst v63  }
0x23: {  	_ =	swait.ge [sflag:s17], $0x2800  }
0x24: {  	[sflag:s17] =	ssyncset.done $0x0  }
0x25: {  	[sflag:s17] =	ssyncadd.s32 $0xFFFFD800  }
0x26: {  	[bflag:$0x0] =	sbarrier.arrive $0xFFFF  }
0x27: {  	[hbm:s22], [sflag:s6] =	dma.local [spmem:s16], $0x2800  }
0x28: {  	_ =	swait.ge [sflag:s17], $0x2800  }
0x29: {  	s31 =	sadd.s32 $0x1, s31;
	[sflag:s17] =	ssyncset.done $0x0  }
0x2a: {  	p1 =	sne.s32 s31, s12;
	[sflag:s17] =	ssyncadd.s32 $0xFFFFD800  }
0x2b: {  	[hbm:s24], [sflag:s6] =	dma.local @!p0 [spmem:s0], $0x80  }
.Ltmp1:
0x2c: {  	_ = 	snop;
	(pc) =	sbr.rel @!p1 .LBB2_5-.Ltmp1, $4  }
0x2d: {  	s0 =	simm.s32 @!p0 $0x5  }
0x2e: {  	_ =	swait.ge @!p0 [sflag:s0], $0x80  }
0x2f: {  	[sflag:s0] =	ssyncset.done @!p0 $0x0  }
0x30: {  	[sflag:s0] =	ssyncadd.s32 @!p0 $0xFFFFFF80  }
.LBB2_1:
0x31: {  	[spmem:s16], [sflag:s6] =	dma.local [hbm:s5], $0x2800  }
0x32: {  	_ =	swait.ge [sflag:s17], $0x2800  }
0x33: {  	[sflag:s17] =	ssyncset.done $0x0  }
0x34: {  	[sflag:s17] =	ssyncadd.s32 $0xFFFFD800  }
0x35: {  	[tilespmem:s18], [sflag:$0x5] =	stream.linear.gather [hbm4b:s5+s3], $0x2800, $0x38;
	[tilespmem:$0x1EC00] =	vst v63  }
0x36: {  	_ =	swait.ge [sflag:s17], $0x2800  }
0x37: {  	[sflag:s17] =	ssyncset.done $0x0;
	s0 =	rddreg [dreg:$0x5]  }
0x38: {  	s4 =	simm.s32 @!p0 $0x5;
	[sflag:s17] =	ssyncadd.s32 $0xFFFFD800;
	s0 =	sshrl.u32 @!p0 s0, $0x3  }
0x39: {  	[spmem:s0], [sflag:s6] =	dma.local @!p0 [hbm:s5], $0x80  }
0x3a: {  	_ =	swait.ge @!p0 [sflag:s4], $0x80  }
0x3b: {  	[sflag:s4] =	ssyncset.done @!p0 $0x0  }
0x3c: {  	[sflag:s4] =	ssyncadd.s32 @!p0 $0xFFFFFF80  }
0x3d: {  	[tilespmem:$0xA900] =	vst v0  }
0x3e: {  	[tilespmem:$0xA910] =	vst v1  }
0x3f: {  	[tilespmem:$0xA920] =	vst v2  }
0x40: {  	[tilespmem:$0xA930] =	vst v3  }
0x41: {  	[tilespmem:$0xA940] =	vst v4  }
0x42: {  	[bflag:$0x0] =	sbarrier.arrive $0xFFFF  }
0x43: {  	[tilespmem:s3], [sflag:$0x1] =	stream.linear.gather [hbm4b:s8+s3], $0x80, $0x38;
	[tilespmem:$0x1EC00] =	vst v63  }
0x44: {  	_ = 	snop  }
0x45: {  	[tilespmem:s19], [sflag:$0x1] =	stream.linear.gather [hbm4b:s9+s3], $0x4000, $0x38;
	[tilespmem:$0x1EC00] =	vst v63  }
0x46: {  	_ = 	snop  }
0x47: {  	[tilespmem:s20], [sflag:$0x2] =	stream.linear.gather [hbm4b:s10+s3], $0x80, $0x38;
	[tilespmem:$0x1EC00] =	vst v63  }
0x48: {  	s13 =	smov.u32 s2;
	s4 =	simm.s32 $0x0  }
0x49: {  	[tilespmem:s21], [sflag:$0x2] =	stream.linear.gather [hbm4b:s11+s3], $0x4000, $0x38;
	[tilespmem:$0x1EC00] =	vst v63  }
.LBB2_2:
0x4a: {  	_ =	swait.ge [sflag:s23], $0x80  }
0x4b: {  	[sflag:s23] =	ssyncset.done $0x0  }
0x4c: {  	[sflag:s23] =	ssyncadd.s32 $0xFFFFFF80  }
0x4d: {  	_ =	swait.ge [sflag:s23], $0x4000  }
0x4e: {  	[sflag:s23] =	ssyncset.done $0x0  }
0x4f: {  	[sflag:s23] =	ssyncadd.s32 $0xFFFFC000  }
0x50: {  	[spmem:s1] =	stream.indirect.scatter.add.f32 [tilespmem:s19], [sflag:$0x3], $0x80, s3, s20, $0xb8;
	[tilespmem:$0x1EC00] =	vst v63  }
0x51: {  	v6 =	vld [tilespmem:$0x0];
	_ =	sdelay $0x7  }
0x52: {  	[tilespmem:v6+s18+$0x0] =	vst.idx.add.f32.msk $0xffff, v5  }
0x53: {  	v6 =	vld [tilespmem:$0x10];
	_ =	sdelay $0x7  }
0x54: {  	[tilespmem:v6+s18+$0x0] =	vst.idx.add.f32.msk $0xffff, v5  }
0x55: {  	v6 =	vld [tilespmem:$0x20];
	_ =	sdelay $0x7  }
0x56: {  	[tilespmem:v6+s18+$0x0] =	vst.idx.add.f32.msk $0xffff, v5  }
0x57: {  	v6 =	vld [tilespmem:$0x30];
	_ =	sdelay $0x7  }
0x58: {  	[tilespmem:v6+s18+$0x0] =	vst.idx.add.f32.msk $0xffff, v5  }
0x59: {  	v6 =	vld [tilespmem:$0x40];
	_ =	sdelay $0x7  }
0x5a: {  	[tilespmem:v6+s18+$0x0] =	vst.idx.add.f32.msk $0xffff, v5  }
0x5b: {  	v6 =	vld [tilespmem:$0x50];
	_ =	sdelay $0x7  }
0x5c: {  	[tilespmem:v6+s18+$0x0] =	vst.idx.add.f32.msk $0xffff, v5  }
0x5d: {  	v6 =	vld [tilespmem:$0x60];
	_ =	sdelay $0x7  }
0x5e: {  	[tilespmem:v6+s18+$0x0] =	vst.idx.add.f32.msk $0xffff, v5  }
0x5f: {  	v6 =	vld [tilespmem:$0x70];
	_ =	sdelay $0x6  }
0x60: {  	p1 =	seq.s32 s4, $0x260  }
0x61: {  	s29 =	simm.s32 @!p1 $0x3;
	[tilespmem:v6+s18+$0x0] =	vst.idx.add.f32.msk $0xffff, v5  }
0x62: {  	_ =	swait.ge @!p1 [sflag:s29], $0x4000  }
0x63: {  	[sflag:s29] =	ssyncset.done @!p1 $0x0  }
0x64: {  	s30 =	simm.s32 @!p1 $0x0;
	[sflag:s29] =	ssyncadd.s32 @!p1 $0xFFFFC000;
	s29 =	sadd.s32 @!p1 s4, s15  }
0x65: {  	[tilespmem:s30], [sflag:$0x1] =	stream.linear.gather @!p1 [hbm4b:s29+s30], $0x80, $0x38;
	[tilespmem:$0x1EC00] =	vst v63  }
0x66: {  	s7 =	simm.s32 @!p1 $0x100;
	s29 =	sadd.s32 @!p1 $0xFFFFF800, s13  }
0x67: {  	[tilespmem:s7], [sflag:$0x1] =	stream.linear.gather @!p1 [hbm4b:s29+s30], $0x4000, $0x38;
	[tilespmem:$0x1EC00] =	vst v63  }
0x68: {  	_ =	swait.ge [sflag:s25], $0x80  }
0x69: {  	[sflag:s25] =	ssyncset.done $0x0  }
0x6a: {  	[sflag:s25] =	ssyncadd.s32 $0xFFFFFF80  }
0x6b: {  	_ =	swait.ge [sflag:s25], $0x4000  }
0x6c: {  	[sflag:s25] =	ssyncset.done $0x0  }
0x6d: {  	[sflag:s25] =	ssyncadd.s32 $0xFFFFC000  }
0x6e: {  	[spmem:s1] =	stream.indirect.scatter.add.f32 [tilespmem:s21], [sflag:$0x4], $0x80, s20, s20, $0xb8;
	[tilespmem:$0x1EC00] =	vst v63  }
0x6f: {  	v6 =	vld [tilespmem:$0x80];
	_ =	sdelay $0x7  }
0x70: {  	[tilespmem:v6+s18+$0x0] =	vst.idx.add.f32.msk $0xffff, v5  }
0x71: {  	v6 =	vld [tilespmem:$0x90];
	_ =	sdelay $0x7  }
0x72: {  	[tilespmem:v6+s18+$0x0] =	vst.idx.add.f32.msk $0xffff, v5  }
0x73: {  	v6 =	vld [tilespmem:$0xA0];
	_ =	sdelay $0x7  }
0x74: {  	[tilespmem:v6+s18+$0x0] =	vst.idx.add.f32.msk $0xffff, v5  }
0x75: {  	v6 =	vld [tilespmem:$0xB0];
	_ =	sdelay $0x7  }
0x76: {  	[tilespmem:v6+s18+$0x0] =	vst.idx.add.f32.msk $0xffff, v5  }
0x77: {  	v6 =	vld [tilespmem:$0xC0];
	_ =	sdelay $0x7  }
0x78: {  	[tilespmem:v6+s18+$0x0] =	vst.idx.add.f32.msk $0xffff, v5  }
0x79: {  	v6 =	vld [tilespmem:$0xD0];
	_ =	sdelay $0x7  }
0x7a: {  	[tilespmem:v6+s18+$0x0] =	vst.idx.add.f32.msk $0xffff, v5  }
0x7b: {  	v6 =	vld [tilespmem:$0xE0];
	_ =	sdelay $0x7  }
0x7c: {  	[tilespmem:v6+s18+$0x0] =	vst.idx.add.f32.msk $0xffff, v5  }
0x7d: {  	v6 =	vld [tilespmem:$0xF0];
	_ =	sdelay $0x3  }
.Ltmp2:
0x7e: {  	_ = 	snop;
	(pc) =	sbr.rel @p1 .LBB2_4-.Ltmp2, $2  }
0x7f: {  	_ =	sdelay $0x2  }
0x80: {  	[tilespmem:v6+s18+$0x0] =	vst.idx.add.f32.msk $0xffff, v5  }
0x81: {  	_ =	swait.ge [sflag:s28], $0x4000  }
0x82: {  	[sflag:s28] =	ssyncset.done $0x0  }
.Ltmp3:
0x83: {  	s7 =	sadd.s32 s4, s14;
	[sflag:s28] =	ssyncadd.s32 $0xFFFFC000;
	(pc) =	sbr.rel .LBB2_2-.Ltmp3, $4  }
0x84: {  	[tilespmem:s20], [sflag:$0x2] =	stream.linear.gather [hbm4b:s7+s3], $0x80, $0x38;
	[tilespmem:$0x1EC00] =	vst v63  }
0x85: {  	_ = 	snop  }
0x86: {  	[tilespmem:s21], [sflag:$0x2] =	stream.linear.gather [hbm4b:s13+s3], $0x4000, $0x38;
	[tilespmem:$0x1EC00] =	vst v63  }
0x87: {  	s4 =	sadd.s32 $0x20, s4;
	s13 =	sadd.s32 $0x1000, s13  }
.LBB2_5:
0x88: {  	_ =	sfence.sel $0x180000  }
0x89: {  	[bflag:$0x0] =	sbarrier.arrive $0xFFFF  }
0x8a: {  	_ =	strace $0x9000004A  }
0x8b: {  	s0 =	stileid.u32;
	[bflag:$0x2] =	sbarrier.arrive $0xFFFF  }
0x8c: {  	p0 =	sne.s32 s0, $0x0;
	s0 =	rddreg [dreg:$0x4]  }
0x8d: {  	s0 =	sadd.s32 @!p0 $0x100000, s0  }
0x8e: {  	[sflag:s0] =	ssyncadd.tile.s32 @!p0 $0x1;
	_ =	shalt  }
.Lfunc_end2:
_tile_overlayer_lowered:
.L_overlay_start_2:
0x8f: {  	(tag) =	ssettag $0x2  }
0x90: {  	s0 =	rddreg [dreg:$0x0];
	s2 =	stileid.u32  }
0x91: {  	s1 =	rddreg [dreg:$0x1];
	p0 =	sne.s32 s2, $0x0  }
0x92: {  	s3 =	rddreg [dreg:$0x2];
	[bflag:$0x3] =	sbarrier.arrive $0xFFFF;
	s2 =	simm.s32 @!p0 $0x1C05  }
0x93: {  	[timem:s3], [sflag:s2] =	dma.local @!p0 [hbm:s0], s1  }
0x94: {  	s0 =	simm.s32 @!p0 $0x5  }
0x95: {  	_ =	swait.ge @!p0 [sflag:s0], s1  }
0x96: {  	s1 =	ssub.s32 @!p0 $0x0, s1;
	[sflag:s0] =	ssyncset.done @!p0 $0x0  }
0x97: {  	[sflag:s0] =	ssyncadd.s32 @!p0 s1  }
0x98: {  	[bflag:$0x3] =	sbarrier.arrive $0xFFFF  }
0x99: {  	_ =	shalt  }

// kernel: kernel.7.cloned.1.call-start
scs
__scs_entry_jumppad:
0x0: {  	(pc) =	sbr.rel $0x88, $3  }
0x1: {  	(tag) =	ssettag $0x0;
	lr =	simm.s32 $0x1  }
0x2: {  	[smem:$0x3F94] =	sst lr;
	_ =	strace $0xD0000000  }
0x3: {  	_ = 	snop  }
0x4: {  	_ = 	snop  }
0x5: {  	_ = 	snop  }
0x6: {  	_ = 	snop  }
0x7: {  	_ = 	snop  }
__scs_overlays_trampoline_lowered:
0x8: {  	[smem:$0x3FA3] =	sst s0  }
0x9: {  	[smem:$0x3FA4] =	sst s1  }
0xa: {  	[smem:$0x3FA5] =	sst s2  }
0xb: {  	[smem:$0x3FA6] =	sst s3  }
0xc: {  	[smem:$0x3FA7] =	sst s4  }
0xd: {  	[smem:$0x3FA8] =	sst s5  }
0xe: {  	[smem:$0x3FA9] =	sst s6  }
0xf: {  	[smem:$0x3FAA] =	sst s7  }
0x10: {  	[smem:$0x3FAB] =	sst s8  }
0x11: {  	[smem:$0x3FAC] =	sst s9;
	s0 =	simm.s32 @!p0 $0x0  }
0x12: {  	s1 =	sld [smem:$0x3F92];
	s0 =	simm.s32 @p0 $0x1  }
0x13: {  	[smem:$0x3FAD] =	sst s0;
	s0 =	simm.s32 @!p1 $0x0  }
0x14: {  	s2 =	sld [smem:$0x3F91];
	s0 =	simm.s32 @p1 $0x1  }
0x15: {  	[smem:$0x3FAE] =	sst s0;
	s0 =	simm.s32 @!p2 $0x0  }
0x16: {  	s3 =	sld [smem:$0x3FDB];
	s0 =	simm.s32 @p2 $0x1  }
0x17: {  	s4 =	simm.s32 $0x1BF5;
	[smem:$0x3FB0] =	sst s0  }
0x18: {  	s0 =	sld [smem:$0x3F93];
	_ =	swait.ge [sflag:s4], $0x0  }
0x19: {  	s7 =	sld [smem:$0x3F94]  }
0x1a: {  	s8 =	sadd.s32 $0xFFFFE003, lr  }
0x1b: {  	s9 =	sadd.s32 $0xFFFFFEF7, lr;
	s5 =	simm.s32 $0xFFFFFFFF;
	p2 =	slt.u32 s8, $0xFFFFF086  }
0x1c: {  	p1 =	slt.u32 s9, $0xF7A;
	s5 =	simm.s32 @!p2 $0x0  }
0x1d: {  	s5 =	simm.s32 @p1 $0x1;
	p0 =	seq.s32 s7, s2  }
0x1e: {  	s7 =	smul.u32 @!p0 $0xF7A, s2;
	p2 =	seq.s32 @!p0 s5, $0x0  }
0x1f: {  	s9 =	smul.u32 $0xF7A, s1;
	s8 =	simm.s32 @!p0 $0x1BF5;
	p2 =	por !p2, p0  }
0x20: {  	[sflag:s8] =	ssyncset.s32 @!p0 $0xFFFFF086;
	s6 =	sadd.s32 @!p0 s3, s7;
	s7 =	simm.s32 @!p0 $0x108  }
0x21: {  	s3 =	sadd.s32 s3, s9;
	s6 =	sadd.s32 @!p0 $0x88, s6;
	s7 =	simm.s32 @p2 $0x1082  }
0x22: {  	[simem:s7], [sflag:s8] =	dma.local @!p0 [hbm:s6], $0xF7A  }
0x23: {  	s9 =	sor.u32 $0xD0000000, s2;
	s6 =	simm.s32 $0x108;
	_ =	swait.ge @!p0 [sflag:s8], $0x0  }
0x24: {  	s3 =	sadd.s32 $0x88, s3;
	s6 =	simm.s32 @!p1 $0x1082;
	[sflag:s4] =	ssyncset.s32 $0xFFFFF086  }
0x25: {  	[simem:s6], [sflag:s4] =	dma.local [hbm:s3], $0xF7A  }
0x26: {  	[smem:$0x3F94] =	sst s1;
	(tag) =	ssettag s2;
	_ =	strace s9  }
0x27: {  	s1 =	sld [smem:$0x3FA4]  }
0x28: {  	s2 =	sld [smem:$0x3FA5]  }
0x29: {  	s4 =	sld [smem:$0x3FA7]  }
0x2a: {  	p0 =	seq.s32 s5, $0x0;
	s5 =	sld [smem:$0x3FA8]  }
0x2b: {  	s6 =	sld [smem:$0x3FA9]  }
0x2c: {  	s7 =	sld [smem:$0x3FAA]  }
0x2d: {  	s3 =	simm.s32 $0x108;
	s8 =	sld [smem:$0x3FAB]  }
0x2e: {  	s3 =	simm.s32 @!p0 $0x1082;
	s9 =	sld [smem:$0x3FAC]  }
0x2f: {  	lr =	sadd.s32 s0, s3;
	s0 =	sld [smem:$0x3FA3]  }
0x30: {  	s3 =	sld [smem:$0x3FA6]  }
0x31: {  	[smem:$0x3FAF] =	sst s10  }
0x32: {  	s10 =	sld [smem:$0x3FAD];
	_ =	sdelay $0x3  }
0x33: {  	p0 =	seq.s32 s10, $0x1;
	s10 =	sld [smem:$0x3FAF];
	_ =	sdelay $0x3  }
0x34: {  	[smem:$0x3FAF] =	sst s10  }
0x35: {  	s10 =	sld [smem:$0x3FAE];
	_ =	sdelay $0x3  }
0x36: {  	p1 =	seq.s32 s10, $0x1;
	s10 =	sld [smem:$0x3FAF];
	_ =	sdelay $0x3  }
0x37: {  	[smem:$0x3FAF] =	sst s10  }
0x38: {  	s10 =	sld [smem:$0x3FB0]  }
0x39: {  	_ = 	snop;
	(pc) =	sbr.ind lr, $3  }
0x3a: {  	_ = 	snop  }
0x3b: {  	_ = 	snop  }
0x3c: {  	p2 =	seq.s32 s10, $0x1;
	s10 =	sld [smem:$0x3FAF]  }
0x3d: {  	_ =	shalt  }
0x3e: {  	_ =	shalt  }
0x3f: {  	_ =	shalt  }
0x40: {  	_ =	shalt  }
0x41: {  	_ =	shalt  }
0x42: {  	_ =	shalt  }
0x43: {  	_ =	shalt  }
0x44: {  	_ =	shalt  }
0x45: {  	_ =	shalt  }
0x46: {  	_ =	shalt  }
0x47: {  	_ =	shalt  }
0x48: {  	_ =	shalt  }
0x49: {  	_ =	shalt  }
0x4a: {  	_ =	shalt  }
0x4b: {  	_ =	shalt  }
0x4c: {  	_ =	shalt  }
0x4d: {  	_ =	shalt  }
0x4e: {  	_ =	shalt  }
0x4f: {  	_ =	shalt  }
0x50: {  	_ =	shalt  }
0x51: {  	_ =	shalt  }
0x52: {  	_ =	shalt  }
0x53: {  	_ =	shalt  }
0x54: {  	_ =	shalt  }
0x55: {  	_ =	shalt  }
0x56: {  	_ =	shalt  }
0x57: {  	_ =	shalt  }
0x58: {  	_ =	shalt  }
0x59: {  	_ =	shalt  }
0x5a: {  	_ =	shalt  }
0x5b: {  	_ =	shalt  }
0x5c: {  	_ =	shalt  }
0x5d: {  	_ =	shalt  }
0x5e: {  	_ =	shalt  }
0x5f: {  	_ =	shalt  }
0x60: {  	_ =	shalt  }
0x61: {  	_ =	shalt  }
0x62: {  	_ =	shalt  }
0x63: {  	_ =	shalt  }
0x64: {  	_ =	shalt  }
0x65: {  	_ =	shalt  }
0x66: {  	_ =	shalt  }
0x67: {  	_ =	shalt  }
0x68: {  	_ =	shalt  }
0x69: {  	_ =	shalt  }
0x6a: {  	_ =	shalt  }
0x6b: {  	_ =	shalt  }
0x6c: {  	_ =	shalt  }
0x6d: {  	_ =	shalt  }
0x6e: {  	_ =	shalt  }
0x6f: {  	_ =	shalt  }
0x70: {  	_ =	shalt  }
0x71: {  	_ =	shalt  }
0x72: {  	_ =	shalt  }
0x73: {  	_ =	shalt  }
0x74: {  	_ =	shalt  }
0x75: {  	_ =	shalt  }
0x76: {  	_ =	shalt  }
0x77: {  	_ =	shalt  }
0x78: {  	_ =	shalt  }
0x79: {  	_ =	shalt  }
0x7a: {  	_ =	shalt  }
0x7b: {  	_ =	shalt  }
0x7c: {  	_ =	shalt  }
0x7d: {  	_ =	shalt  }
0x7e: {  	_ =	shalt  }
0x7f: {  	_ =	shalt  }
0x80: {  	_ =	shalt  }
0x81: {  	_ =	shalt  }
0x82: {  	_ =	shalt  }
0x83: {  	_ =	shalt  }
0x84: {  	_ =	shalt  }
0x85: {  	_ =	shalt  }
0x86: {  	_ =	shalt  }
0x87: {  	_ =	shalt  }
.Lfunc_end0:
.L_simem_size_0:
called_computation_lowered:
.L_overlay_start_0:
0x88: {  	s2 =	sld [smem:$0x3FD9]  }
0x89: {  	s3 =	sld [smem:$0x3FFE];
	_ =	sdelay $0x1  }
0x8a: {  	s1 =	srdreg.scid  }
0x8b: {  	s0 =	sand.u32 $0x1, s1  }
0x8c: {  	s17 =	sshll.u32 s0, $0xA;
	s2 =	sadd.s32 s3, s2  }
0x8d: {  	s2 =	sadd.s32 s2, s17  }
0x8e: {  	[smem:$0x3FBB] =	sst s2  }
0x8f: {  	_ = 	snop  }
0x90: {  	s2 =	sld [smem:$0x3FC9];
	(tm) =	ssettm $0x1  }
0x91: {  	s18 =	sld [smem:$0x3FFB];
	_ =	sdelay $0x3  }
0x92: {  	_ =	strace s18  }
0x93: {  	s3 =	sld [smem:$0x3FFC];
	_ =	sdelay $0x3  }
0x94: {  	_ =	strace s3  }
0x95: {  	s3 =	sld [smem:$0x3FFD];
	_ =	sdelay $0x3  }
0x96: {  	_ =	strace s3  }
0x97: {  	_ =	strace $0x8FFFFFFF  }
0x98: {  	s19 =	sld [smem:$0x3FDB];
	_ =	sdelay $0x1  }
0x99: {  	s4 =	simm.s32 $_scs_section_size  }
0x9a: {  	s5 =	simm.s32 $_size__tile_overlayer_lowered;
	s6 =	simm.s32 $_tile_overlayer_lowered  }
0x9b: {  	s22 =	simm.s32 $0x1BFF;
	s21 =	sshll.u32 s6, $0x1;
	s3 =	sadd.s32 s4, s19  }
0x9c: {  	s7 =	simm.s32 $0x0;
	s20 =	sshll.u32 s5, $0x1;
	s5 =	sadd.s32 s21, s3  }
0x9d: {  	[timem:s7], [sflag:s22] =	dma.local [hbm:s5], s20  }
0x9e: {  	_ =	swait.ge [sflag:s22], s20  }
0x9f: {  	s4 =	ssub.s32 $0x0, s20;
	[sflag:s22] =	ssyncset.done $0x0  }
0xa0: {  	[sflag:s22] =	ssyncadd.s32 s4;
	_ =	sdelay $0x1  }
0xa1: {  	s23 =	simm.s32 $0x1B8B  }
0xa2: {  	_ =	swait.ge [sflag:s23], $0x1  }
0xa3: {  	[sflag:s23] =	ssyncset.done $0x0  }
0xa4: {  	s25 =	simm.s32 $0x1B8E;
	s24 =	sld [smem:$0x3FFE];
	[sflag:s23] =	ssyncadd.s32 $0xFFFFFFFF  }
0xa5: {  	s26 =	simm.s32 $execute0_lowered;
	[smem:$0x3FD2] =	sst s25  }
0xa6: {  	s5 =	sshll.u32 s26, $0x1;
	_ =	strace $0x80000046;
	[dreg:$0x1] =	wrdreg $0xFFFFFFFF  }
0xa7: {  	s28 =	simm.s32 $_size_execute0_lowered;
	s3 =	sadd.s32 s3, s5;
	[dreg:$0x0] =	wrdreg $0x0  }
0xa8: {  	s5 =	sshll.u32 s28, $0x1;
	[dreg:$0x2] =	wrdreg s3  }
0xa9: {  	[dreg:$0x3] =	wrdreg s5  }
0xaa: {  	[dreg:$0x4] =	wrdreg $0xC0  }
0xab: {  	_ =	task [dreg:s7], $0x5FFFF  }
0xac: {  	[dreg:$0x1] =	wrdreg $0xFFFFFFFF  }
0xad: {  	[dreg:$0x0] =	wrdreg $0x60  }
0xae: {  	[dreg:$0x2] =	wrdreg s2  }
0xaf: {  	[dreg:$0x3] =	wrdreg s24  }
0xb0: {  	[dreg:$0x4] =	wrdreg $0x9  }
0xb1: {  	_ =	task.clear_ibuf [dreg:s7], $0x5FFFF;
	_ =	strace $0x90000046  }
0xb2: {  	s29 =	simm.s32 $0x9;
	_ =	strace $0x80000048  }
0xb3: {  	_ =	swait.ge [sflag:s29], $0x1  }
0xb4: {  	[sflag:s29] =	ssyncadd.s32 $0xFFFFFFFF  }
0xb5: {  	_ =	strace $0x90000048  }
0xb6: {  	_ =	sfence  }
0xb7: {  	s30 =	sld [smem:$0x0];
	_ =	sdelay $0x2  }
0xb8: {  	s31 =	sshll.u32 s1, $0xD;
	s1 =	sshrl.u32 s1, $0x2  }
0xb9: {  	s3 =	sand.u32 $0x4000, s31;
	s1 =	sadd.s32 s1, s30  }
0xba: {  	s0 =	sor.u32 s3, s0;
	s1 =	sshll.u32 s1, $0x11  }
0xbb: {  	s0 =	sor.u32 s1, s0  }
0xbc: {  	s0 =	sadd.s32 $0x8F2B, s0  }
0xbd: {  	[sflag:s0] =	ssyncadd.remote.s32 $0x1  }
0xbe: {  	_ =	sfence.sel $0xFFFF  }
0xbf: {  	[dreg:$0x0] =	wrdreg $0xFFFFFFFF;
	(pc) =	sbr.abs _section_cstart, $3  }
0xc0: {  	[dreg:$0x1] =	wrdreg $0xFFFFFFFF  }
0xc1: {  	_ =	task.clear_ibuf [dreg:s7], $0x2FFFF;
	_ =	strace $0x9FFFFFFF  }
0xc2: {  	(tm) =	ssettm $0x7FFFFFFF  }
0xc3: {  	_ =	shalt  }
tec
execute0_lowered:
.L_overlay_start_1:
0x0: {  	(tag) =	ssettag $0x1  }
0x1: {  	s0 =	srdreg.scid  }
0x2: {  	s2 =	rddreg [dreg:$0x0];
	s13 =	stileid.u32  }
0x3: {  	s1 =	rddreg [dreg:$0x1];
	s3 =	simm.s32 $0x0;
	s6 =	simm.s32 $0x3A  }
0x4: {  	s17 =	simm.s32 $0xBA00;
	s18 =	simm.s32 $0x7A00;
	s20 =	simm.s32 $0xFA00  }
0x5: {  	s21 =	simm.s32 $0x1;
	s22 =	simm.s32 $0x2;
	s23 =	simm.s32 $0x3  }
0x6: {  	s24 =	simm.s32 $0x4;
	s0 =	sand.u32 $0x1, s0;
	s5 =	smul.u32 $0x2800, s13  }
0x7: {  	[smem:$0x7FF] =	sst s3;
	s7 =	sadd.s32 $0x2B8A00, s1;
	s13 =	smul.u32 $0x28000, s13  }
0x8: {  	s4 =	ssub.s32 $0x0, s0;
	_ =	strace $0x80000047;
	s8 =	ssub.s32 $0x2, s0  }
0x9: {  	p0 =	seq.s32 s0, $0x0;
	s12 =	sand.u32 $0x1D00, s4;
	s4 =	sadd.s32 $0xC800, s1  }
0xa: {  	s11 =	sshrl.u32 s8, $0x1;
	s6 =	simm.s32 @!p0 $0x16;
	s14 =	sadd.s32 s13, s7  }
0xb: {  	p0 =	sne.s32 s0, $0x0;
	s10 =	sadd.s32 s5, s12;
	s25 =	ssub.s32 s8, s11  }
0xc: {  	s26 =	sshll.u32 s6, $0xB;
	s15 =	sshll.u32 s12, $0x4;
	s5 =	sshrl.u32 s10, $0x3  }
0xd: {  	s10 =	sshll.u32 s10, $0x7;
	s11 =	smax.u32 s25, $0x1;
	s28 =	sadd.s32 s15, s14  }
0xe: {  	s25 =	simm.s32 $0x0;
	s9 =	sadd.s32 s5, s1;
	s5 =	sadd.s32 $0x38A00, s1  }
0xf: {  	s1 =	sadd.s32 $0xFFFFF000, s26;
	s29 =	sshrl.u32 s10, $0x3;
	s12 =	sadd.s32 $0x800, s28  }
0x10: {  	s8 =	sadd.s32 $0x33A00, s9;
	[dreg:$0x5] =	wrdreg s1;
	s31 =	sadd.s32 s29, s7  }
0x11: {  	s30 =	sadd.s32 s13, s5;
	s14 =	sadd.s32 s29, s5;
	[dreg:$0x4] =	wrdreg s31  }
0x12: {  	s9 =	sadd.s32 $0x2800, s9;
	s1 =	sadd.s32 s15, s30;
	[dreg:$0x3] =	wrdreg s14  }
0x13: {  	s14 =	simm.s32 $0x80;
	s15 =	simm.s32 $0x3A00;
	s13 =	sadd.s32 $0x800, s1  }
.LBB2_1:
0x14: {  	s0 =	simm.s32 @p0 $0x0;
	s1 =	simm.s32 @p0 $0x5  }
0x15: {  	[tilespmem:s0], [sflag:$0x5] =	stream.linear.gather @p0 [hbm4b:s8+s0], $0xB00, $0x38;
	[tilespmem:$0x13A00] =	vst v63  }
0x16: {  	_ =	swait.ge @p0 [sflag:s1], $0xB00  }
0x17: {  	[sflag:s1] =	ssyncset.done @p0 $0x0  }
0x18: {  	s26 =	simm.s32 @p0 $0x1D00;
	[sflag:s1] =	ssyncadd.s32 @p0 $0xFFFFF500  }
0x19: {  	[tilespmem:s26], [sflag:$0x5] =	stream.linear.gather @p0 [hbm4b:s9+s0], $0xB00, $0x38;
	[tilespmem:$0x13A00] =	vst v63  }
0x1a: {  	_ =	swait.ge @p0 [sflag:s1], $0xB00  }
0x1b: {  	[sflag:s1] =	ssyncset.done @p0 $0x0  }
0x1c: {  	s0 =	simm.s32 @!p0 $0x0;
	[sflag:s1] =	ssyncadd.s32 @p0 $0xFFFFF500;
	s1 =	simm.s32 @!p0 $0x5  }
0x1d: {  	[tilespmem:s0], [sflag:$0x5] =	stream.linear.gather @!p0 [hbm4b:s8+s0], $0x1D00, $0x38;
	[tilespmem:$0x13A00] =	vst v63  }
0x1e: {  	_ =	swait.ge @!p0 [sflag:s1], $0x1D00  }
0x1f: {  	[sflag:s1] =	ssyncset.done @!p0 $0x0  }
0x20: {  	s26 =	simm.s32 @!p0 $0x1D00;
	[sflag:s1] =	ssyncadd.s32 @!p0 $0xFFFFE300  }
0x21: {  	[tilespmem:s26], [sflag:$0x5] =	stream.linear.gather @!p0 [hbm4b:s9+s0], $0x1D00, $0x38;
	[tilespmem:$0x13A00] =	vst v63  }
0x22: {  	_ =	swait.ge @!p0 [sflag:s1], $0x1D00  }
0x23: {  	[sflag:s1] =	ssyncset.done @!p0 $0x0  }
0x24: {  	[sflag:s1] =	ssyncadd.s32 @!p0 $0xFFFFE300  }
0x25: {  	[tilespmem:s15], [sflag:$0x1] =	stream.indirect.gather [hbm4b:s2+s14], $0x80, s3, s14, $0xb8;
	[tilespmem:$0x13A00] =	vst v63  }
0x26: {  	s29 =	simm.s32 $0x1D00  }
0x27: {  	[tilespmem:s17], [sflag:$0x1] =	stream.indirect.gather [hbm4b:s4+s14], $0x80, s29, s14, $0xb8;
	[tilespmem:$0x13A00] =	vst v63  }
0x28: {  	s30 =	simm.s32 $0x1D80;
	s31 =	smov.u32 s10;
	s28 =	simm.s32 $0x0  }
0x29: {  	[tilespmem:s18], [sflag:$0x2] =	stream.indirect.gather [hbm4b:s2+s14], $0x80, s14, s14, $0xb8;
	[tilespmem:$0x13A00] =	vst v63  }
0x2a: {  	s0 =	simm.s32 $0x1E80;
	s26 =	simm.s32 $0x3;
	s1 =	simm.s32 $0x180  }
0x2b: {  	[tilespmem:s20], [sflag:$0x2] =	stream.indirect.gather [hbm4b:s4+s14], $0x80, s30, s14, $0xb8;
	[tilespmem:$0x13A00] =	vst v63  }
.LBB2_2:
0x2c: {  	_ =	swait.ge [sflag:s21], $0x4000  }
0x2d: {  	[sflag:s21] =	ssyncset.done $0x0  }
0x2e: {  	[sflag:s21] =	ssyncadd.s32 $0xFFFFC000  }
0x2f: {  	_ =	swait.ge [sflag:s21], $0x4000  }
0x30: {  	s29 =	rddreg [dreg:$0x3];
	[sflag:s21] =	ssyncset.done $0x0  }
0x31: {  	s30 =	rddreg [dreg:$0x4];
	[sflag:s21] =	ssyncadd.s32 $0xFFFFC000;
	s29 =	sadd.s32 s28, s29  }
0x32: {  	[hbm4b:s29+s3] =	stream.linear.scatter [tilespmem:s15], [sflag:$0x3], $0x4000, $0x38;
	[tilespmem:$0x13A00] =	vst v63  }
0x33: {  	s29 =	sadd.s32 s28, s30  }
0x34: {  	[hbm4b:s29+s3] =	stream.linear.scatter [tilespmem:s17], [sflag:$0x3], $0x4000, $0x38;
	[tilespmem:$0x13A00] =	vst v63  }
0x35: {  	s29 =	sadd.s32 $0xFFFFFFFF, s26  }
0x36: {  	p1 =	sge.u32 s29, s6  }
0x37: {  	s29 =	simm.s32 @!p1 $0x3  }
0x38: {  	_ =	swait.ge @!p1 [sflag:s29], $0x4000  }
0x39: {  	[sflag:s29] =	ssyncset.done @!p1 $0x0  }
0x3a: {  	[sflag:s29] =	ssyncadd.s32 @!p1 $0xFFFFC000  }
0x3b: {  	_ =	swait.ge @!p1 [sflag:s29], $0x4000  }
0x3c: {  	s30 =	smov.u32 s1;
	s1 =	sadd.s32 @!p1 $0xFFFFFF80, s1;
	[sflag:s29] =	ssyncset.done @!p1 $0x0  }
0x3d: {  	s16 =	simm.s32 @!p1 $0x80;
	s19 =	simm.s32 @!p1 $0x3A00;
	[sflag:s29] =	ssyncadd.s32 @!p1 $0xFFFFC000  }
0x3e: {  	[tilespmem:s19], [sflag:$0x1] =	stream.indirect.gather @!p1 [hbm4b:s2+s16], $0x80, s1, s16, $0xb8;
	[tilespmem:$0x13A00] =	vst v63  }
0x3f: {  	s29 =	smov.u32 s0;
	s0 =	sadd.s32 @!p1 $0xFFFFFF80, s0;
	s1 =	simm.s32 @!p1 $0xBA00  }
0x40: {  	[tilespmem:s1], [sflag:$0x1] =	stream.indirect.gather @!p1 [hbm4b:s4+s16], $0x80, s0, s16, $0xb8;
	[tilespmem:$0x13A00] =	vst v63  }
0x41: {  	_ =	swait.ge [sflag:s22], $0x4000  }
0x42: {  	[sflag:s22] =	ssyncset.done $0x0  }
0x43: {  	[sflag:s22] =	ssyncadd.s32 $0xFFFFC000  }
0x44: {  	_ =	swait.ge [sflag:s22], $0x4000  }
0x45: {  	[sflag:s22] =	ssyncset.done $0x0  }
0x46: {  	s1 =	sadd.s32 s28, s13;
	p1 =	sge.u32 s26, s6;
	[sflag:s22] =	ssyncadd.s32 $0xFFFFC000  }
0x47: {  	[hbm4b:s1+s3] =	stream.linear.scatter [tilespmem:s18], [sflag:$0x4], $0x4000, $0x38;
	[tilespmem:$0x13A00] =	vst v63  }
0x48: {  	s16 =	sadd.s32 s28, s12;
	s0 =	simm.s32 @!p1 $0x4  }
0x49: {  	[hbm4b:s16+s3] =	stream.linear.scatter [tilespmem:s20], [sflag:$0x4], $0x4000, $0x38;
	[tilespmem:$0x13A00] =	vst v63  }
0x4a: {  	_ =	swait.ge @!p1 [sflag:s0], $0x4000  }
0x4b: {  	[sflag:s0] =	ssyncset.done @!p1 $0x0  }
0x4c: {  	[sflag:s0] =	ssyncadd.s32 @!p1 $0xFFFFC000  }
0x4d: {  	_ =	swait.ge @!p1 [sflag:s0], $0x4000  }
0x4e: {  	[sflag:s0] =	ssyncset.done @!p1 $0x0  }
0x4f: {  	s1 =	simm.s32 @!p1 $0x7A00;
	[sflag:s0] =	ssyncadd.s32 @!p1 $0xFFFFC000;
	s0 =	simm.s32 @!p1 $0x80  }
0x50: {  	[tilespmem:s1], [sflag:$0x2] =	stream.indirect.gather @!p1 [hbm4b:s2+s0], $0x80, s30, s0, $0xb8;
	[tilespmem:$0x13A00] =	vst v63  }
0x51: {  	s28 =	sadd.s32 $0x1000, s28;
	s19 =	rddreg [dreg:$0x5];
	s1 =	simm.s32 @!p1 $0xFA00  }
0x52: {  	[tilespmem:s1], [sflag:$0x2] =	stream.indirect.gather @!p1 [hbm4b:s4+s0], $0x80, s29, s0, $0xb8;
	[tilespmem:$0x13A00] =	vst v63  }
0x53: {  	p1 =	sne.s32 s19, s28  }
.Ltmp0:
0x54: {  	_ = 	snop;
	(pc) =	sbr.rel @p1 .LBB2_2-.Ltmp0, $3  }
0x55: {  	_ =	sdelay $0x1  }
0x56: {  	s31 =	sadd.s32 $0x8000, s31  }
0x57: {  	s26 =	sadd.s32 $0x2, s26;
	s0 =	sadd.s32 $0x100, s29;
	s1 =	sadd.s32 $0x100, s30  }
0x58: {  	_ =	swait.ge [sflag:s21], $0x4000  }
0x59: {  	[sflag:s21] =	ssyncset.done $0x0  }
0x5a: {  	[sflag:s21] =	ssyncadd.s32 $0xFFFFC000  }
0x5b: {  	_ =	swait.ge [sflag:s21], $0x4000  }
0x5c: {  	s16 =	sshrl.u32 s31, $0x3;
	[sflag:s21] =	ssyncset.done $0x0  }
0x5d: {  	s19 =	sadd.s32 s5, s16;
	[sflag:s21] =	ssyncadd.s32 $0xFFFFC000  }
0x5e: {  	[hbm4b:s19+s3] =	stream.linear.scatter [tilespmem:s15], [sflag:$0x3], $0x4000, $0x38;
	[tilespmem:$0x13A00] =	vst v63  }
0x5f: {  	s19 =	sadd.s32 $0xFFFFFFFF, s26  }
0x60: {  	s16 =	sadd.s32 s7, s16;
	p1 =	sge.u32 s19, s6  }
0x61: {  	[hbm4b:s16+s3] =	stream.linear.scatter [tilespmem:s17], [sflag:$0x3], $0x4000, $0x38;
	[tilespmem:$0x13A00] =	vst v63  }
0x62: {  	s16 =	simm.s32 @!p1 $0x3  }
0x63: {  	_ =	swait.ge @!p1 [sflag:s16], $0x4000  }
0x64: {  	[sflag:s16] =	ssyncset.done @!p1 $0x0  }
0x65: {  	[sflag:s16] =	ssyncadd.s32 @!p1 $0xFFFFC000  }
0x66: {  	_ =	swait.ge @!p1 [sflag:s16], $0x4000  }
0x67: {  	s19 =	simm.s32 @!p1 $0x80;
	[sflag:s16] =	ssyncset.done @!p1 $0x0  }
0x68: {  	[sflag:s16] =	ssyncadd.s32 @!p1 $0xFFFFC000;
	s16 =	sadd.s32 @!p1 $0x80, s30;
	s30 =	simm.s32 @!p1 $0x3A00  }
0x69: {  	[tilespmem:s30], [sflag:$0x1] =	stream.indirect.gather @!p1 [hbm4b:s2+s19], $0x80, s16, s19, $0xb8;
	[tilespmem:$0x13A00] =	vst v63  }
0x6a: {  	s16 =	sadd.s32 @!p1 $0x80, s29;
	s29 =	simm.s32 @!p1 $0xBA00  }
0x6b: {  	[tilespmem:s29], [sflag:$0x1] =	stream.indirect.gather @!p1 [hbm4b:s4+s19], $0x80, s16, s19, $0xb8;
	[tilespmem:$0x13A00] =	vst v63  }
0x6c: {  	_ =	swait.ge [sflag:s22], $0x4000  }
0x6d: {  	[sflag:s22] =	ssyncset.done $0x0  }
0x6e: {  	[sflag:s22] =	ssyncadd.s32 $0xFFFFC000  }
0x6f: {  	_ =	swait.ge [sflag:s22], $0x4000  }
0x70: {  	[sflag:s22] =	ssyncset.done $0x0  }
0x71: {  	s30 =	sadd.s32 s28, s13;
	p1 =	sge.u32 s26, s6;
	[sflag:s22] =	ssyncadd.s32 $0xFFFFC000  }
0x72: {  	[hbm4b:s30+s3] =	stream.linear.scatter [tilespmem:s18], [sflag:$0x4], $0x4000, $0x38;
	[tilespmem:$0x13A00] =	vst v63  }
0x73: {  	s31 =	sadd.s32 s28, s12;
	s16 =	simm.s32 @!p1 $0x4  }
0x74: {  	[hbm4b:s31+s3] =	stream.linear.scatter [tilespmem:s20], [sflag:$0x4], $0x4000, $0x38;
	[tilespmem:$0x13A00] =	vst v63  }
0x75: {  	_ =	swait.ge @!p1 [sflag:s16], $0x4000  }
0x76: {  	[sflag:s16] =	ssyncset.done @!p1 $0x0  }
0x77: {  	[sflag:s16] =	ssyncadd.s32 @!p1 $0xFFFFC000  }
0x78: {  	_ =	swait.ge @!p1 [sflag:s16], $0x4000  }
0x79: {  	[sflag:s16] =	ssyncset.done @!p1 $0x0  }
0x7a: {  	s19 =	simm.s32 @!p1 $0x7A00;
	[sflag:s16] =	ssyncadd.s32 @!p1 $0xFFFFC000;
	s16 =	simm.s32 @!p1 $0x80  }
0x7b: {  	[tilespmem:s19], [sflag:$0x2] =	stream.indirect.gather @!p1 [hbm4b:s2+s16], $0x80, s1, s16, $0xb8;
	[tilespmem:$0x13A00] =	vst v63  }
0x7c: {  	s1 =	simm.s32 @!p1 $0xFA00  }
0x7d: {  	[tilespmem:s1], [sflag:$0x2] =	stream.indirect.gather @!p1 [hbm4b:s4+s16], $0x80, s0, s16, $0xb8;
	[tilespmem:$0x13A00] =	vst v63  }
0x7e: {  	_ =	swait.ge [sflag:s23], $0x4000  }
0x7f: {  	[sflag:s23] =	ssyncset.done $0x0  }
0x80: {  	[sflag:s23] =	ssyncadd.s32 $0xFFFFC000  }
0x81: {  	_ =	swait.ge [sflag:s23], $0x4000  }
0x82: {  	[sflag:s23] =	ssyncset.done $0x0  }
0x83: {  	s25 =	sadd.s32 $0x1, s25;
	[sflag:s23] =	ssyncadd.s32 $0xFFFFC000  }
0x84: {  	p1 =	sne.s32 s25, s11;
	_ =	swait.ge [sflag:s24], $0x4000  }
.Ltmp1:
0x85: {  	[sflag:s24] =	ssyncset.done $0x0;
	(pc) =	sbr.rel @p1 .LBB2_1-.Ltmp1, $4  }
0x86: {  	[sflag:s24] =	ssyncadd.s32 $0xFFFFC000  }
0x87: {  	_ =	swait.ge [sflag:s24], $0x4000  }
0x88: {  	[sflag:s24] =	ssyncset.done $0x0  }
0x89: {  	[sflag:s24] =	ssyncadd.s32 $0xFFFFC000  }
0x8a: {  	_ =	sfence.sel $0x180000  }
0x8b: {  	[bflag:$0x0] =	sbarrier.arrive $0xFFFF  }
0x8c: {  	_ =	strace $0x90000047  }
0x8d: {  	s0 =	stileid.u32;
	[bflag:$0x2] =	sbarrier.arrive $0xFFFF  }
0x8e: {  	p0 =	sne.s32 s0, $0x0;
	s0 =	rddreg [dreg:$0x2]  }
0x8f: {  	s0 =	sadd.s32 @!p0 $0x100000, s0  }
0x90: {  	[sflag:s0] =	ssyncadd.tile.s32 @!p0 $0x1;
	_ =	shalt  }
.Lfunc_end2:
_tile_overlayer_lowered:
.L_overlay_start_2:
0x91: {  	(tag) =	ssettag $0x2  }
0x92: {  	s0 =	rddreg [dreg:$0x0];
	s2 =	stileid.u32  }
0x93: {  	s1 =	rddreg [dreg:$0x1];
	p0 =	sne.s32 s2, $0x0  }
0x94: {  	s3 =	rddreg [dreg:$0x2];
	[bflag:$0x3] =	sbarrier.arrive $0xFFFF;
	s2 =	simm.s32 @!p0 $0x1C05  }
0x95: {  	[timem:s3], [sflag:s2] =	dma.local @!p0 [hbm:s0], s1  }
0x96: {  	s0 =	simm.s32 @!p0 $0x5  }
0x97: {  	_ =	swait.ge @!p0 [sflag:s0], s1  }
0x98: {  	s1 =	ssub.s32 @!p0 $0x0, s1;
	[sflag:s0] =	ssyncset.done @!p0 $0x0  }
0x99: {  	[sflag:s0] =	ssyncadd.s32 @!p0 s1  }
0x9a: {  	[bflag:$0x3] =	sbarrier.arrive $0xFFFF  }
0x9b: {  	_ =	shalt  }

</sc_bundles>
